<compile_context>
chip_gen: v7x
topology: tpu7x:2x2x1
jax: 0.10.2.dev20260603
libtpu: 0.0.44.dev20260713+nightly
codegen_flags: <defaults>
</compile_context>

<pallas_src>
import jax
import jax.numpy as jnp
from jax import lax
from jax.experimental import pallas as pl
from jax.experimental.pallas import tpu as pltpu
from jax.experimental.pallas import tpu_sc as plsc

_NC = 2
_NS = 16
_NW = _NC * _NS
_NBUF = 4


def _sc_body(in_hbm, emb_hbm, out_hbm, bufs, esem, in_sems, out_sems):
    batch, rows, dim = in_hbm.shape
    n_emb = emb_hbm.shape[0]
    per_w = batch // _NW

    wid = lax.axis_index("s") * _NC + lax.axis_index("c")
    base = wid * per_w

    def in_copy(g, i):
        return pltpu.make_async_copy(
            in_hbm.at[base + g],
            bufs[i].at[pl.ds(n_emb, rows)],
            in_sems[i],
        )

    def out_copy(g, i):
        return pltpu.make_async_copy(
            bufs[i],
            out_hbm.at[base + g],
            out_sems[i],
        )

    def emb_copy(i):
        return pltpu.make_async_copy(
            emb_hbm, bufs[i].at[pl.ds(0, n_emb)], esem
        )

    lag = 2
    for g in range(min(_NBUF - lag, per_w)):
        in_copy(g, g).start()
    for i in range(_NBUF):
        emb_copy(i).start()
    for i in range(_NBUF):
        emb_copy(i).wait()

    for g in range(per_w):
        i = g % _NBUF
        if g >= lag:
            out_copy(g - lag, (g - lag) % _NBUF).wait()
        nxt = g + _NBUF - lag
        if nxt < per_w:
            in_copy(nxt, nxt % _NBUF).start()
        in_copy(g, i).wait()
        out_copy(g, i).start()
    for g in range(max(per_w - lag, 0), per_w):
        out_copy(g, g % _NBUF).wait()


@jax.jit
def kernel(inputs, emb_table):
    batch, rows, dim = inputs.shape
    n_emb = emb_table.shape[0]
    out_rows = rows + n_emb
    mesh = plsc.VectorSubcoreMesh(core_axis_name="c", subcore_axis_name="s")
    run = pl.kernel(
        _sc_body,
        out_type=jax.ShapeDtypeStruct((batch, out_rows, dim), inputs.dtype),
        mesh=mesh,
        scratch_types=[
            [pltpu.VMEM((out_rows, dim), inputs.dtype) for _ in range(_NBUF)],
            pltpu.SemaphoreType.DMA,
            [pltpu.SemaphoreType.DMA for _ in range(_NBUF)],
            [pltpu.SemaphoreType.DMA for _ in range(_NBUF)],
        ],
    )
    return run(inputs, emb_table)

# --- scband reference (transcript-rebuilt; emitter-appended) ---
"""Pipeline reference for scband-global-tokens-75591424409970 (READ-ONLY COPY).

The authoritative reference and input builder live on the scoring server;
editing this copy changes nothing except your own understanding.
"""

import jax, jax.numpy as jnp
import numpy as np


def setup_inputs(seed: int = 0) -> dict:
    key = jax.random.key(seed)
    k1, k2 = jax.random.split(key)
    inputs = jax.random.normal(k1, (1024, 200, 128), dtype=jnp.float32)
    # learned parameter: Embedding(input_dim=5, output_dim=128) table
    emb_table = jax.random.normal(k2, (5, 128), dtype=jnp.float32) * 0.05
    return {"inputs": inputs, "emb_table": emb_table}


def reference(inputs, emb_table):
    # Faithful translation of GlobalTokens.call:
    #   token_indices = tf.range(5) tiled over batch
    #   token_embeddings = Embedding(token_indices)  -> gather from table
    #   return concat((token_embeddings, inputs), axis=1)
    batch_size = inputs.shape[0]
    token_indices = jnp.arange(5, dtype=jnp.int32)
    token_embeddings = jnp.take(emb_table, token_indices, axis=0)  # [5, 128]
    token_embeddings = jnp.broadcast_to(
        token_embeddings[None, :, :], (batch_size, 5, emb_table.shape[1])
    )  # tile over batch -> [B, 5, 128]
    return jnp.concatenate((token_embeddings, inputs), axis=1)

if __name__ == "__main__":
    import jax
    _d = setup_inputs()
    print(jax.jit(kernel)(*tuple(_d.values())))

</pallas_src>

<mosaic_0001>
#map = affine_map<(d0, d1) -> (0, 0, 0)>
#map1 = affine_map<(d0, d1) -> (0, 0)>
module attributes {stable_mosaic.version = 14 : i64} {
  func.func @_sc_body(%arg0: i32, %arg1: i32, %arg2: memref<1024x200x128xf32, #tpu.memory_space<hbm>>, %arg3: memref<5x128xf32, #tpu.memory_space<hbm>>, %arg4: memref<1024x205x128xf32, #tpu.memory_space<hbm>>, %arg5: memref<205x128xf32, #tpu.memory_space<vmem>>, %arg6: memref<205x128xf32, #tpu.memory_space<vmem>>, %arg7: memref<205x128xf32, #tpu.memory_space<vmem>>, %arg8: memref<205x128xf32, #tpu.memory_space<vmem>>, %arg9: memref<!tpu.dma_semaphore, #tpu.memory_space<semaphore_mem>>, %arg10: memref<!tpu.dma_semaphore, #tpu.memory_space<semaphore_mem>>, %arg11: memref<!tpu.dma_semaphore, #tpu.memory_space<semaphore_mem>>, %arg12: memref<!tpu.dma_semaphore, #tpu.memory_space<semaphore_mem>>, %arg13: memref<!tpu.dma_semaphore, #tpu.memory_space<semaphore_mem>>, %arg14: memref<!tpu.dma_semaphore, #tpu.memory_space<semaphore_mem>>, %arg15: memref<!tpu.dma_semaphore, #tpu.memory_space<semaphore_mem>>, %arg16: memref<!tpu.dma_semaphore, #tpu.memory_space<semaphore_mem>>, %arg17: memref<!tpu.dma_semaphore, #tpu.memory_space<semaphore_mem>>) attributes {dimension_semantics = [#tpu.dimension_semantics<core_parallel>, #tpu.dimension_semantics<subcore_parallel>], iteration_bounds = array<i64: 2, 16>, scalar_prefetch = 0 : i64, scratch_operands = 13 : i64, tpu.core_type = #tpu.core_type<sc_vector_subcore>, window_params = [{transform_indices = #map}, {transform_indices = #map1}, {transform_indices = #map}]} {
    %mul3A = arith.constant 2 : i32
    %mul3A_0 = arith.muli %arg1, %mul3A : i32
    %add3A = arith.addi %mul3A_0, %arg0 : i32
    %mul3A_1 = arith.constant 32 : i32
    %mul3A_2 = arith.muli %add3A, %mul3A_1 : i32
    %add3A_3 = arith.constant 0 : i32
    %add3A_4 = arith.addi %mul3A_2, %add3A_3 : i32
    %dma_start3A = arith.constant 5 : i32
    %dma_start3A_5 = arith.constant 0 : i32
    %dma_start3A_6 = tpu.memref_slice %arg5[%dma_start3A, %dma_start3A_5] : memref<205x128xf32, #tpu.memory_space<vmem>> -> memref<200x128xf32, #tpu.memory_space<vmem>>
    %dma_start3A_7 = arith.constant 0 : i32
    %dma_start3A_8 = arith.constant 0 : i32
    %dma_start3A_9 = tpu.memref_slice %arg2[%add3A_4, %dma_start3A_7, %dma_start3A_8] : memref<1024x200x128xf32, #tpu.memory_space<hbm>> -> memref<1x200x128xf32, #tpu.memory_space<hbm>>
    %dma_start3A_10 = tpu.memref_squeeze %dma_start3A_9 : memref<1x200x128xf32, #tpu.memory_space<hbm>> -> memref<200x128xf32, #tpu.memory_space<hbm>>
    %dma_start3A_11 = arith.constant 5 : i32
    %dma_start3A_12 = arith.constant 0 : i32
    %dma_start3A_13 = tpu.memref_slice %arg5[%dma_start3A_11, %dma_start3A_12] : memref<205x128xf32, #tpu.memory_space<vmem>> -> memref<200x128xf32, #tpu.memory_space<vmem>>
    %dma_start3A_14 = arith.constant 0 : i32
    %dma_start3A_15 = arith.constant 0 : i32
    %dma_start3A_16 = tpu.memref_slice %arg2[%add3A_4, %dma_start3A_14, %dma_start3A_15] : memref<1024x200x128xf32, #tpu.memory_space<hbm>> -> memref<1x200x128xf32, #tpu.memory_space<hbm>>
    %dma_start3A_17 = tpu.memref_squeeze %dma_start3A_16 : memref<1x200x128xf32, #tpu.memory_space<hbm>> -> memref<200x128xf32, #tpu.memory_space<hbm>>
    tpu.enqueue_dma source(%dma_start3A_17 : memref<200x128xf32, #tpu.memory_space<hbm>>) target(%dma_start3A_13 : memref<200x128xf32, #tpu.memory_space<vmem>>) target_semaphore(%arg10 : memref<!tpu.dma_semaphore, #tpu.memory_space<semaphore_mem>>)
    %add3A_18 = arith.constant 1 : i32
    %add3A_19 = arith.addi %mul3A_2, %add3A_18 : i32
    %dma_start3A_20 = arith.constant 5 : i32
    %dma_start3A_21 = arith.constant 0 : i32
    %dma_start3A_22 = tpu.memref_slice %arg6[%dma_start3A_20, %dma_start3A_21] : memref<205x128xf32, #tpu.memory_space<vmem>> -> memref<200x128xf32, #tpu.memory_space<vmem>>
    %dma_start3A_23 = arith.constant 0 : i32
    %dma_start3A_24 = arith.constant 0 : i32
    %dma_start3A_25 = tpu.memref_slice %arg2[%add3A_19, %dma_start3A_23, %dma_start3A_24] : memref<1024x200x128xf32, #tpu.memory_space<hbm>> -> memref<1x200x128xf32, #tpu.memory_space<hbm>>
    %dma_start3A_26 = tpu.memref_squeeze %dma_start3A_25 : memref<1x200x128xf32, #tpu.memory_space<hbm>> -> memref<200x128xf32, #tpu.memory_space<hbm>>
    %dma_start3A_27 = arith.constant 5 : i32
    %dma_start3A_28 = arith.constant 0 : i32
    %dma_start3A_29 = tpu.memref_slice %arg6[%dma_start3A_27, %dma_start3A_28] : memref<205x128xf32, #tpu.memory_space<vmem>> -> memref<200x128xf32, #tpu.memory_space<vmem>>
    %dma_start3A_30 = arith.constant 0 : i32
    %dma_start3A_31 = arith.constant 0 : i32
    %dma_start3A_32 = tpu.memref_slice %arg2[%add3A_19, %dma_start3A_30, %dma_start3A_31] : memref<1024x200x128xf32, #tpu.memory_space<hbm>> -> memref<1x200x128xf32, #tpu.memory_space<hbm>>
    %dma_start3A_33 = tpu.memref_squeeze %dma_start3A_32 : memref<1x200x128xf32, #tpu.memory_space<hbm>> -> memref<200x128xf32, #tpu.memory_space<hbm>>
    tpu.enqueue_dma source(%dma_start3A_33 : memref<200x128xf32, #tpu.memory_space<hbm>>) target(%dma_start3A_29 : memref<200x128xf32, #tpu.memory_space<vmem>>) target_semaphore(%arg11 : memref<!tpu.dma_semaphore, #tpu.memory_space<semaphore_mem>>)
    %dma_start3A_34 = arith.constant 0 : i32
    %dma_start3A_35 = arith.constant 0 : i32
    %dma_start3A_36 = tpu.memref_slice %arg5[%dma_start3A_34, %dma_start3A_35] : memref<205x128xf32, #tpu.memory_space<vmem>> -> memref<5x128xf32, #tpu.memory_space<vmem>>
    %dma_start3A_37 = arith.constant 0 : i32
    %dma_start3A_38 = arith.constant 0 : i32
    %dma_start3A_39 = tpu.memref_slice %arg5[%dma_start3A_37, %dma_start3A_38] : memref<205x128xf32, #tpu.memory_space<vmem>> -> memref<5x128xf32, #tpu.memory_space<vmem>>
    tpu.enqueue_dma source(%arg3 : memref<5x128xf32, #tpu.memory_space<hbm>>) target(%dma_start3A_39 : memref<5x128xf32, #tpu.memory_space<vmem>>) target_semaphore(%arg9 : memref<!tpu.dma_semaphore, #tpu.memory_space<semaphore_mem>>)
    %dma_start3A_40 = arith.constant 0 : i32
    %dma_start3A_41 = arith.constant 0 : i32
    %dma_start3A_42 = tpu.memref_slice %arg6[%dma_start3A_40, %dma_start3A_41] : memref<205x128xf32, #tpu.memory_space<vmem>> -> memref<5x128xf32, #tpu.memory_space<vmem>>
    %dma_start3A_43 = arith.constant 0 : i32
    %dma_start3A_44 = arith.constant 0 : i32
    %dma_start3A_45 = tpu.memref_slice %arg6[%dma_start3A_43, %dma_start3A_44] : memref<205x128xf32, #tpu.memory_space<vmem>> -> memref<5x128xf32, #tpu.memory_space<vmem>>
    tpu.enqueue_dma source(%arg3 : memref<5x128xf32, #tpu.memory_space<hbm>>) target(%dma_start3A_45 : memref<5x128xf32, #tpu.memory_space<vmem>>) target_semaphore(%arg9 : memref<!tpu.dma_semaphore, #tpu.memory_space<semaphore_mem>>)
    %dma_start3A_46 = arith.constant 0 : i32
    %dma_start3A_47 = arith.constant 0 : i32
    %dma_start3A_48 = tpu.memref_slice %arg7[%dma_start3A_46, %dma_start3A_47] : memref<205x128xf32, #tpu.memory_space<vmem>> -> memref<5x128xf32, #tpu.memory_space<vmem>>
    %dma_start3A_49 = arith.constant 0 : i32
    %dma_start3A_50 = arith.constant 0 : i32
    %dma_start3A_51 = tpu.memref_slice %arg7[%dma_start3A_49, %dma_start3A_50] : memref<205x128xf32, #tpu.memory_space<vmem>> -> memref<5x128xf32, #tpu.memory_space<vmem>>
    tpu.enqueue_dma source(%arg3 : memref<5x128xf32, #tpu.memory_space<hbm>>) target(%dma_start3A_51 : memref<5x128xf32, #tpu.memory_space<vmem>>) target_semaphore(%arg9 : memref<!tpu.dma_semaphore, #tpu.memory_space<semaphore_mem>>)
    %dma_start3A_52 = arith.constant 0 : i32
    %dma_start3A_53 = arith.constant 0 : i32
    %dma_start3A_54 = tpu.memref_slice %arg8[%dma_start3A_52, %dma_start3A_53] : memref<205x128xf32, #tpu.memory_space<vmem>> -> memref<5x128xf32, #tpu.memory_space<vmem>>
    %dma_start3A_55 = arith.constant 0 : i32
    %dma_start3A_56 = arith.constant 0 : i32
    %dma_start3A_57 = tpu.memref_slice %arg8[%dma_start3A_55, %dma_start3A_56] : memref<205x128xf32, #tpu.memory_space<vmem>> -> memref<5x128xf32, #tpu.memory_space<vmem>>
    tpu.enqueue_dma source(%arg3 : memref<5x128xf32, #tpu.memory_space<hbm>>) target(%dma_start3A_57 : memref<5x128xf32, #tpu.memory_space<vmem>>) target_semaphore(%arg9 : memref<!tpu.dma_semaphore, #tpu.memory_space<semaphore_mem>>)
    %dma_wait3A = arith.constant 0 : i32
    %dma_wait3A_58 = arith.constant 0 : i32
    %dma_wait3A_59 = tpu.memref_slice %arg5[%dma_wait3A, %dma_wait3A_58] : memref<205x128xf32, #tpu.memory_space<vmem>> -> memref<5x128xf32, #tpu.memory_space<vmem>>
    %dma_wait3A_60 = arith.constant 0 : i32
    %dma_wait3A_61 = arith.constant 0 : i32
    %dma_wait3A_62 = tpu.memref_slice %arg5[%dma_wait3A_60, %dma_wait3A_61] : memref<205x128xf32, #tpu.memory_space<vmem>> -> memref<5x128xf32, #tpu.memory_space<vmem>>
    tpu.wait_dma2 semaphore(%arg9 : memref<!tpu.dma_semaphore, #tpu.memory_space<semaphore_mem>>) src(%arg3 : memref<5x128xf32, #tpu.memory_space<hbm>>) dst(%dma_wait3A_62 : memref<5x128xf32, #tpu.memory_space<vmem>>)
    %dma_wait3A_63 = arith.constant 0 : i32
    %dma_wait3A_64 = arith.constant 0 : i32
    %dma_wait3A_65 = tpu.memref_slice %arg6[%dma_wait3A_63, %dma_wait3A_64] : memref<205x128xf32, #tpu.memory_space<vmem>> -> memref<5x128xf32, #tpu.memory_space<vmem>>
    %dma_wait3A_66 = arith.constant 0 : i32
    %dma_wait3A_67 = arith.constant 0 : i32
    %dma_wait3A_68 = tpu.memref_slice %arg6[%dma_wait3A_66, %dma_wait3A_67] : memref<205x128xf32, #tpu.memory_space<vmem>> -> memref<5x128xf32, #tpu.memory_space<vmem>>
    tpu.wait_dma2 semaphore(%arg9 : memref<!tpu.dma_semaphore, #tpu.memory_space<semaphore_mem>>) src(%arg3 : memref<5x128xf32, #tpu.memory_space<hbm>>) dst(%dma_wait3A_68 : memref<5x128xf32, #tpu.memory_space<vmem>>)
    %dma_wait3A_69 = arith.constant 0 : i32
    %dma_wait3A_70 = arith.constant 0 : i32
    %dma_wait3A_71 = tpu.memref_slice %arg7[%dma_wait3A_69, %dma_wait3A_70] : memref<205x128xf32, #tpu.memory_space<vmem>> -> memref<5x128xf32, #tpu.memory_space<vmem>>
    %dma_wait3A_72 = arith.constant 0 : i32
    %dma_wait3A_73 = arith.constant 0 : i32
    %dma_wait3A_74 = tpu.memref_slice %arg7[%dma_wait3A_72, %dma_wait3A_73] : memref<205x128xf32, #tpu.memory_space<vmem>> -> memref<5x128xf32, #tpu.memory_space<vmem>>
    tpu.wait_dma2 semaphore(%arg9 : memref<!tpu.dma_semaphore, #tpu.memory_space<semaphore_mem>>) src(%arg3 : memref<5x128xf32, #tpu.memory_space<hbm>>) dst(%dma_wait3A_74 : memref<5x128xf32, #tpu.memory_space<vmem>>)
    %dma_wait3A_75 = arith.constant 0 : i32
    %dma_wait3A_76 = arith.constant 0 : i32
    %dma_wait3A_77 = tpu.memref_slice %arg8[%dma_wait3A_75, %dma_wait3A_76] : memref<205x128xf32, #tpu.memory_space<vmem>> -> memref<5x128xf32, #tpu.memory_space<vmem>>
    %dma_wait3A_78 = arith.constant 0 : i32
    %dma_wait3A_79 = arith.constant 0 : i32
    %dma_wait3A_80 = tpu.memref_slice %arg8[%dma_wait3A_78, %dma_wait3A_79] : memref<205x128xf32, #tpu.memory_space<vmem>> -> memref<5x128xf32, #tpu.memory_space<vmem>>
    tpu.wait_dma2 semaphore(%arg9 : memref<!tpu.dma_semaphore, #tpu.memory_space<semaphore_mem>>) src(%arg3 : memref<5x128xf32, #tpu.memory_space<hbm>>) dst(%dma_wait3A_80 : memref<5x128xf32, #tpu.memory_space<vmem>>)
    %add3A_81 = arith.constant 2 : i32
    %add3A_82 = arith.addi %mul3A_2, %add3A_81 : i32
    %dma_start3A_83 = arith.constant 5 : i32
    %dma_start3A_84 = arith.constant 0 : i32
    %dma_start3A_85 = tpu.memref_slice %arg7[%dma_start3A_83, %dma_start3A_84] : memref<205x128xf32, #tpu.memory_space<vmem>> -> memref<200x128xf32, #tpu.memory_space<vmem>>
    %dma_start3A_86 = arith.constant 0 : i32
    %dma_start3A_87 = arith.constant 0 : i32
    %dma_start3A_88 = tpu.memref_slice %arg2[%add3A_82, %dma_start3A_86, %dma_start3A_87] : memref<1024x200x128xf32, #tpu.memory_space<hbm>> -> memref<1x200x128xf32, #tpu.memory_space<hbm>>
    %dma_start3A_89 = tpu.memref_squeeze %dma_start3A_88 : memref<1x200x128xf32, #tpu.memory_space<hbm>> -> memref<200x128xf32, #tpu.memory_space<hbm>>
    %dma_start3A_90 = arith.constant 5 : i32
    %dma_start3A_91 = arith.constant 0 : i32
    %dma_start3A_92 = tpu.memref_slice %arg7[%dma_start3A_90, %dma_start3A_91] : memref<205x128xf32, #tpu.memory_space<vmem>> -> memref<200x128xf32, #tpu.memory_space<vmem>>
    %dma_start3A_93 = arith.constant 0 : i32
    %dma_start3A_94 = arith.constant 0 : i32
    %dma_start3A_95 = tpu.memref_slice %arg2[%add3A_82, %dma_start3A_93, %dma_start3A_94] : memref<1024x200x128xf32, #tpu.memory_space<hbm>> -> memref<1x200x128xf32, #tpu.memory_space<hbm>>
    %dma_start3A_96 = tpu.memref_squeeze %dma_start3A_95 : memref<1x200x128xf32, #tpu.memory_space<hbm>> -> memref<200x128xf32, #tpu.memory_space<hbm>>
    tpu.enqueue_dma source(%dma_start3A_96 : memref<200x128xf32, #tpu.memory_space<hbm>>) target(%dma_start3A_92 : memref<200x128xf32, #tpu.memory_space<vmem>>) target_semaphore(%arg12 : memref<!tpu.dma_semaphore, #tpu.memory_space<semaphore_mem>>)
    %add3A_97 = arith.constant 0 : i32
    %add3A_98 = arith.addi %mul3A_2, %add3A_97 : i32
    %dma_wait3A_99 = arith.constant 5 : i32
    %dma_wait3A_100 = arith.constant 0 : i32
    %dma_wait3A_101 = tpu.memref_slice %arg5[%dma_wait3A_99, %dma_wait3A_100] : memref<205x128xf32, #tpu.memory_space<vmem>> -> memref<200x128xf32, #tpu.memory_space<vmem>>
    %dma_wait3A_102 = arith.constant 0 : i32
    %dma_wait3A_103 = arith.constant 0 : i32
    %dma_wait3A_104 = tpu.memref_slice %arg2[%add3A_98, %dma_wait3A_102, %dma_wait3A_103] : memref<1024x200x128xf32, #tpu.memory_space<hbm>> -> memref<1x200x128xf32, #tpu.memory_space<hbm>>
    %dma_wait3A_105 = tpu.memref_squeeze %dma_wait3A_104 : memref<1x200x128xf32, #tpu.memory_space<hbm>> -> memref<200x128xf32, #tpu.memory_space<hbm>>
    %dma_wait3A_106 = arith.constant 5 : i32
    %dma_wait3A_107 = arith.constant 0 : i32
    %dma_wait3A_108 = tpu.memref_slice %arg5[%dma_wait3A_106, %dma_wait3A_107] : memref<205x128xf32, #tpu.memory_space<vmem>> -> memref<200x128xf32, #tpu.memory_space<vmem>>
    %dma_wait3A_109 = arith.constant 0 : i32
    %dma_wait3A_110 = arith.constant 0 : i32
    %dma_wait3A_111 = tpu.memref_slice %arg2[%add3A_98, %dma_wait3A_109, %dma_wait3A_110] : memref<1024x200x128xf32, #tpu.memory_space<hbm>> -> memref<1x200x128xf32, #tpu.memory_space<hbm>>
    %dma_wait3A_112 = tpu.memref_squeeze %dma_wait3A_111 : memref<1x200x128xf32, #tpu.memory_space<hbm>> -> memref<200x128xf32, #tpu.memory_space<hbm>>
    tpu.wait_dma2 semaphore(%arg10 : memref<!tpu.dma_semaphore, #tpu.memory_space<semaphore_mem>>) src(%dma_wait3A_112 : memref<200x128xf32, #tpu.memory_space<hbm>>) dst(%dma_wait3A_108 : memref<200x128xf32, #tpu.memory_space<vmem>>)
    %add3A_113 = arith.constant 0 : i32
    %add3A_114 = arith.addi %mul3A_2, %add3A_113 : i32
    %dma_start3A_115 = arith.constant 0 : i32
    %dma_start3A_116 = arith.constant 0 : i32
    %dma_start3A_117 = tpu.memref_slice %arg4[%add3A_114, %dma_start3A_115, %dma_start3A_116] : memref<1024x205x128xf32, #tpu.memory_space<hbm>> -> memref<1x205x128xf32, #tpu.memory_space<hbm>>
    %dma_start3A_118 = tpu.memref_squeeze %dma_start3A_117 : memref<1x205x128xf32, #tpu.memory_space<hbm>> -> memref<205x128xf32, #tpu.memory_space<hbm>>
    %dma_start3A_119 = arith.constant 0 : i32
    %dma_start3A_120 = arith.constant 0 : i32
    %dma_start3A_121 = tpu.memref_slice %arg4[%add3A_114, %dma_start3A_119, %dma_start3A_120] : memref<1024x205x128xf32, #tpu.memory_space<hbm>> -> memref<1x205x128xf32, #tpu.memory_space<hbm>>
    %dma_start3A_122 = tpu.memref_squeeze %dma_start3A_121 : memref<1x205x128xf32, #tpu.memory_space<hbm>> -> memref<205x128xf32, #tpu.memory_space<hbm>>
    tpu.enqueue_dma source(%arg5 : memref<205x128xf32, #tpu.memory_space<vmem>>) target(%dma_start3A_122 : memref<205x128xf32, #tpu.memory_space<hbm>>) target_semaphore(%arg14 : memref<!tpu.dma_semaphore, #tpu.memory_space<semaphore_mem>>)
    %add3A_123 = arith.constant 3 : i32
    %add3A_124 = arith.addi %mul3A_2, %add3A_123 : i32
    %dma_start3A_125 = arith.constant 5 : i32
    %dma_start3A_126 = arith.constant 0 : i32
    %dma_start3A_127 = tpu.memref_slice %arg8[%dma_start3A_125, %dma_start3A_126] : memref<205x128xf32, #tpu.memory_space<vmem>> -> memref<200x128xf32, #tpu.memory_space<vmem>>
    %dma_start3A_128 = arith.constant 0 : i32
    %dma_start3A_129 = arith.constant 0 : i32
    %dma_start3A_130 = tpu.memref_slice %arg2[%add3A_124, %dma_start3A_128, %dma_start3A_129] : memref<1024x200x128xf32, #tpu.memory_space<hbm>> -> memref<1x200x128xf32, #tpu.memory_space<hbm>>
    %dma_start3A_131 = tpu.memref_squeeze %dma_start3A_130 : memref<1x200x128xf32, #tpu.memory_space<hbm>> -> memref<200x128xf32, #tpu.memory_space<hbm>>
    %dma_start3A_132 = arith.constant 5 : i32
    %dma_start3A_133 = arith.constant 0 : i32
    %dma_start3A_134 = tpu.memref_slice %arg8[%dma_start3A_132, %dma_start3A_133] : memref<205x128xf32, #tpu.memory_space<vmem>> -> memref<200x128xf32, #tpu.memory_space<vmem>>
    %dma_start3A_135 = arith.constant 0 : i32
    %dma_start3A_136 = arith.constant 0 : i32
    %dma_start3A_137 = tpu.memref_slice %arg2[%add3A_124, %dma_start3A_135, %dma_start3A_136] : memref<1024x200x128xf32, #tpu.memory_space<hbm>> -> memref<1x200x128xf32, #tpu.memory_space<hbm>>
    %dma_start3A_138 = tpu.memref_squeeze %dma_start3A_137 : memref<1x200x128xf32, #tpu.memory_space<hbm>> -> memref<200x128xf32, #tpu.memory_space<hbm>>
    tpu.enqueue_dma source(%dma_start3A_138 : memref<200x128xf32, #tpu.memory_space<hbm>>) target(%dma_start3A_134 : memref<200x128xf32, #tpu.memory_space<vmem>>) target_semaphore(%arg13 : memref<!tpu.dma_semaphore, #tpu.memory_space<semaphore_mem>>)
    %add3A_139 = arith.constant 1 : i32
    %add3A_140 = arith.addi %mul3A_2, %add3A_139 : i32
    %dma_wait3A_141 = arith.constant 5 : i32
    %dma_wait3A_142 = arith.constant 0 : i32
    %dma_wait3A_143 = tpu.memref_slice %arg6[%dma_wait3A_141, %dma_wait3A_142] : memref<205x128xf32, #tpu.memory_space<vmem>> -> memref<200x128xf32, #tpu.memory_space<vmem>>
    %dma_wait3A_144 = arith.constant 0 : i32
    %dma_wait3A_145 = arith.constant 0 : i32
    %dma_wait3A_146 = tpu.memref_slice %arg2[%add3A_140, %dma_wait3A_144, %dma_wait3A_145] : memref<1024x200x128xf32, #tpu.memory_space<hbm>> -> memref<1x200x128xf32, #tpu.memory_space<hbm>>
    %dma_wait3A_147 = tpu.memref_squeeze %dma_wait3A_146 : memref<1x200x128xf32, #tpu.memory_space<hbm>> -> memref<200x128xf32, #tpu.memory_space<hbm>>
    %dma_wait3A_148 = arith.constant 5 : i32
    %dma_wait3A_149 = arith.constant 0 : i32
    %dma_wait3A_150 = tpu.memref_slice %arg6[%dma_wait3A_148, %dma_wait3A_149] : memref<205x128xf32, #tpu.memory_space<vmem>> -> memref<200x128xf32, #tpu.memory_space<vmem>>
    %dma_wait3A_151 = arith.constant 0 : i32
    %dma_wait3A_152 = arith.constant 0 : i32
    %dma_wait3A_153 = tpu.memref_slice %arg2[%add3A_140, %dma_wait3A_151, %dma_wait3A_152] : memref<1024x200x128xf32, #tpu.memory_space<hbm>> -> memref<1x200x128xf32, #tpu.memory_space<hbm>>
    %dma_wait3A_154 = tpu.memref_squeeze %dma_wait3A_153 : memref<1x200x128xf32, #tpu.memory_space<hbm>> -> memref<200x128xf32, #tpu.memory_space<hbm>>
    tpu.wait_dma2 semaphore(%arg11 : memref<!tpu.dma_semaphore, #tpu.memory_space<semaphore_mem>>) src(%dma_wait3A_154 : memref<200x128xf32, #tpu.memory_space<hbm>>) dst(%dma_wait3A_150 : memref<200x128xf32, #tpu.memory_space<vmem>>)
    %add3A_155 = arith.constant 1 : i32
    %add3A_156 = arith.addi %mul3A_2, %add3A_155 : i32
    %dma_start3A_157 = arith.constant 0 : i32
    %dma_start3A_158 = arith.constant 0 : i32
    %dma_start3A_159 = tpu.memref_slice %arg4[%add3A_156, %dma_start3A_157, %dma_start3A_158] : memref<1024x205x128xf32, #tpu.memory_space<hbm>> -> memref<1x205x128xf32, #tpu.memory_space<hbm>>
    %dma_start3A_160 = tpu.memref_squeeze %dma_start3A_159 : memref<1x205x128xf32, #tpu.memory_space<hbm>> -> memref<205x128xf32, #tpu.memory_space<hbm>>
    %dma_start3A_161 = arith.constant 0 : i32
    %dma_start3A_162 = arith.constant 0 : i32
    %dma_start3A_163 = tpu.memref_slice %arg4[%add3A_156, %dma_start3A_161, %dma_start3A_162] : memref<1024x205x128xf32, #tpu.memory_space<hbm>> -> memref<1x205x128xf32, #tpu.memory_space<hbm>>
    %dma_start3A_164 = tpu.memref_squeeze %dma_start3A_163 : memref<1x205x128xf32, #tpu.memory_space<hbm>> -> memref<205x128xf32, #tpu.memory_space<hbm>>
    tpu.enqueue_dma source(%arg6 : memref<205x128xf32, #tpu.memory_space<vmem>>) target(%dma_start3A_164 : memref<205x128xf32, #tpu.memory_space<hbm>>) target_semaphore(%arg15 : memref<!tpu.dma_semaphore, #tpu.memory_space<semaphore_mem>>)
    %add3A_165 = arith.constant 0 : i32
    %add3A_166 = arith.addi %mul3A_2, %add3A_165 : i32
    %dma_wait3A_167 = arith.constant 0 : i32
    %dma_wait3A_168 = arith.constant 0 : i32
    %dma_wait3A_169 = tpu.memref_slice %arg4[%add3A_166, %dma_wait3A_167, %dma_wait3A_168] : memref<1024x205x128xf32, #tpu.memory_space<hbm>> -> memref<1x205x128xf32, #tpu.memory_space<hbm>>
    %dma_wait3A_170 = tpu.memref_squeeze %dma_wait3A_169 : memref<1x205x128xf32, #tpu.memory_space<hbm>> -> memref<205x128xf32, #tpu.memory_space<hbm>>
    %dma_wait3A_171 = arith.constant 0 : i32
    %dma_wait3A_172 = arith.constant 0 : i32
    %dma_wait3A_173 = tpu.memref_slice %arg4[%add3A_166, %dma_wait3A_171, %dma_wait3A_172] : memref<1024x205x128xf32, #tpu.memory_space<hbm>> -> memref<1x205x128xf32, #tpu.memory_space<hbm>>
    %dma_wait3A_174 = tpu.memref_squeeze %dma_wait3A_173 : memref<1x205x128xf32, #tpu.memory_space<hbm>> -> memref<205x128xf32, #tpu.memory_space<hbm>>
    tpu.wait_dma2 semaphore(%arg14 : memref<!tpu.dma_semaphore, #tpu.memory_space<semaphore_mem>>) src(%arg5 : memref<205x128xf32, #tpu.memory_space<vmem>>) dst(%dma_wait3A_174 : memref<205x128xf32, #tpu.memory_space<hbm>>)
    %add3A_175 = arith.constant 4 : i32
    %add3A_176 = arith.addi %mul3A_2, %add3A_175 : i32
    %dma_start3A_177 = arith.constant 5 : i32
    %dma_start3A_178 = arith.constant 0 : i32
    %dma_start3A_179 = tpu.memref_slice %arg5[%dma_start3A_177, %dma_start3A_178] : memref<205x128xf32, #tpu.memory_space<vmem>> -> memref<200x128xf32, #tpu.memory_space<vmem>>
    %dma_start3A_180 = arith.constant 0 : i32
    %dma_start3A_181 = arith.constant 0 : i32
    %dma_start3A_182 = tpu.memref_slice %arg2[%add3A_176, %dma_start3A_180, %dma_start3A_181] : memref<1024x200x128xf32, #tpu.memory_space<hbm>> -> memref<1x200x128xf32, #tpu.memory_space<hbm>>
    %dma_start3A_183 = tpu.memref_squeeze %dma_start3A_182 : memref<1x200x128xf32, #tpu.memory_space<hbm>> -> memref<200x128xf32, #tpu.memory_space<hbm>>
    %dma_start3A_184 = arith.constant 5 : i32
    %dma_start3A_185 = arith.constant 0 : i32
    %dma_start3A_186 = tpu.memref_slice %arg5[%dma_start3A_184, %dma_start3A_185] : memref<205x128xf32, #tpu.memory_space<vmem>> -> memref<200x128xf32, #tpu.memory_space<vmem>>
    %dma_start3A_187 = arith.constant 0 : i32
    %dma_start3A_188 = arith.constant 0 : i32
    %dma_start3A_189 = tpu.memref_slice %arg2[%add3A_176, %dma_start3A_187, %dma_start3A_188] : memref<1024x200x128xf32, #tpu.memory_space<hbm>> -> memref<1x200x128xf32, #tpu.memory_space<hbm>>
    %dma_start3A_190 = tpu.memref_squeeze %dma_start3A_189 : memref<1x200x128xf32, #tpu.memory_space<hbm>> -> memref<200x128xf32, #tpu.memory_space<hbm>>
    tpu.enqueue_dma source(%dma_start3A_190 : memref<200x128xf32, #tpu.memory_space<hbm>>) target(%dma_start3A_186 : memref<200x128xf32, #tpu.memory_space<vmem>>) target_semaphore(%arg10 : memref<!tpu.dma_semaphore, #tpu.memory_space<semaphore_mem>>)
    %add3A_191 = arith.constant 2 : i32
    %add3A_192 = arith.addi %mul3A_2, %add3A_191 : i32
    %dma_wait3A_193 = arith.constant 5 : i32
    %dma_wait3A_194 = arith.constant 0 : i32
    %dma_wait3A_195 = tpu.memref_slice %arg7[%dma_wait3A_193, %dma_wait3A_194] : memref<205x128xf32, #tpu.memory_space<vmem>> -> memref<200x128xf32, #tpu.memory_space<vmem>>
    %dma_wait3A_196 = arith.constant 0 : i32
    %dma_wait3A_197 = arith.constant 0 : i32
    %dma_wait3A_198 = tpu.memref_slice %arg2[%add3A_192, %dma_wait3A_196, %dma_wait3A_197] : memref<1024x200x128xf32, #tpu.memory_space<hbm>> -> memref<1x200x128xf32, #tpu.memory_space<hbm>>
    %dma_wait3A_199 = tpu.memref_squeeze %dma_wait3A_198 : memref<1x200x128xf32, #tpu.memory_space<hbm>> -> memref<200x128xf32, #tpu.memory_space<hbm>>
    %dma_wait3A_200 = arith.constant 5 : i32
    %dma_wait3A_201 = arith.constant 0 : i32
    %dma_wait3A_202 = tpu.memref_slice %arg7[%dma_wait3A_200, %dma_wait3A_201] : memref<205x128xf32, #tpu.memory_space<vmem>> -> memref<200x128xf32, #tpu.memory_space<vmem>>
    %dma_wait3A_203 = arith.constant 0 : i32
    %dma_wait3A_204 = arith.constant 0 : i32
    %dma_wait3A_205 = tpu.memref_slice %arg2[%add3A_192, %dma_wait3A_203, %dma_wait3A_204] : memref<1024x200x128xf32, #tpu.memory_space<hbm>> -> memref<1x200x128xf32, #tpu.memory_space<hbm>>
    %dma_wait3A_206 = tpu.memref_squeeze %dma_wait3A_205 : memref<1x200x128xf32, #tpu.memory_space<hbm>> -> memref<200x128xf32, #tpu.memory_space<hbm>>
    tpu.wait_dma2 semaphore(%arg12 : memref<!tpu.dma_semaphore, #tpu.memory_space<semaphore_mem>>) src(%dma_wait3A_206 : memref<200x128xf32, #tpu.memory_space<hbm>>) dst(%dma_wait3A_202 : memref<200x128xf32, #tpu.memory_space<vmem>>)
    %add3A_207 = arith.constant 2 : i32
    %add3A_208 = arith.addi %mul3A_2, %add3A_207 : i32
    %dma_start3A_209 = arith.constant 0 : i32
    %dma_start3A_210 = arith.constant 0 : i32
    %dma_start3A_211 = tpu.memref_slice %arg4[%add3A_208, %dma_start3A_209, %dma_start3A_210] : memref<1024x205x128xf32, #tpu.memory_space<hbm>> -> memref<1x205x128xf32, #tpu.memory_space<hbm>>
    %dma_start3A_212 = tpu.memref_squeeze %dma_start3A_211 : memref<1x205x128xf32, #tpu.memory_space<hbm>> -> memref<205x128xf32, #tpu.memory_space<hbm>>
    %dma_start3A_213 = arith.constant 0 : i32
    %dma_start3A_214 = arith.constant 0 : i32
    %dma_start3A_215 = tpu.memref_slice %arg4[%add3A_208, %dma_start3A_213, %dma_start3A_214] : memref<1024x205x128xf32, #tpu.memory_space<hbm>> -> memref<1x205x128xf32, #tpu.memory_space<hbm>>
    %dma_start3A_216 = tpu.memref_squeeze %dma_start3A_215 : memref<1x205x128xf32, #tpu.memory_space<hbm>> -> memref<205x128xf32, #tpu.memory_space<hbm>>
    tpu.enqueue_dma source(%arg7 : memref<205x128xf32, #tpu.memory_space<vmem>>) target(%dma_start3A_216 : memref<205x128xf32, #tpu.memory_space<hbm>>) target_semaphore(%arg16 : memref<!tpu.dma_semaphore, #tpu.memory_space<semaphore_mem>>)
    %add3A_217 = arith.constant 1 : i32
    %add3A_218 = arith.addi %mul3A_2, %add3A_217 : i32
    %dma_wait3A_219 = arith.constant 0 : i32
    %dma_wait3A_220 = arith.constant 0 : i32
    %dma_wait3A_221 = tpu.memref_slice %arg4[%add3A_218, %dma_wait3A_219, %dma_wait3A_220] : memref<1024x205x128xf32, #tpu.memory_space<hbm>> -> memref<1x205x128xf32, #tpu.memory_space<hbm>>
    %dma_wait3A_222 = tpu.memref_squeeze %dma_wait3A_221 : memref<1x205x128xf32, #tpu.memory_space<hbm>> -> memref<205x128xf32, #tpu.memory_space<hbm>>
    %dma_wait3A_223 = arith.constant 0 : i32
    %dma_wait3A_224 = arith.constant 0 : i32
    %dma_wait3A_225 = tpu.memref_slice %arg4[%add3A_218, %dma_wait3A_223, %dma_wait3A_224] : memref<1024x205x128xf32, #tpu.memory_space<hbm>> -> memref<1x205x128xf32, #tpu.memory_space<hbm>>
    %dma_wait3A_226 = tpu.memref_squeeze %dma_wait3A_225 : memref<1x205x128xf32, #tpu.memory_space<hbm>> -> memref<205x128xf32, #tpu.memory_space<hbm>>
    tpu.wait_dma2 semaphore(%arg15 : memref<!tpu.dma_semaphore, #tpu.memory_space<semaphore_mem>>) src(%arg6 : memref<205x128xf32, #tpu.memory_space<vmem>>) dst(%dma_wait3A_226 : memref<205x128xf32, #tpu.memory_space<hbm>>)
    %add3A_227 = arith.constant 5 : i32
    %add3A_228 = arith.addi %mul3A_2, %add3A_227 : i32
    %dma_start3A_229 = arith.constant 5 : i32
    %dma_start3A_230 = arith.constant 0 : i32
    %dma_start3A_231 = tpu.memref_slice %arg6[%dma_start3A_229, %dma_start3A_230] : memref<205x128xf32, #tpu.memory_space<vmem>> -> memref<200x128xf32, #tpu.memory_space<vmem>>
    %dma_start3A_232 = arith.constant 0 : i32
    %dma_start3A_233 = arith.constant 0 : i32
    %dma_start3A_234 = tpu.memref_slice %arg2[%add3A_228, %dma_start3A_232, %dma_start3A_233] : memref<1024x200x128xf32, #tpu.memory_space<hbm>> -> memref<1x200x128xf32, #tpu.memory_space<hbm>>
    %dma_start3A_235 = tpu.memref_squeeze %dma_start3A_234 : memref<1x200x128xf32, #tpu.memory_space<hbm>> -> memref<200x128xf32, #tpu.memory_space<hbm>>
    %dma_start3A_236 = arith.constant 5 : i32
    %dma_start3A_237 = arith.constant 0 : i32
    %dma_start3A_238 = tpu.memref_slice %arg6[%dma_start3A_236, %dma_start3A_237] : memref<205x128xf32, #tpu.memory_space<vmem>> -> memref<200x128xf32, #tpu.memory_space<vmem>>
    %dma_start3A_239 = arith.constant 0 : i32
    %dma_start3A_240 = arith.constant 0 : i32
    %dma_start3A_241 = tpu.memref_slice %arg2[%add3A_228, %dma_start3A_239, %dma_start3A_240] : memref<1024x200x128xf32, #tpu.memory_space<hbm>> -> memref<1x200x128xf32, #tpu.memory_space<hbm>>
    %dma_start3A_242 = tpu.memref_squeeze %dma_start3A_241 : memref<1x200x128xf32, #tpu.memory_space<hbm>> -> memref<200x128xf32, #tpu.memory_space<hbm>>
    tpu.enqueue_dma source(%dma_start3A_242 : memref<200x128xf32, #tpu.memory_space<hbm>>) target(%dma_start3A_238 : memref<200x128xf32, #tpu.memory_space<vmem>>) target_semaphore(%arg11 : memref<!tpu.dma_semaphore, #tpu.memory_space<semaphore_mem>>)
    %add3A_243 = arith.constant 3 : i32
    %add3A_244 = arith.addi %mul3A_2, %add3A_243 : i32
    %dma_wait3A_245 = arith.constant 5 : i32
    %dma_wait3A_246 = arith.constant 0 : i32
    %dma_wait3A_247 = tpu.memref_slice %arg8[%dma_wait3A_245, %dma_wait3A_246] : memref<205x128xf32, #tpu.memory_space<vmem>> -> memref<200x128xf32, #tpu.memory_space<vmem>>
    %dma_wait3A_248 = arith.constant 0 : i32
    %dma_wait3A_249 = arith.constant 0 : i32
    %dma_wait3A_250 = tpu.memref_slice %arg2[%add3A_244, %dma_wait3A_248, %dma_wait3A_249] : memref<1024x200x128xf32, #tpu.memory_space<hbm>> -> memref<1x200x128xf32, #tpu.memory_space<hbm>>
    %dma_wait3A_251 = tpu.memref_squeeze %dma_wait3A_250 : memref<1x200x128xf32, #tpu.memory_space<hbm>> -> memref<200x128xf32, #tpu.memory_space<hbm>>
    %dma_wait3A_252 = arith.constant 5 : i32
    %dma_wait3A_253 = arith.constant 0 : i32
    %dma_wait3A_254 = tpu.memref_slice %arg8[%dma_wait3A_252, %dma_wait3A_253] : memref<205x128xf32, #tpu.memory_space<vmem>> -> memref<200x128xf32, #tpu.memory_space<vmem>>
    %dma_wait3A_255 = arith.constant 0 : i32
    %dma_wait3A_256 = arith.constant 0 : i32
    %dma_wait3A_257 = tpu.memref_slice %arg2[%add3A_244, %dma_wait3A_255, %dma_wait3A_256] : memref<1024x200x128xf32, #tpu.memory_space<hbm>> -> memref<1x200x128xf32, #tpu.memory_space<hbm>>
    %dma_wait3A_258 = tpu.memref_squeeze %dma_wait3A_257 : memref<1x200x128xf32, #tpu.memory_space<hbm>> -> memref<200x128xf32, #tpu.memory_space<hbm>>
    tpu.wait_dma2 semaphore(%arg13 : memref<!tpu.dma_semaphore, #tpu.memory_space<semaphore_mem>>) src(%dma_wait3A_258 : memref<200x128xf32, #tpu.memory_space<hbm>>) dst(%dma_wait3A_254 : memref<200x128xf32, #tpu.memory_space<vmem>>)
    %add3A_259 = arith.constant 3 : i32
    %add3A_260 = arith.addi %mul3A_2, %add3A_259 : i32
    %dma_start3A_261 = arith.constant 0 : i32
    %dma_start3A_262 = arith.constant 0 : i32
    %dma_start3A_263 = tpu.memref_slice %arg4[%add3A_260, %dma_start3A_261, %dma_start3A_262] : memref<1024x205x128xf32, #tpu.memory_space<hbm>> -> memref<1x205x128xf32, #tpu.memory_space<hbm>>
    %dma_start3A_264 = tpu.memref_squeeze %dma_start3A_263 : memref<1x205x128xf32, #tpu.memory_space<hbm>> -> memref<205x128xf32, #tpu.memory_space<hbm>>
    %dma_start3A_265 = arith.constant 0 : i32
    %dma_start3A_266 = arith.constant 0 : i32
    %dma_start3A_267 = tpu.memref_slice %arg4[%add3A_260, %dma_start3A_265, %dma_start3A_266] : memref<1024x205x128xf32, #tpu.memory_space<hbm>> -> memref<1x205x128xf32, #tpu.memory_space<hbm>>
    %dma_start3A_268 = tpu.memref_squeeze %dma_start3A_267 : memref<1x205x128xf32, #tpu.memory_space<hbm>> -> memref<205x128xf32, #tpu.memory_space<hbm>>
    tpu.enqueue_dma source(%arg8 : memref<205x128xf32, #tpu.memory_space<vmem>>) target(%dma_start3A_268 : memref<205x128xf32, #tpu.memory_space<hbm>>) target_semaphore(%arg17 : memref<!tpu.dma_semaphore, #tpu.memory_space<semaphore_mem>>)
    %add3A_269 = arith.constant 2 : i32
    %add3A_270 = arith.addi %mul3A_2, %add3A_269 : i32
    %dma_wait3A_271 = arith.constant 0 : i32
    %dma_wait3A_272 = arith.constant 0 : i32
    %dma_wait3A_273 = tpu.memref_slice %arg4[%add3A_270, %dma_wait3A_271, %dma_wait3A_272] : memref<1024x205x128xf32, #tpu.memory_space<hbm>> -> memref<1x205x128xf32, #tpu.memory_space<hbm>>
    %dma_wait3A_274 = tpu.memref_squeeze %dma_wait3A_273 : memref<1x205x128xf32, #tpu.memory_space<hbm>> -> memref<205x128xf32, #tpu.memory_space<hbm>>
    %dma_wait3A_275 = arith.constant 0 : i32
    %dma_wait3A_276 = arith.constant 0 : i32
    %dma_wait3A_277 = tpu.memref_slice %arg4[%add3A_270, %dma_wait3A_275, %dma_wait3A_276] : memref<1024x205x128xf32, #tpu.memory_space<hbm>> -> memref<1x205x128xf32, #tpu.memory_space<hbm>>
    %dma_wait3A_278 = tpu.memref_squeeze %dma_wait3A_277 : memref<1x205x128xf32, #tpu.memory_space<hbm>> -> memref<205x128xf32, #tpu.memory_space<hbm>>
    tpu.wait_dma2 semaphore(%arg16 : memref<!tpu.dma_semaphore, #tpu.memory_space<semaphore_mem>>) src(%arg7 : memref<205x128xf32, #tpu.memory_space<vmem>>) dst(%dma_wait3A_278 : memref<205x128xf32, #tpu.memory_space<hbm>>)
    %add3A_279 = arith.constant 6 : i32
    %add3A_280 = arith.addi %mul3A_2, %add3A_279 : i32
    %dma_start3A_281 = arith.constant 5 : i32
    %dma_start3A_282 = arith.constant 0 : i32
    %dma_start3A_283 = tpu.memref_slice %arg7[%dma_start3A_281, %dma_start3A_282] : memref<205x128xf32, #tpu.memory_space<vmem>> -> memref<200x128xf32, #tpu.memory_space<vmem>>
    %dma_start3A_284 = arith.constant 0 : i32
    %dma_start3A_285 = arith.constant 0 : i32
    %dma_start3A_286 = tpu.memref_slice %arg2[%add3A_280, %dma_start3A_284, %dma_start3A_285] : memref<1024x200x128xf32, #tpu.memory_space<hbm>> -> memref<1x200x128xf32, #tpu.memory_space<hbm>>
    %dma_start3A_287 = tpu.memref_squeeze %dma_start3A_286 : memref<1x200x128xf32, #tpu.memory_space<hbm>> -> memref<200x128xf32, #tpu.memory_space<hbm>>
    %dma_start3A_288 = arith.constant 5 : i32
    %dma_start3A_289 = arith.constant 0 : i32
    %dma_start3A_290 = tpu.memref_slice %arg7[%dma_start3A_288, %dma_start3A_289] : memref<205x128xf32, #tpu.memory_space<vmem>> -> memref<200x128xf32, #tpu.memory_space<vmem>>
    %dma_start3A_291 = arith.constant 0 : i32
    %dma_start3A_292 = arith.constant 0 : i32
    %dma_start3A_293 = tpu.memref_slice %arg2[%add3A_280, %dma_start3A_291, %dma_start3A_292] : memref<1024x200x128xf32, #tpu.memory_space<hbm>> -> memref<1x200x128xf32, #tpu.memory_space<hbm>>
    %dma_start3A_294 = tpu.memref_squeeze %dma_start3A_293 : memref<1x200x128xf32, #tpu.memory_space<hbm>> -> memref<200x128xf32, #tpu.memory_space<hbm>>
    tpu.enqueue_dma source(%dma_start3A_294 : memref<200x128xf32, #tpu.memory_space<hbm>>) target(%dma_start3A_290 : memref<200x128xf32, #tpu.memory_space<vmem>>) target_semaphore(%arg12 : memref<!tpu.dma_semaphore, #tpu.memory_space<semaphore_mem>>)
    %add3A_295 = arith.constant 4 : i32
    %add3A_296 = arith.addi %mul3A_2, %add3A_295 : i32
    %dma_wait3A_297 = arith.constant 5 : i32
    %dma_wait3A_298 = arith.constant 0 : i32
    %dma_wait3A_299 = tpu.memref_slice %arg5[%dma_wait3A_297, %dma_wait3A_298] : memref<205x128xf32, #tpu.memory_space<vmem>> -> memref<200x128xf32, #tpu.memory_space<vmem>>
    %dma_wait3A_300 = arith.constant 0 : i32
    %dma_wait3A_301 = arith.constant 0 : i32
    %dma_wait3A_302 = tpu.memref_slice %arg2[%add3A_296, %dma_wait3A_300, %dma_wait3A_301] : memref<1024x200x128xf32, #tpu.memory_space<hbm>> -> memref<1x200x128xf32, #tpu.memory_space<hbm>>
    %dma_wait3A_303 = tpu.memref_squeeze %dma_wait3A_302 : memref<1x200x128xf32, #tpu.memory_space<hbm>> -> memref<200x128xf32, #tpu.memory_space<hbm>>
    %dma_wait3A_304 = arith.constant 5 : i32
    %dma_wait3A_305 = arith.constant 0 : i32
    %dma_wait3A_306 = tpu.memref_slice %arg5[%dma_wait3A_304, %dma_wait3A_305] : memref<205x128xf32, #tpu.memory_space<vmem>> -> memref<200x128xf32, #tpu.memory_space<vmem>>
    %dma_wait3A_307 = arith.constant 0 : i32
    %dma_wait3A_308 = arith.constant 0 : i32
    %dma_wait3A_309 = tpu.memref_slice %arg2[%add3A_296, %dma_wait3A_307, %dma_wait3A_308] : memref<1024x200x128xf32, #tpu.memory_space<hbm>> -> memref<1x200x128xf32, #tpu.memory_space<hbm>>
    %dma_wait3A_310 = tpu.memref_squeeze %dma_wait3A_309 : memref<1x200x128xf32, #tpu.memory_space<hbm>> -> memref<200x128xf32, #tpu.memory_space<hbm>>
    tpu.wait_dma2 semaphore(%arg10 : memref<!tpu.dma_semaphore, #tpu.memory_space<semaphore_mem>>) src(%dma_wait3A_310 : memref<200x128xf32, #tpu.memory_space<hbm>>) dst(%dma_wait3A_306 : memref<200x128xf32, #tpu.memory_space<vmem>>)
    %add3A_311 = arith.constant 4 : i32
    %add3A_312 = arith.addi %mul3A_2, %add3A_311 : i32
    %dma_start3A_313 = arith.constant 0 : i32
    %dma_start3A_314 = arith.constant 0 : i32
    %dma_start3A_315 = tpu.memref_slice %arg4[%add3A_312, %dma_start3A_313, %dma_start3A_314] : memref<1024x205x128xf32, #tpu.memory_space<hbm>> -> memref<1x205x128xf32, #tpu.memory_space<hbm>>
    %dma_start3A_316 = tpu.memref_squeeze %dma_start3A_315 : memref<1x205x128xf32, #tpu.memory_space<hbm>> -> memref<205x128xf32, #tpu.memory_space<hbm>>
    %dma_start3A_317 = arith.constant 0 : i32
    %dma_start3A_318 = arith.constant 0 : i32
    %dma_start3A_319 = tpu.memref_slice %arg4[%add3A_312, %dma_start3A_317, %dma_start3A_318] : memref<1024x205x128xf32, #tpu.memory_space<hbm>> -> memref<1x205x128xf32, #tpu.memory_space<hbm>>
    %dma_start3A_320 = tpu.memref_squeeze %dma_start3A_319 : memref<1x205x128xf32, #tpu.memory_space<hbm>> -> memref<205x128xf32, #tpu.memory_space<hbm>>
    tpu.enqueue_dma source(%arg5 : memref<205x128xf32, #tpu.memory_space<vmem>>) target(%dma_start3A_320 : memref<205x128xf32, #tpu.memory_space<hbm>>) target_semaphore(%arg14 : memref<!tpu.dma_semaphore, #tpu.memory_space<semaphore_mem>>)
    %add3A_321 = arith.constant 3 : i32
    %add3A_322 = arith.addi %mul3A_2, %add3A_321 : i32
    %dma_wait3A_323 = arith.constant 0 : i32
    %dma_wait3A_324 = arith.constant 0 : i32
    %dma_wait3A_325 = tpu.memref_slice %arg4[%add3A_322, %dma_wait3A_323, %dma_wait3A_324] : memref<1024x205x128xf32, #tpu.memory_space<hbm>> -> memref<1x205x128xf32, #tpu.memory_space<hbm>>
    %dma_wait3A_326 = tpu.memref_squeeze %dma_wait3A_325 : memref<1x205x128xf32, #tpu.memory_space<hbm>> -> memref<205x128xf32, #tpu.memory_space<hbm>>
    %dma_wait3A_327 = arith.constant 0 : i32
    %dma_wait3A_328 = arith.constant 0 : i32
    %dma_wait3A_329 = tpu.memref_slice %arg4[%add3A_322, %dma_wait3A_327, %dma_wait3A_328] : memref<1024x205x128xf32, #tpu.memory_space<hbm>> -> memref<1x205x128xf32, #tpu.memory_space<hbm>>
    %dma_wait3A_330 = tpu.memref_squeeze %dma_wait3A_329 : memref<1x205x128xf32, #tpu.memory_space<hbm>> -> memref<205x128xf32, #tpu.memory_space<hbm>>
    tpu.wait_dma2 semaphore(%arg17 : memref<!tpu.dma_semaphore, #tpu.memory_space<semaphore_mem>>) src(%arg8 : memref<205x128xf32, #tpu.memory_space<vmem>>) dst(%dma_wait3A_330 : memref<205x128xf32, #tpu.memory_space<hbm>>)
    %add3A_331 = arith.constant 7 : i32
    %add3A_332 = arith.addi %mul3A_2, %add3A_331 : i32
    %dma_start3A_333 = arith.constant 5 : i32
    %dma_start3A_334 = arith.constant 0 : i32
    %dma_start3A_335 = tpu.memref_slice %arg8[%dma_start3A_333, %dma_start3A_334] : memref<205x128xf32, #tpu.memory_space<vmem>> -> memref<200x128xf32, #tpu.memory_space<vmem>>
    %dma_start3A_336 = arith.constant 0 : i32
    %dma_start3A_337 = arith.constant 0 : i32
    %dma_start3A_338 = tpu.memref_slice %arg2[%add3A_332, %dma_start3A_336, %dma_start3A_337] : memref<1024x200x128xf32, #tpu.memory_space<hbm>> -> memref<1x200x128xf32, #tpu.memory_space<hbm>>
    %dma_start3A_339 = tpu.memref_squeeze %dma_start3A_338 : memref<1x200x128xf32, #tpu.memory_space<hbm>> -> memref<200x128xf32, #tpu.memory_space<hbm>>
    %dma_start3A_340 = arith.constant 5 : i32
    %dma_start3A_341 = arith.constant 0 : i32
    %dma_start3A_342 = tpu.memref_slice %arg8[%dma_start3A_340, %dma_start3A_341] : memref<205x128xf32, #tpu.memory_space<vmem>> -> memref<200x128xf32, #tpu.memory_space<vmem>>
    %dma_start3A_343 = arith.constant 0 : i32
    %dma_start3A_344 = arith.constant 0 : i32
    %dma_start3A_345 = tpu.memref_slice %arg2[%add3A_332, %dma_start3A_343, %dma_start3A_344] : memref<1024x200x128xf32, #tpu.memory_space<hbm>> -> memref<1x200x128xf32, #tpu.memory_space<hbm>>
    %dma_start3A_346 = tpu.memref_squeeze %dma_start3A_345 : memref<1x200x128xf32, #tpu.memory_space<hbm>> -> memref<200x128xf32, #tpu.memory_space<hbm>>
    tpu.enqueue_dma source(%dma_start3A_346 : memref<200x128xf32, #tpu.memory_space<hbm>>) target(%dma_start3A_342 : memref<200x128xf32, #tpu.memory_space<vmem>>) target_semaphore(%arg13 : memref<!tpu.dma_semaphore, #tpu.memory_space<semaphore_mem>>)
    %add3A_347 = arith.constant 5 : i32
    %add3A_348 = arith.addi %mul3A_2, %add3A_347 : i32
    %dma_wait3A_349 = arith.constant 5 : i32
    %dma_wait3A_350 = arith.constant 0 : i32
    %dma_wait3A_351 = tpu.memref_slice %arg6[%dma_wait3A_349, %dma_wait3A_350] : memref<205x128xf32, #tpu.memory_space<vmem>> -> memref<200x128xf32, #tpu.memory_space<vmem>>
    %dma_wait3A_352 = arith.constant 0 : i32
    %dma_wait3A_353 = arith.constant 0 : i32
    %dma_wait3A_354 = tpu.memref_slice %arg2[%add3A_348, %dma_wait3A_352, %dma_wait3A_353] : memref<1024x200x128xf32, #tpu.memory_space<hbm>> -> memref<1x200x128xf32, #tpu.memory_space<hbm>>
    %dma_wait3A_355 = tpu.memref_squeeze %dma_wait3A_354 : memref<1x200x128xf32, #tpu.memory_space<hbm>> -> memref<200x128xf32, #tpu.memory_space<hbm>>
    %dma_wait3A_356 = arith.constant 5 : i32
    %dma_wait3A_357 = arith.constant 0 : i32
    %dma_wait3A_358 = tpu.memref_slice %arg6[%dma_wait3A_356, %dma_wait3A_357] : memref<205x128xf32, #tpu.memory_space<vmem>> -> memref<200x128xf32, #tpu.memory_space<vmem>>
    %dma_wait3A_359 = arith.constant 0 : i32
    %dma_wait3A_360 = arith.constant 0 : i32
    %dma_wait3A_361 = tpu.memref_slice %arg2[%add3A_348, %dma_wait3A_359, %dma_wait3A_360] : memref<1024x200x128xf32, #tpu.memory_space<hbm>> -> memref<1x200x128xf32, #tpu.memory_space<hbm>>
    %dma_wait3A_362 = tpu.memref_squeeze %dma_wait3A_361 : memref<1x200x128xf32, #tpu.memory_space<hbm>> -> memref<200x128xf32, #tpu.memory_space<hbm>>
    tpu.wait_dma2 semaphore(%arg11 : memref<!tpu.dma_semaphore, #tpu.memory_space<semaphore_mem>>) src(%dma_wait3A_362 : memref<200x128xf32, #tpu.memory_space<hbm>>) dst(%dma_wait3A_358 : memref<200x128xf32, #tpu.memory_space<vmem>>)
    %add3A_363 = arith.constant 5 : i32
    %add3A_364 = arith.addi %mul3A_2, %add3A_363 : i32
    %dma_start3A_365 = arith.constant 0 : i32
    %dma_start3A_366 = arith.constant 0 : i32
    %dma_start3A_367 = tpu.memref_slice %arg4[%add3A_364, %dma_start3A_365, %dma_start3A_366] : memref<1024x205x128xf32, #tpu.memory_space<hbm>> -> memref<1x205x128xf32, #tpu.memory_space<hbm>>
    %dma_start3A_368 = tpu.memref_squeeze %dma_start3A_367 : memref<1x205x128xf32, #tpu.memory_space<hbm>> -> memref<205x128xf32, #tpu.memory_space<hbm>>
    %dma_start3A_369 = arith.constant 0 : i32
    %dma_start3A_370 = arith.constant 0 : i32
    %dma_start3A_371 = tpu.memref_slice %arg4[%add3A_364, %dma_start3A_369, %dma_start3A_370] : memref<1024x205x128xf32, #tpu.memory_space<hbm>> -> memref<1x205x128xf32, #tpu.memory_space<hbm>>
    %dma_start3A_372 = tpu.memref_squeeze %dma_start3A_371 : memref<1x205x128xf32, #tpu.memory_space<hbm>> -> memref<205x128xf32, #tpu.memory_space<hbm>>
    tpu.enqueue_dma source(%arg6 : memref<205x128xf32, #tpu.memory_space<vmem>>) target(%dma_start3A_372 : memref<205x128xf32, #tpu.memory_space<hbm>>) target_semaphore(%arg15 : memref<!tpu.dma_semaphore, #tpu.memory_space<semaphore_mem>>)
    %add3A_373 = arith.constant 4 : i32
    %add3A_374 = arith.addi %mul3A_2, %add3A_373 : i32
    %dma_wait3A_375 = arith.constant 0 : i32
    %dma_wait3A_376 = arith.constant 0 : i32
    %dma_wait3A_377 = tpu.memref_slice %arg4[%add3A_374, %dma_wait3A_375, %dma_wait3A_376] : memref<1024x205x128xf32, #tpu.memory_space<hbm>> -> memref<1x205x128xf32, #tpu.memory_space<hbm>>
    %dma_wait3A_378 = tpu.memref_squeeze %dma_wait3A_377 : memref<1x205x128xf32, #tpu.memory_space<hbm>> -> memref<205x128xf32, #tpu.memory_space<hbm>>
    %dma_wait3A_379 = arith.constant 0 : i32
    %dma_wait3A_380 = arith.constant 0 : i32
    %dma_wait3A_381 = tpu.memref_slice %arg4[%add3A_374, %dma_wait3A_379, %dma_wait3A_380] : memref<1024x205x128xf32, #tpu.memory_space<hbm>> -> memref<1x205x128xf32, #tpu.memory_space<hbm>>
    %dma_wait3A_382 = tpu.memref_squeeze %dma_wait3A_381 : memref<1x205x128xf32, #tpu.memory_space<hbm>> -> memref<205x128xf32, #tpu.memory_space<hbm>>
    tpu.wait_dma2 semaphore(%arg14 : memref<!tpu.dma_semaphore, #tpu.memory_space<semaphore_mem>>) src(%arg5 : memref<205x128xf32, #tpu.memory_space<vmem>>) dst(%dma_wait3A_382 : memref<205x128xf32, #tpu.memory_space<hbm>>)
    %add3A_383 = arith.constant 8 : i32
    %add3A_384 = arith.addi %mul3A_2, %add3A_383 : i32
    %dma_start3A_385 = arith.constant 5 : i32
    %dma_start3A_386 = arith.constant 0 : i32
    %dma_start3A_387 = tpu.memref_slice %arg5[%dma_start3A_385, %dma_start3A_386] : memref<205x128xf32, #tpu.memory_space<vmem>> -> memref<200x128xf32, #tpu.memory_space<vmem>>
    %dma_start3A_388 = arith.constant 0 : i32
    %dma_start3A_389 = arith.constant 0 : i32
    %dma_start3A_390 = tpu.memref_slice %arg2[%add3A_384, %dma_start3A_388, %dma_start3A_389] : memref<1024x200x128xf32, #tpu.memory_space<hbm>> -> memref<1x200x128xf32, #tpu.memory_space<hbm>>
    %dma_start3A_391 = tpu.memref_squeeze %dma_start3A_390 : memref<1x200x128xf32, #tpu.memory_space<hbm>> -> memref<200x128xf32, #tpu.memory_space<hbm>>
    %dma_start3A_392 = arith.constant 5 : i32
    %dma_start3A_393 = arith.constant 0 : i32
    %dma_start3A_394 = tpu.memref_slice %arg5[%dma_start3A_392, %dma_start3A_393] : memref<205x128xf32, #tpu.memory_space<vmem>> -> memref<200x128xf32, #tpu.memory_space<vmem>>
    %dma_start3A_395 = arith.constant 0 : i32
    %dma_start3A_396 = arith.constant 0 : i32
    %dma_start3A_397 = tpu.memref_slice %arg2[%add3A_384, %dma_start3A_395, %dma_start3A_396] : memref<1024x200x128xf32, #tpu.memory_space<hbm>> -> memref<1x200x128xf32, #tpu.memory_space<hbm>>
    %dma_start3A_398 = tpu.memref_squeeze %dma_start3A_397 : memref<1x200x128xf32, #tpu.memory_space<hbm>> -> memref<200x128xf32, #tpu.memory_space<hbm>>
    tpu.enqueue_dma source(%dma_start3A_398 : memref<200x128xf32, #tpu.memory_space<hbm>>) target(%dma_start3A_394 : memref<200x128xf32, #tpu.memory_space<vmem>>) target_semaphore(%arg10 : memref<!tpu.dma_semaphore, #tpu.memory_space<semaphore_mem>>)
    %add3A_399 = arith.constant 6 : i32
    %add3A_400 = arith.addi %mul3A_2, %add3A_399 : i32
    %dma_wait3A_401 = arith.constant 5 : i32
    %dma_wait3A_402 = arith.constant 0 : i32
    %dma_wait3A_403 = tpu.memref_slice %arg7[%dma_wait3A_401, %dma_wait3A_402] : memref<205x128xf32, #tpu.memory_space<vmem>> -> memref<200x128xf32, #tpu.memory_space<vmem>>
    %dma_wait3A_404 = arith.constant 0 : i32
    %dma_wait3A_405 = arith.constant 0 : i32
    %dma_wait3A_406 = tpu.memref_slice %arg2[%add3A_400, %dma_wait3A_404, %dma_wait3A_405] : memref<1024x200x128xf32, #tpu.memory_space<hbm>> -> memref<1x200x128xf32, #tpu.memory_space<hbm>>
    %dma_wait3A_407 = tpu.memref_squeeze %dma_wait3A_406 : memref<1x200x128xf32, #tpu.memory_space<hbm>> -> memref<200x128xf32, #tpu.memory_space<hbm>>
    %dma_wait3A_408 = arith.constant 5 : i32
    %dma_wait3A_409 = arith.constant 0 : i32
    %dma_wait3A_410 = tpu.memref_slice %arg7[%dma_wait3A_408, %dma_wait3A_409] : memref<205x128xf32, #tpu.memory_space<vmem>> -> memref<200x128xf32, #tpu.memory_space<vmem>>
    %dma_wait3A_411 = arith.constant 0 : i32
    %dma_wait3A_412 = arith.constant 0 : i32
    %dma_wait3A_413 = tpu.memref_slice %arg2[%add3A_400, %dma_wait3A_411, %dma_wait3A_412] : memref<1024x200x128xf32, #tpu.memory_space<hbm>> -> memref<1x200x128xf32, #tpu.memory_space<hbm>>
    %dma_wait3A_414 = tpu.memref_squeeze %dma_wait3A_413 : memref<1x200x128xf32, #tpu.memory_space<hbm>> -> memref<200x128xf32, #tpu.memory_space<hbm>>
    tpu.wait_dma2 semaphore(%arg12 : memref<!tpu.dma_semaphore, #tpu.memory_space<semaphore_mem>>) src(%dma_wait3A_414 : memref<200x128xf32, #tpu.memory_space<hbm>>) dst(%dma_wait3A_410 : memref<200x128xf32, #tpu.memory_space<vmem>>)
    %add3A_415 = arith.constant 6 : i32
    %add3A_416 = arith.addi %mul3A_2, %add3A_415 : i32
    %dma_start3A_417 = arith.constant 0 : i32
    %dma_start3A_418 = arith.constant 0 : i32
    %dma_start3A_419 = tpu.memref_slice %arg4[%add3A_416, %dma_start3A_417, %dma_start3A_418] : memref<1024x205x128xf32, #tpu.memory_space<hbm>> -> memref<1x205x128xf32, #tpu.memory_space<hbm>>
    %dma_start3A_420 = tpu.memref_squeeze %dma_start3A_419 : memref<1x205x128xf32, #tpu.memory_space<hbm>> -> memref<205x128xf32, #tpu.memory_space<hbm>>
    %dma_start3A_421 = arith.constant 0 : i32
    %dma_start3A_422 = arith.constant 0 : i32
    %dma_start3A_423 = tpu.memref_slice %arg4[%add3A_416, %dma_start3A_421, %dma_start3A_422] : memref<1024x205x128xf32, #tpu.memory_space<hbm>> -> memref<1x205x128xf32, #tpu.memory_space<hbm>>
    %dma_start3A_424 = tpu.memref_squeeze %dma_start3A_423 : memref<1x205x128xf32, #tpu.memory_space<hbm>> -> memref<205x128xf32, #tpu.memory_space<hbm>>
    tpu.enqueue_dma source(%arg7 : memref<205x128xf32, #tpu.memory_space<vmem>>) target(%dma_start3A_424 : memref<205x128xf32, #tpu.memory_space<hbm>>) target_semaphore(%arg16 : memref<!tpu.dma_semaphore, #tpu.memory_space<semaphore_mem>>)
    %add3A_425 = arith.constant 5 : i32
    %add3A_426 = arith.addi %mul3A_2, %add3A_425 : i32
    %dma_wait3A_427 = arith.constant 0 : i32
    %dma_wait3A_428 = arith.constant 0 : i32
    %dma_wait3A_429 = tpu.memref_slice %arg4[%add3A_426, %dma_wait3A_427, %dma_wait3A_428] : memref<1024x205x128xf32, #tpu.memory_space<hbm>> -> memref<1x205x128xf32, #tpu.memory_space<hbm>>
    %dma_wait3A_430 = tpu.memref_squeeze %dma_wait3A_429 : memref<1x205x128xf32, #tpu.memory_space<hbm>> -> memref<205x128xf32, #tpu.memory_space<hbm>>
    %dma_wait3A_431 = arith.constant 0 : i32
    %dma_wait3A_432 = arith.constant 0 : i32
    %dma_wait3A_433 = tpu.memref_slice %arg4[%add3A_426, %dma_wait3A_431, %dma_wait3A_432] : memref<1024x205x128xf32, #tpu.memory_space<hbm>> -> memref<1x205x128xf32, #tpu.memory_space<hbm>>
    %dma_wait3A_434 = tpu.memref_squeeze %dma_wait3A_433 : memref<1x205x128xf32, #tpu.memory_space<hbm>> -> memref<205x128xf32, #tpu.memory_space<hbm>>
    tpu.wait_dma2 semaphore(%arg15 : memref<!tpu.dma_semaphore, #tpu.memory_space<semaphore_mem>>) src(%arg6 : memref<205x128xf32, #tpu.memory_space<vmem>>) dst(%dma_wait3A_434 : memref<205x128xf32, #tpu.memory_space<hbm>>)
    %add3A_435 = arith.constant 9 : i32
    %add3A_436 = arith.addi %mul3A_2, %add3A_435 : i32
    %dma_start3A_437 = arith.constant 5 : i32
    %dma_start3A_438 = arith.constant 0 : i32
    %dma_start3A_439 = tpu.memref_slice %arg6[%dma_start3A_437, %dma_start3A_438] : memref<205x128xf32, #tpu.memory_space<vmem>> -> memref<200x128xf32, #tpu.memory_space<vmem>>
    %dma_start3A_440 = arith.constant 0 : i32
    %dma_start3A_441 = arith.constant 0 : i32
    %dma_start3A_442 = tpu.memref_slice %arg2[%add3A_436, %dma_start3A_440, %dma_start3A_441] : memref<1024x200x128xf32, #tpu.memory_space<hbm>> -> memref<1x200x128xf32, #tpu.memory_space<hbm>>
    %dma_start3A_443 = tpu.memref_squeeze %dma_start3A_442 : memref<1x200x128xf32, #tpu.memory_space<hbm>> -> memref<200x128xf32, #tpu.memory_space<hbm>>
    %dma_start3A_444 = arith.constant 5 : i32
    %dma_start3A_445 = arith.constant 0 : i32
    %dma_start3A_446 = tpu.memref_slice %arg6[%dma_start3A_444, %dma_start3A_445] : memref<205x128xf32, #tpu.memory_space<vmem>> -> memref<200x128xf32, #tpu.memory_space<vmem>>
    %dma_start3A_447 = arith.constant 0 : i32
    %dma_start3A_448 = arith.constant 0 : i32
    %dma_start3A_449 = tpu.memref_slice %arg2[%add3A_436, %dma_start3A_447, %dma_start3A_448] : memref<1024x200x128xf32, #tpu.memory_space<hbm>> -> memref<1x200x128xf32, #tpu.memory_space<hbm>>
    %dma_start3A_450 = tpu.memref_squeeze %dma_start3A_449 : memref<1x200x128xf32, #tpu.memory_space<hbm>> -> memref<200x128xf32, #tpu.memory_space<hbm>>
    tpu.enqueue_dma source(%dma_start3A_450 : memref<200x128xf32, #tpu.memory_space<hbm>>) target(%dma_start3A_446 : memref<200x128xf32, #tpu.memory_space<vmem>>) target_semaphore(%arg11 : memref<!tpu.dma_semaphore, #tpu.memory_space<semaphore_mem>>)
    %add3A_451 = arith.constant 7 : i32
    %add3A_452 = arith.addi %mul3A_2, %add3A_451 : i32
    %dma_wait3A_453 = arith.constant 5 : i32
    %dma_wait3A_454 = arith.constant 0 : i32
    %dma_wait3A_455 = tpu.memref_slice %arg8[%dma_wait3A_453, %dma_wait3A_454] : memref<205x128xf32, #tpu.memory_space<vmem>> -> memref<200x128xf32, #tpu.memory_space<vmem>>
    %dma_wait3A_456 = arith.constant 0 : i32
    %dma_wait3A_457 = arith.constant 0 : i32
    %dma_wait3A_458 = tpu.memref_slice %arg2[%add3A_452, %dma_wait3A_456, %dma_wait3A_457] : memref<1024x200x128xf32, #tpu.memory_space<hbm>> -> memref<1x200x128xf32, #tpu.memory_space<hbm>>
    %dma_wait3A_459 = tpu.memref_squeeze %dma_wait3A_458 : memref<1x200x128xf32, #tpu.memory_space<hbm>> -> memref<200x128xf32, #tpu.memory_space<hbm>>
    %dma_wait3A_460 = arith.constant 5 : i32
    %dma_wait3A_461 = arith.constant 0 : i32
    %dma_wait3A_462 = tpu.memref_slice %arg8[%dma_wait3A_460, %dma_wait3A_461] : memref<205x128xf32, #tpu.memory_space<vmem>> -> memref<200x128xf32, #tpu.memory_space<vmem>>
    %dma_wait3A_463 = arith.constant 0 : i32
    %dma_wait3A_464 = arith.constant 0 : i32
    %dma_wait3A_465 = tpu.memref_slice %arg2[%add3A_452, %dma_wait3A_463, %dma_wait3A_464] : memref<1024x200x128xf32, #tpu.memory_space<hbm>> -> memref<1x200x128xf32, #tpu.memory_space<hbm>>
    %dma_wait3A_466 = tpu.memref_squeeze %dma_wait3A_465 : memref<1x200x128xf32, #tpu.memory_space<hbm>> -> memref<200x128xf32, #tpu.memory_space<hbm>>
    tpu.wait_dma2 semaphore(%arg13 : memref<!tpu.dma_semaphore, #tpu.memory_space<semaphore_mem>>) src(%dma_wait3A_466 : memref<200x128xf32, #tpu.memory_space<hbm>>) dst(%dma_wait3A_462 : memref<200x128xf32, #tpu.memory_space<vmem>>)
    %add3A_467 = arith.constant 7 : i32
    %add3A_468 = arith.addi %mul3A_2, %add3A_467 : i32
    %dma_start3A_469 = arith.constant 0 : i32
    %dma_start3A_470 = arith.constant 0 : i32
    %dma_start3A_471 = tpu.memref_slice %arg4[%add3A_468, %dma_start3A_469, %dma_start3A_470] : memref<1024x205x128xf32, #tpu.memory_space<hbm>> -> memref<1x205x128xf32, #tpu.memory_space<hbm>>
    %dma_start3A_472 = tpu.memref_squeeze %dma_start3A_471 : memref<1x205x128xf32, #tpu.memory_space<hbm>> -> memref<205x128xf32, #tpu.memory_space<hbm>>
    %dma_start3A_473 = arith.constant 0 : i32
    %dma_start3A_474 = arith.constant 0 : i32
    %dma_start3A_475 = tpu.memref_slice %arg4[%add3A_468, %dma_start3A_473, %dma_start3A_474] : memref<1024x205x128xf32, #tpu.memory_space<hbm>> -> memref<1x205x128xf32, #tpu.memory_space<hbm>>
    %dma_start3A_476 = tpu.memref_squeeze %dma_start3A_475 : memref<1x205x128xf32, #tpu.memory_space<hbm>> -> memref<205x128xf32, #tpu.memory_space<hbm>>
    tpu.enqueue_dma source(%arg8 : memref<205x128xf32, #tpu.memory_space<vmem>>) target(%dma_start3A_476 : memref<205x128xf32, #tpu.memory_space<hbm>>) target_semaphore(%arg17 : memref<!tpu.dma_semaphore, #tpu.memory_space<semaphore_mem>>)
    %add3A_477 = arith.constant 6 : i32
    %add3A_478 = arith.addi %mul3A_2, %add3A_477 : i32
    %dma_wait3A_479 = arith.constant 0 : i32
    %dma_wait3A_480 = arith.constant 0 : i32
    %dma_wait3A_481 = tpu.memref_slice %arg4[%add3A_478, %dma_wait3A_479, %dma_wait3A_480] : memref<1024x205x128xf32, #tpu.memory_space<hbm>> -> memref<1x205x128xf32, #tpu.memory_space<hbm>>
    %dma_wait3A_482 = tpu.memref_squeeze %dma_wait3A_481 : memref<1x205x128xf32, #tpu.memory_space<hbm>> -> memref<205x128xf32, #tpu.memory_space<hbm>>
    %dma_wait3A_483 = arith.constant 0 : i32
    %dma_wait3A_484 = arith.constant 0 : i32
    %dma_wait3A_485 = tpu.memref_slice %arg4[%add3A_478, %dma_wait3A_483, %dma_wait3A_484] : memref<1024x205x128xf32, #tpu.memory_space<hbm>> -> memref<1x205x128xf32, #tpu.memory_space<hbm>>
    %dma_wait3A_486 = tpu.memref_squeeze %dma_wait3A_485 : memref<1x205x128xf32, #tpu.memory_space<hbm>> -> memref<205x128xf32, #tpu.memory_space<hbm>>
    tpu.wait_dma2 semaphore(%arg16 : memref<!tpu.dma_semaphore, #tpu.memory_space<semaphore_mem>>) src(%arg7 : memref<205x128xf32, #tpu.memory_space<vmem>>) dst(%dma_wait3A_486 : memref<205x128xf32, #tpu.memory_space<hbm>>)
    %add3A_487 = arith.constant 10 : i32
    %add3A_488 = arith.addi %mul3A_2, %add3A_487 : i32
    %dma_start3A_489 = arith.constant 5 : i32
    %dma_start3A_490 = arith.constant 0 : i32
    %dma_start3A_491 = tpu.memref_slice %arg7[%dma_start3A_489, %dma_start3A_490] : memref<205x128xf32, #tpu.memory_space<vmem>> -> memref<200x128xf32, #tpu.memory_space<vmem>>
    %dma_start3A_492 = arith.constant 0 : i32
    %dma_start3A_493 = arith.constant 0 : i32
    %dma_start3A_494 = tpu.memref_slice %arg2[%add3A_488, %dma_start3A_492, %dma_start3A_493] : memref<1024x200x128xf32, #tpu.memory_space<hbm>> -> memref<1x200x128xf32, #tpu.memory_space<hbm>>
    %dma_start3A_495 = tpu.memref_squeeze %dma_start3A_494 : memref<1x200x128xf32, #tpu.memory_space<hbm>> -> memref<200x128xf32, #tpu.memory_space<hbm>>
    %dma_start3A_496 = arith.constant 5 : i32
    %dma_start3A_497 = arith.constant 0 : i32
    %dma_start3A_498 = tpu.memref_slice %arg7[%dma_start3A_496, %dma_start3A_497] : memref<205x128xf32, #tpu.memory_space<vmem>> -> memref<200x128xf32, #tpu.memory_space<vmem>>
    %dma_start3A_499 = arith.constant 0 : i32
    %dma_start3A_500 = arith.constant 0 : i32
    %dma_start3A_501 = tpu.memref_slice %arg2[%add3A_488, %dma_start3A_499, %dma_start3A_500] : memref<1024x200x128xf32, #tpu.memory_space<hbm>> -> memref<1x200x128xf32, #tpu.memory_space<hbm>>
    %dma_start3A_502 = tpu.memref_squeeze %dma_start3A_501 : memref<1x200x128xf32, #tpu.memory_space<hbm>> -> memref<200x128xf32, #tpu.memory_space<hbm>>
    tpu.enqueue_dma source(%dma_start3A_502 : memref<200x128xf32, #tpu.memory_space<hbm>>) target(%dma_start3A_498 : memref<200x128xf32, #tpu.memory_space<vmem>>) target_semaphore(%arg12 : memref<!tpu.dma_semaphore, #tpu.memory_space<semaphore_mem>>)
    %add3A_503 = arith.constant 8 : i32
    %add3A_504 = arith.addi %mul3A_2, %add3A_503 : i32
    %dma_wait3A_505 = arith.constant 5 : i32
    %dma_wait3A_506 = arith.constant 0 : i32
    %dma_wait3A_507 = tpu.memref_slice %arg5[%dma_wait3A_505, %dma_wait3A_506] : memref<205x128xf32, #tpu.memory_space<vmem>> -> memref<200x128xf32, #tpu.memory_space<vmem>>
    %dma_wait3A_508 = arith.constant 0 : i32
    %dma_wait3A_509 = arith.constant 0 : i32
    %dma_wait3A_510 = tpu.memref_slice %arg2[%add3A_504, %dma_wait3A_508, %dma_wait3A_509] : memref<1024x200x128xf32, #tpu.memory_space<hbm>> -> memref<1x200x128xf32, #tpu.memory_space<hbm>>
    %dma_wait3A_511 = tpu.memref_squeeze %dma_wait3A_510 : memref<1x200x128xf32, #tpu.memory_space<hbm>> -> memref<200x128xf32, #tpu.memory_space<hbm>>
    %dma_wait3A_512 = arith.constant 5 : i32
    %dma_wait3A_513 = arith.constant 0 : i32
    %dma_wait3A_514 = tpu.memref_slice %arg5[%dma_wait3A_512, %dma_wait3A_513] : memref<205x128xf32, #tpu.memory_space<vmem>> -> memref<200x128xf32, #tpu.memory_space<vmem>>
    %dma_wait3A_515 = arith.constant 0 : i32
    %dma_wait3A_516 = arith.constant 0 : i32
    %dma_wait3A_517 = tpu.memref_slice %arg2[%add3A_504, %dma_wait3A_515, %dma_wait3A_516] : memref<1024x200x128xf32, #tpu.memory_space<hbm>> -> memref<1x200x128xf32, #tpu.memory_space<hbm>>
    %dma_wait3A_518 = tpu.memref_squeeze %dma_wait3A_517 : memref<1x200x128xf32, #tpu.memory_space<hbm>> -> memref<200x128xf32, #tpu.memory_space<hbm>>
    tpu.wait_dma2 semaphore(%arg10 : memref<!tpu.dma_semaphore, #tpu.memory_space<semaphore_mem>>) src(%dma_wait3A_518 : memref<200x128xf32, #tpu.memory_space<hbm>>) dst(%dma_wait3A_514 : memref<200x128xf32, #tpu.memory_space<vmem>>)
    %add3A_519 = arith.constant 8 : i32
    %add3A_520 = arith.addi %mul3A_2, %add3A_519 : i32
    %dma_start3A_521 = arith.constant 0 : i32
    %dma_start3A_522 = arith.constant 0 : i32
    %dma_start3A_523 = tpu.memref_slice %arg4[%add3A_520, %dma_start3A_521, %dma_start3A_522] : memref<1024x205x128xf32, #tpu.memory_space<hbm>> -> memref<1x205x128xf32, #tpu.memory_space<hbm>>
    %dma_start3A_524 = tpu.memref_squeeze %dma_start3A_523 : memref<1x205x128xf32, #tpu.memory_space<hbm>> -> memref<205x128xf32, #tpu.memory_space<hbm>>
    %dma_start3A_525 = arith.constant 0 : i32
    %dma_start3A_526 = arith.constant 0 : i32
    %dma_start3A_527 = tpu.memref_slice %arg4[%add3A_520, %dma_start3A_525, %dma_start3A_526] : memref<1024x205x128xf32, #tpu.memory_space<hbm>> -> memref<1x205x128xf32, #tpu.memory_space<hbm>>
    %dma_start3A_528 = tpu.memref_squeeze %dma_start3A_527 : memref<1x205x128xf32, #tpu.memory_space<hbm>> -> memref<205x128xf32, #tpu.memory_space<hbm>>
    tpu.enqueue_dma source(%arg5 : memref<205x128xf32, #tpu.memory_space<vmem>>) target(%dma_start3A_528 : memref<205x128xf32, #tpu.memory_space<hbm>>) target_semaphore(%arg14 : memref<!tpu.dma_semaphore, #tpu.memory_space<semaphore_mem>>)
    %add3A_529 = arith.constant 7 : i32
    %add3A_530 = arith.addi %mul3A_2, %add3A_529 : i32
    %dma_wait3A_531 = arith.constant 0 : i32
    %dma_wait3A_532 = arith.constant 0 : i32
    %dma_wait3A_533 = tpu.memref_slice %arg4[%add3A_530, %dma_wait3A_531, %dma_wait3A_532] : memref<1024x205x128xf32, #tpu.memory_space<hbm>> -> memref<1x205x128xf32, #tpu.memory_space<hbm>>
    %dma_wait3A_534 = tpu.memref_squeeze %dma_wait3A_533 : memref<1x205x128xf32, #tpu.memory_space<hbm>> -> memref<205x128xf32, #tpu.memory_space<hbm>>
    %dma_wait3A_535 = arith.constant 0 : i32
    %dma_wait3A_536 = arith.constant 0 : i32
    %dma_wait3A_537 = tpu.memref_slice %arg4[%add3A_530, %dma_wait3A_535, %dma_wait3A_536] : memref<1024x205x128xf32, #tpu.memory_space<hbm>> -> memref<1x205x128xf32, #tpu.memory_space<hbm>>
    %dma_wait3A_538 = tpu.memref_squeeze %dma_wait3A_537 : memref<1x205x128xf32, #tpu.memory_space<hbm>> -> memref<205x128xf32, #tpu.memory_space<hbm>>
    tpu.wait_dma2 semaphore(%arg17 : memref<!tpu.dma_semaphore, #tpu.memory_space<semaphore_mem>>) src(%arg8 : memref<205x128xf32, #tpu.memory_space<vmem>>) dst(%dma_wait3A_538 : memref<205x128xf32, #tpu.memory_space<hbm>>)
    %add3A_539 = arith.constant 11 : i32
    %add3A_540 = arith.addi %mul3A_2, %add3A_539 : i32
    %dma_start3A_541 = arith.constant 5 : i32
    %dma_start3A_542 = arith.constant 0 : i32
    %dma_start3A_543 = tpu.memref_slice %arg8[%dma_start3A_541, %dma_start3A_542] : memref<205x128xf32, #tpu.memory_space<vmem>> -> memref<200x128xf32, #tpu.memory_space<vmem>>
    %dma_start3A_544 = arith.constant 0 : i32
    %dma_start3A_545 = arith.constant 0 : i32
    %dma_start3A_546 = tpu.memref_slice %arg2[%add3A_540, %dma_start3A_544, %dma_start3A_545] : memref<1024x200x128xf32, #tpu.memory_space<hbm>> -> memref<1x200x128xf32, #tpu.memory_space<hbm>>
    %dma_start3A_547 = tpu.memref_squeeze %dma_start3A_546 : memref<1x200x128xf32, #tpu.memory_space<hbm>> -> memref<200x128xf32, #tpu.memory_space<hbm>>
    %dma_start3A_548 = arith.constant 5 : i32
    %dma_start3A_549 = arith.constant 0 : i32
    %dma_start3A_550 = tpu.memref_slice %arg8[%dma_start3A_548, %dma_start3A_549] : memref<205x128xf32, #tpu.memory_space<vmem>> -> memref<200x128xf32, #tpu.memory_space<vmem>>
    %dma_start3A_551 = arith.constant 0 : i32
    %dma_start3A_552 = arith.constant 0 : i32
    %dma_start3A_553 = tpu.memref_slice %arg2[%add3A_540, %dma_start3A_551, %dma_start3A_552] : memref<1024x200x128xf32, #tpu.memory_space<hbm>> -> memref<1x200x128xf32, #tpu.memory_space<hbm>>
    %dma_start3A_554 = tpu.memref_squeeze %dma_start3A_553 : memref<1x200x128xf32, #tpu.memory_space<hbm>> -> memref<200x128xf32, #tpu.memory_space<hbm>>
    tpu.enqueue_dma source(%dma_start3A_554 : memref<200x128xf32, #tpu.memory_space<hbm>>) target(%dma_start3A_550 : memref<200x128xf32, #tpu.memory_space<vmem>>) target_semaphore(%arg13 : memref<!tpu.dma_semaphore, #tpu.memory_space<semaphore_mem>>)
    %add3A_555 = arith.constant 9 : i32
    %add3A_556 = arith.addi %mul3A_2, %add3A_555 : i32
    %dma_wait3A_557 = arith.constant 5 : i32
    %dma_wait3A_558 = arith.constant 0 : i32
    %dma_wait3A_559 = tpu.memref_slice %arg6[%dma_wait3A_557, %dma_wait3A_558] : memref<205x128xf32, #tpu.memory_space<vmem>> -> memref<200x128xf32, #tpu.memory_space<vmem>>
    %dma_wait3A_560 = arith.constant 0 : i32
    %dma_wait3A_561 = arith.constant 0 : i32
    %dma_wait3A_562 = tpu.memref_slice %arg2[%add3A_556, %dma_wait3A_560, %dma_wait3A_561] : memref<1024x200x128xf32, #tpu.memory_space<hbm>> -> memref<1x200x128xf32, #tpu.memory_space<hbm>>
    %dma_wait3A_563 = tpu.memref_squeeze %dma_wait3A_562 : memref<1x200x128xf32, #tpu.memory_space<hbm>> -> memref<200x128xf32, #tpu.memory_space<hbm>>
    %dma_wait3A_564 = arith.constant 5 : i32
    %dma_wait3A_565 = arith.constant 0 : i32
    %dma_wait3A_566 = tpu.memref_slice %arg6[%dma_wait3A_564, %dma_wait3A_565] : memref<205x128xf32, #tpu.memory_space<vmem>> -> memref<200x128xf32, #tpu.memory_space<vmem>>
    %dma_wait3A_567 = arith.constant 0 : i32
    %dma_wait3A_568 = arith.constant 0 : i32
    %dma_wait3A_569 = tpu.memref_slice %arg2[%add3A_556, %dma_wait3A_567, %dma_wait3A_568] : memref<1024x200x128xf32, #tpu.memory_space<hbm>> -> memref<1x200x128xf32, #tpu.memory_space<hbm>>
    %dma_wait3A_570 = tpu.memref_squeeze %dma_wait3A_569 : memref<1x200x128xf32, #tpu.memory_space<hbm>> -> memref<200x128xf32, #tpu.memory_space<hbm>>
    tpu.wait_dma2 semaphore(%arg11 : memref<!tpu.dma_semaphore, #tpu.memory_space<semaphore_mem>>) src(%dma_wait3A_570 : memref<200x128xf32, #tpu.memory_space<hbm>>) dst(%dma_wait3A_566 : memref<200x128xf32, #tpu.memory_space<vmem>>)
    %add3A_571 = arith.constant 9 : i32
    %add3A_572 = arith.addi %mul3A_2, %add3A_571 : i32
    %dma_start3A_573 = arith.constant 0 : i32
    %dma_start3A_574 = arith.constant 0 : i32
    %dma_start3A_575 = tpu.memref_slice %arg4[%add3A_572, %dma_start3A_573, %dma_start3A_574] : memref<1024x205x128xf32, #tpu.memory_space<hbm>> -> memref<1x205x128xf32, #tpu.memory_space<hbm>>
    %dma_start3A_576 = tpu.memref_squeeze %dma_start3A_575 : memref<1x205x128xf32, #tpu.memory_space<hbm>> -> memref<205x128xf32, #tpu.memory_space<hbm>>
    %dma_start3A_577 = arith.constant 0 : i32
    %dma_start3A_578 = arith.constant 0 : i32
    %dma_start3A_579 = tpu.memref_slice %arg4[%add3A_572, %dma_start3A_577, %dma_start3A_578] : memref<1024x205x128xf32, #tpu.memory_space<hbm>> -> memref<1x205x128xf32, #tpu.memory_space<hbm>>
    %dma_start3A_580 = tpu.memref_squeeze %dma_start3A_579 : memref<1x205x128xf32, #tpu.memory_space<hbm>> -> memref<205x128xf32, #tpu.memory_space<hbm>>
    tpu.enqueue_dma source(%arg6 : memref<205x128xf32, #tpu.memory_space<vmem>>) target(%dma_start3A_580 : memref<205x128xf32, #tpu.memory_space<hbm>>) target_semaphore(%arg15 : memref<!tpu.dma_semaphore, #tpu.memory_space<semaphore_mem>>)
    %add3A_581 = arith.constant 8 : i32
    %add3A_582 = arith.addi %mul3A_2, %add3A_581 : i32
    %dma_wait3A_583 = arith.constant 0 : i32
    %dma_wait3A_584 = arith.constant 0 : i32
    %dma_wait3A_585 = tpu.memref_slice %arg4[%add3A_582, %dma_wait3A_583, %dma_wait3A_584] : memref<1024x205x128xf32, #tpu.memory_space<hbm>> -> memref<1x205x128xf32, #tpu.memory_space<hbm>>
    %dma_wait3A_586 = tpu.memref_squeeze %dma_wait3A_585 : memref<1x205x128xf32, #tpu.memory_space<hbm>> -> memref<205x128xf32, #tpu.memory_space<hbm>>
    %dma_wait3A_587 = arith.constant 0 : i32
    %dma_wait3A_588 = arith.constant 0 : i32
    %dma_wait3A_589 = tpu.memref_slice %arg4[%add3A_582, %dma_wait3A_587, %dma_wait3A_588] : memref<1024x205x128xf32, #tpu.memory_space<hbm>> -> memref<1x205x128xf32, #tpu.memory_space<hbm>>
    %dma_wait3A_590 = tpu.memref_squeeze %dma_wait3A_589 : memref<1x205x128xf32, #tpu.memory_space<hbm>> -> memref<205x128xf32, #tpu.memory_space<hbm>>
    tpu.wait_dma2 semaphore(%arg14 : memref<!tpu.dma_semaphore, #tpu.memory_space<semaphore_mem>>) src(%arg5 : memref<205x128xf32, #tpu.memory_space<vmem>>) dst(%dma_wait3A_590 : memref<205x128xf32, #tpu.memory_space<hbm>>)
    %add3A_591 = arith.constant 12 : i32
    %add3A_592 = arith.addi %mul3A_2, %add3A_591 : i32
    %dma_start3A_593 = arith.constant 5 : i32
    %dma_start3A_594 = arith.constant 0 : i32
    %dma_start3A_595 = tpu.memref_slice %arg5[%dma_start3A_593, %dma_start3A_594] : memref<205x128xf32, #tpu.memory_space<vmem>> -> memref<200x128xf32, #tpu.memory_space<vmem>>
    %dma_start3A_596 = arith.constant 0 : i32
    %dma_start3A_597 = arith.constant 0 : i32
    %dma_start3A_598 = tpu.memref_slice %arg2[%add3A_592, %dma_start3A_596, %dma_start3A_597] : memref<1024x200x128xf32, #tpu.memory_space<hbm>> -> memref<1x200x128xf32, #tpu.memory_space<hbm>>
    %dma_start3A_599 = tpu.memref_squeeze %dma_start3A_598 : memref<1x200x128xf32, #tpu.memory_space<hbm>> -> memref<200x128xf32, #tpu.memory_space<hbm>>
    %dma_start3A_600 = arith.constant 5 : i32
    %dma_start3A_601 = arith.constant 0 : i32
    %dma_start3A_602 = tpu.memref_slice %arg5[%dma_start3A_600, %dma_start3A_601] : memref<205x128xf32, #tpu.memory_space<vmem>> -> memref<200x128xf32, #tpu.memory_space<vmem>>
    %dma_start3A_603 = arith.constant 0 : i32
    %dma_start3A_604 = arith.constant 0 : i32
    %dma_start3A_605 = tpu.memref_slice %arg2[%add3A_592, %dma_start3A_603, %dma_start3A_604] : memref<1024x200x128xf32, #tpu.memory_space<hbm>> -> memref<1x200x128xf32, #tpu.memory_space<hbm>>
    %dma_start3A_606 = tpu.memref_squeeze %dma_start3A_605 : memref<1x200x128xf32, #tpu.memory_space<hbm>> -> memref<200x128xf32, #tpu.memory_space<hbm>>
    tpu.enqueue_dma source(%dma_start3A_606 : memref<200x128xf32, #tpu.memory_space<hbm>>) target(%dma_start3A_602 : memref<200x128xf32, #tpu.memory_space<vmem>>) target_semaphore(%arg10 : memref<!tpu.dma_semaphore, #tpu.memory_space<semaphore_mem>>)
    %add3A_607 = arith.constant 10 : i32
    %add3A_608 = arith.addi %mul3A_2, %add3A_607 : i32
    %dma_wait3A_609 = arith.constant 5 : i32
    %dma_wait3A_610 = arith.constant 0 : i32
    %dma_wait3A_611 = tpu.memref_slice %arg7[%dma_wait3A_609, %dma_wait3A_610] : memref<205x128xf32, #tpu.memory_space<vmem>> -> memref<200x128xf32, #tpu.memory_space<vmem>>
    %dma_wait3A_612 = arith.constant 0 : i32
    %dma_wait3A_613 = arith.constant 0 : i32
    %dma_wait3A_614 = tpu.memref_slice %arg2[%add3A_608, %dma_wait3A_612, %dma_wait3A_613] : memref<1024x200x128xf32, #tpu.memory_space<hbm>> -> memref<1x200x128xf32, #tpu.memory_space<hbm>>
    %dma_wait3A_615 = tpu.memref_squeeze %dma_wait3A_614 : memref<1x200x128xf32, #tpu.memory_space<hbm>> -> memref<200x128xf32, #tpu.memory_space<hbm>>
    %dma_wait3A_616 = arith.constant 5 : i32
    %dma_wait3A_617 = arith.constant 0 : i32
    %dma_wait3A_618 = tpu.memref_slice %arg7[%dma_wait3A_616, %dma_wait3A_617] : memref<205x128xf32, #tpu.memory_space<vmem>> -> memref<200x128xf32, #tpu.memory_space<vmem>>
    %dma_wait3A_619 = arith.constant 0 : i32
    %dma_wait3A_620 = arith.constant 0 : i32
    %dma_wait3A_621 = tpu.memref_slice %arg2[%add3A_608, %dma_wait3A_619, %dma_wait3A_620] : memref<1024x200x128xf32, #tpu.memory_space<hbm>> -> memref<1x200x128xf32, #tpu.memory_space<hbm>>
    %dma_wait3A_622 = tpu.memref_squeeze %dma_wait3A_621 : memref<1x200x128xf32, #tpu.memory_space<hbm>> -> memref<200x128xf32, #tpu.memory_space<hbm>>
    tpu.wait_dma2 semaphore(%arg12 : memref<!tpu.dma_semaphore, #tpu.memory_space<semaphore_mem>>) src(%dma_wait3A_622 : memref<200x128xf32, #tpu.memory_space<hbm>>) dst(%dma_wait3A_618 : memref<200x128xf32, #tpu.memory_space<vmem>>)
    %add3A_623 = arith.constant 10 : i32
    %add3A_624 = arith.addi %mul3A_2, %add3A_623 : i32
    %dma_start3A_625 = arith.constant 0 : i32
    %dma_start3A_626 = arith.constant 0 : i32
    %dma_start3A_627 = tpu.memref_slice %arg4[%add3A_624, %dma_start3A_625, %dma_start3A_626] : memref<1024x205x128xf32, #tpu.memory_space<hbm>> -> memref<1x205x128xf32, #tpu.memory_space<hbm>>
    %dma_start3A_628 = tpu.memref_squeeze %dma_start3A_627 : memref<1x205x128xf32, #tpu.memory_space<hbm>> -> memref<205x128xf32, #tpu.memory_space<hbm>>
    %dma_start3A_629 = arith.constant 0 : i32
    %dma_start3A_630 = arith.constant 0 : i32
    %dma_start3A_631 = tpu.memref_slice %arg4[%add3A_624, %dma_start3A_629, %dma_start3A_630] : memref<1024x205x128xf32, #tpu.memory_space<hbm>> -> memref<1x205x128xf32, #tpu.memory_space<hbm>>
    %dma_start3A_632 = tpu.memref_squeeze %dma_start3A_631 : memref<1x205x128xf32, #tpu.memory_space<hbm>> -> memref<205x128xf32, #tpu.memory_space<hbm>>
    tpu.enqueue_dma source(%arg7 : memref<205x128xf32, #tpu.memory_space<vmem>>) target(%dma_start3A_632 : memref<205x128xf32, #tpu.memory_space<hbm>>) target_semaphore(%arg16 : memref<!tpu.dma_semaphore, #tpu.memory_space<semaphore_mem>>)
    %add3A_633 = arith.constant 9 : i32
    %add3A_634 = arith.addi %mul3A_2, %add3A_633 : i32
    %dma_wait3A_635 = arith.constant 0 : i32
    %dma_wait3A_636 = arith.constant 0 : i32
    %dma_wait3A_637 = tpu.memref_slice %arg4[%add3A_634, %dma_wait3A_635, %dma_wait3A_636] : memref<1024x205x128xf32, #tpu.memory_space<hbm>> -> memref<1x205x128xf32, #tpu.memory_space<hbm>>
    %dma_wait3A_638 = tpu.memref_squeeze %dma_wait3A_637 : memref<1x205x128xf32, #tpu.memory_space<hbm>> -> memref<205x128xf32, #tpu.memory_space<hbm>>
    %dma_wait3A_639 = arith.constant 0 : i32
    %dma_wait3A_640 = arith.constant 0 : i32
    %dma_wait3A_641 = tpu.memref_slice %arg4[%add3A_634, %dma_wait3A_639, %dma_wait3A_640] : memref<1024x205x128xf32, #tpu.memory_space<hbm>> -> memref<1x205x128xf32, #tpu.memory_space<hbm>>
    %dma_wait3A_642 = tpu.memref_squeeze %dma_wait3A_641 : memref<1x205x128xf32, #tpu.memory_space<hbm>> -> memref<205x128xf32, #tpu.memory_space<hbm>>
    tpu.wait_dma2 semaphore(%arg15 : memref<!tpu.dma_semaphore, #tpu.memory_space<semaphore_mem>>) src(%arg6 : memref<205x128xf32, #tpu.memory_space<vmem>>) dst(%dma_wait3A_642 : memref<205x128xf32, #tpu.memory_space<hbm>>)
    %add3A_643 = arith.constant 13 : i32
    %add3A_644 = arith.addi %mul3A_2, %add3A_643 : i32
    %dma_start3A_645 = arith.constant 5 : i32
    %dma_start3A_646 = arith.constant 0 : i32
    %dma_start3A_647 = tpu.memref_slice %arg6[%dma_start3A_645, %dma_start3A_646] : memref<205x128xf32, #tpu.memory_space<vmem>> -> memref<200x128xf32, #tpu.memory_space<vmem>>
    %dma_start3A_648 = arith.constant 0 : i32
    %dma_start3A_649 = arith.constant 0 : i32
    %dma_start3A_650 = tpu.memref_slice %arg2[%add3A_644, %dma_start3A_648, %dma_start3A_649] : memref<1024x200x128xf32, #tpu.memory_space<hbm>> -> memref<1x200x128xf32, #tpu.memory_space<hbm>>
    %dma_start3A_651 = tpu.memref_squeeze %dma_start3A_650 : memref<1x200x128xf32, #tpu.memory_space<hbm>> -> memref<200x128xf32, #tpu.memory_space<hbm>>
    %dma_start3A_652 = arith.constant 5 : i32
    %dma_start3A_653 = arith.constant 0 : i32
    %dma_start3A_654 = tpu.memref_slice %arg6[%dma_start3A_652, %dma_start3A_653] : memref<205x128xf32, #tpu.memory_space<vmem>> -> memref<200x128xf32, #tpu.memory_space<vmem>>
    %dma_start3A_655 = arith.constant 0 : i32
    %dma_start3A_656 = arith.constant 0 : i32
    %dma_start3A_657 = tpu.memref_slice %arg2[%add3A_644, %dma_start3A_655, %dma_start3A_656] : memref<1024x200x128xf32, #tpu.memory_space<hbm>> -> memref<1x200x128xf32, #tpu.memory_space<hbm>>
    %dma_start3A_658 = tpu.memref_squeeze %dma_start3A_657 : memref<1x200x128xf32, #tpu.memory_space<hbm>> -> memref<200x128xf32, #tpu.memory_space<hbm>>
    tpu.enqueue_dma source(%dma_start3A_658 : memref<200x128xf32, #tpu.memory_space<hbm>>) target(%dma_start3A_654 : memref<200x128xf32, #tpu.memory_space<vmem>>) target_semaphore(%arg11 : memref<!tpu.dma_semaphore, #tpu.memory_space<semaphore_mem>>)
    %add3A_659 = arith.constant 11 : i32
    %add3A_660 = arith.addi %mul3A_2, %add3A_659 : i32
    %dma_wait3A_661 = arith.constant 5 : i32
    %dma_wait3A_662 = arith.constant 0 : i32
    %dma_wait3A_663 = tpu.memref_slice %arg8[%dma_wait3A_661, %dma_wait3A_662] : memref<205x128xf32, #tpu.memory_space<vmem>> -> memref<200x128xf32, #tpu.memory_space<vmem>>
    %dma_wait3A_664 = arith.constant 0 : i32
    %dma_wait3A_665 = arith.constant 0 : i32
    %dma_wait3A_666 = tpu.memref_slice %arg2[%add3A_660, %dma_wait3A_664, %dma_wait3A_665] : memref<1024x200x128xf32, #tpu.memory_space<hbm>> -> memref<1x200x128xf32, #tpu.memory_space<hbm>>
    %dma_wait3A_667 = tpu.memref_squeeze %dma_wait3A_666 : memref<1x200x128xf32, #tpu.memory_space<hbm>> -> memref<200x128xf32, #tpu.memory_space<hbm>>
    %dma_wait3A_668 = arith.constant 5 : i32
    %dma_wait3A_669 = arith.constant 0 : i32
    %dma_wait3A_670 = tpu.memref_slice %arg8[%dma_wait3A_668, %dma_wait3A_669] : memref<205x128xf32, #tpu.memory_space<vmem>> -> memref<200x128xf32, #tpu.memory_space<vmem>>
    %dma_wait3A_671 = arith.constant 0 : i32
    %dma_wait3A_672 = arith.constant 0 : i32
    %dma_wait3A_673 = tpu.memref_slice %arg2[%add3A_660, %dma_wait3A_671, %dma_wait3A_672] : memref<1024x200x128xf32, #tpu.memory_space<hbm>> -> memref<1x200x128xf32, #tpu.memory_space<hbm>>
    %dma_wait3A_674 = tpu.memref_squeeze %dma_wait3A_673 : memref<1x200x128xf32, #tpu.memory_space<hbm>> -> memref<200x128xf32, #tpu.memory_space<hbm>>
    tpu.wait_dma2 semaphore(%arg13 : memref<!tpu.dma_semaphore, #tpu.memory_space<semaphore_mem>>) src(%dma_wait3A_674 : memref<200x128xf32, #tpu.memory_space<hbm>>) dst(%dma_wait3A_670 : memref<200x128xf32, #tpu.memory_space<vmem>>)
    %add3A_675 = arith.constant 11 : i32
    %add3A_676 = arith.addi %mul3A_2, %add3A_675 : i32
    %dma_start3A_677 = arith.constant 0 : i32
    %dma_start3A_678 = arith.constant 0 : i32
    %dma_start3A_679 = tpu.memref_slice %arg4[%add3A_676, %dma_start3A_677, %dma_start3A_678] : memref<1024x205x128xf32, #tpu.memory_space<hbm>> -> memref<1x205x128xf32, #tpu.memory_space<hbm>>
    %dma_start3A_680 = tpu.memref_squeeze %dma_start3A_679 : memref<1x205x128xf32, #tpu.memory_space<hbm>> -> memref<205x128xf32, #tpu.memory_space<hbm>>
    %dma_start3A_681 = arith.constant 0 : i32
    %dma_start3A_682 = arith.constant 0 : i32
    %dma_start3A_683 = tpu.memref_slice %arg4[%add3A_676, %dma_start3A_681, %dma_start3A_682] : memref<1024x205x128xf32, #tpu.memory_space<hbm>> -> memref<1x205x128xf32, #tpu.memory_space<hbm>>
    %dma_start3A_684 = tpu.memref_squeeze %dma_start3A_683 : memref<1x205x128xf32, #tpu.memory_space<hbm>> -> memref<205x128xf32, #tpu.memory_space<hbm>>
    tpu.enqueue_dma source(%arg8 : memref<205x128xf32, #tpu.memory_space<vmem>>) target(%dma_start3A_684 : memref<205x128xf32, #tpu.memory_space<hbm>>) target_semaphore(%arg17 : memref<!tpu.dma_semaphore, #tpu.memory_space<semaphore_mem>>)
    %add3A_685 = arith.constant 10 : i32
    %add3A_686 = arith.addi %mul3A_2, %add3A_685 : i32
    %dma_wait3A_687 = arith.constant 0 : i32
    %dma_wait3A_688 = arith.constant 0 : i32
    %dma_wait3A_689 = tpu.memref_slice %arg4[%add3A_686, %dma_wait3A_687, %dma_wait3A_688] : memref<1024x205x128xf32, #tpu.memory_space<hbm>> -> memref<1x205x128xf32, #tpu.memory_space<hbm>>
    %dma_wait3A_690 = tpu.memref_squeeze %dma_wait3A_689 : memref<1x205x128xf32, #tpu.memory_space<hbm>> -> memref<205x128xf32, #tpu.memory_space<hbm>>
    %dma_wait3A_691 = arith.constant 0 : i32
    %dma_wait3A_692 = arith.constant 0 : i32
    %dma_wait3A_693 = tpu.memref_slice %arg4[%add3A_686, %dma_wait3A_691, %dma_wait3A_692] : memref<1024x205x128xf32, #tpu.memory_space<hbm>> -> memref<1x205x128xf32, #tpu.memory_space<hbm>>
    %dma_wait3A_694 = tpu.memref_squeeze %dma_wait3A_693 : memref<1x205x128xf32, #tpu.memory_space<hbm>> -> memref<205x128xf32, #tpu.memory_space<hbm>>
    tpu.wait_dma2 semaphore(%arg16 : memref<!tpu.dma_semaphore, #tpu.memory_space<semaphore_mem>>) src(%arg7 : memref<205x128xf32, #tpu.memory_space<vmem>>) dst(%dma_wait3A_694 : memref<205x128xf32, #tpu.memory_space<hbm>>)
    %add3A_695 = arith.constant 14 : i32
    %add3A_696 = arith.addi %mul3A_2, %add3A_695 : i32
    %dma_start3A_697 = arith.constant 5 : i32
    %dma_start3A_698 = arith.constant 0 : i32
    %dma_start3A_699 = tpu.memref_slice %arg7[%dma_start3A_697, %dma_start3A_698] : memref<205x128xf32, #tpu.memory_space<vmem>> -> memref<200x128xf32, #tpu.memory_space<vmem>>
    %dma_start3A_700 = arith.constant 0 : i32
    %dma_start3A_701 = arith.constant 0 : i32
    %dma_start3A_702 = tpu.memref_slice %arg2[%add3A_696, %dma_start3A_700, %dma_start3A_701] : memref<1024x200x128xf32, #tpu.memory_space<hbm>> -> memref<1x200x128xf32, #tpu.memory_space<hbm>>
    %dma_start3A_703 = tpu.memref_squeeze %dma_start3A_702 : memref<1x200x128xf32, #tpu.memory_space<hbm>> -> memref<200x128xf32, #tpu.memory_space<hbm>>
    %dma_start3A_704 = arith.constant 5 : i32
    %dma_start3A_705 = arith.constant 0 : i32
    %dma_start3A_706 = tpu.memref_slice %arg7[%dma_start3A_704, %dma_start3A_705] : memref<205x128xf32, #tpu.memory_space<vmem>> -> memref<200x128xf32, #tpu.memory_space<vmem>>
    %dma_start3A_707 = arith.constant 0 : i32
    %dma_start3A_708 = arith.constant 0 : i32
    %dma_start3A_709 = tpu.memref_slice %arg2[%add3A_696, %dma_start3A_707, %dma_start3A_708] : memref<1024x200x128xf32, #tpu.memory_space<hbm>> -> memref<1x200x128xf32, #tpu.memory_space<hbm>>
    %dma_start3A_710 = tpu.memref_squeeze %dma_start3A_709 : memref<1x200x128xf32, #tpu.memory_space<hbm>> -> memref<200x128xf32, #tpu.memory_space<hbm>>
    tpu.enqueue_dma source(%dma_start3A_710 : memref<200x128xf32, #tpu.memory_space<hbm>>) target(%dma_start3A_706 : memref<200x128xf32, #tpu.memory_space<vmem>>) target_semaphore(%arg12 : memref<!tpu.dma_semaphore, #tpu.memory_space<semaphore_mem>>)
    %add3A_711 = arith.constant 12 : i32
    %add3A_712 = arith.addi %mul3A_2, %add3A_711 : i32
    %dma_wait3A_713 = arith.constant 5 : i32
    %dma_wait3A_714 = arith.constant 0 : i32
    %dma_wait3A_715 = tpu.memref_slice %arg5[%dma_wait3A_713, %dma_wait3A_714] : memref<205x128xf32, #tpu.memory_space<vmem>> -> memref<200x128xf32, #tpu.memory_space<vmem>>
    %dma_wait3A_716 = arith.constant 0 : i32
    %dma_wait3A_717 = arith.constant 0 : i32
    %dma_wait3A_718 = tpu.memref_slice %arg2[%add3A_712, %dma_wait3A_716, %dma_wait3A_717] : memref<1024x200x128xf32, #tpu.memory_space<hbm>> -> memref<1x200x128xf32, #tpu.memory_space<hbm>>
    %dma_wait3A_719 = tpu.memref_squeeze %dma_wait3A_718 : memref<1x200x128xf32, #tpu.memory_space<hbm>> -> memref<200x128xf32, #tpu.memory_space<hbm>>
    %dma_wait3A_720 = arith.constant 5 : i32
    %dma_wait3A_721 = arith.constant 0 : i32
    %dma_wait3A_722 = tpu.memref_slice %arg5[%dma_wait3A_720, %dma_wait3A_721] : memref<205x128xf32, #tpu.memory_space<vmem>> -> memref<200x128xf32, #tpu.memory_space<vmem>>
    %dma_wait3A_723 = arith.constant 0 : i32
    %dma_wait3A_724 = arith.constant 0 : i32
    %dma_wait3A_725 = tpu.memref_slice %arg2[%add3A_712, %dma_wait3A_723, %dma_wait3A_724] : memref<1024x200x128xf32, #tpu.memory_space<hbm>> -> memref<1x200x128xf32, #tpu.memory_space<hbm>>
    %dma_wait3A_726 = tpu.memref_squeeze %dma_wait3A_725 : memref<1x200x128xf32, #tpu.memory_space<hbm>> -> memref<200x128xf32, #tpu.memory_space<hbm>>
    tpu.wait_dma2 semaphore(%arg10 : memref<!tpu.dma_semaphore, #tpu.memory_space<semaphore_mem>>) src(%dma_wait3A_726 : memref<200x128xf32, #tpu.memory_space<hbm>>) dst(%dma_wait3A_722 : memref<200x128xf32, #tpu.memory_space<vmem>>)
    %add3A_727 = arith.constant 12 : i32
    %add3A_728 = arith.addi %mul3A_2, %add3A_727 : i32
    %dma_start3A_729 = arith.constant 0 : i32
    %dma_start3A_730 = arith.constant 0 : i32
    %dma_start3A_731 = tpu.memref_slice %arg4[%add3A_728, %dma_start3A_729, %dma_start3A_730] : memref<1024x205x128xf32, #tpu.memory_space<hbm>> -> memref<1x205x128xf32, #tpu.memory_space<hbm>>
    %dma_start3A_732 = tpu.memref_squeeze %dma_start3A_731 : memref<1x205x128xf32, #tpu.memory_space<hbm>> -> memref<205x128xf32, #tpu.memory_space<hbm>>
    %dma_start3A_733 = arith.constant 0 : i32
    %dma_start3A_734 = arith.constant 0 : i32
    %dma_start3A_735 = tpu.memref_slice %arg4[%add3A_728, %dma_start3A_733, %dma_start3A_734] : memref<1024x205x128xf32, #tpu.memory_space<hbm>> -> memref<1x205x128xf32, #tpu.memory_space<hbm>>
    %dma_start3A_736 = tpu.memref_squeeze %dma_start3A_735 : memref<1x205x128xf32, #tpu.memory_space<hbm>> -> memref<205x128xf32, #tpu.memory_space<hbm>>
    tpu.enqueue_dma source(%arg5 : memref<205x128xf32, #tpu.memory_space<vmem>>) target(%dma_start3A_736 : memref<205x128xf32, #tpu.memory_space<hbm>>) target_semaphore(%arg14 : memref<!tpu.dma_semaphore, #tpu.memory_space<semaphore_mem>>)
    %add3A_737 = arith.constant 11 : i32
    %add3A_738 = arith.addi %mul3A_2, %add3A_737 : i32
    %dma_wait3A_739 = arith.constant 0 : i32
    %dma_wait3A_740 = arith.constant 0 : i32
    %dma_wait3A_741 = tpu.memref_slice %arg4[%add3A_738, %dma_wait3A_739, %dma_wait3A_740] : memref<1024x205x128xf32, #tpu.memory_space<hbm>> -> memref<1x205x128xf32, #tpu.memory_space<hbm>>
    %dma_wait3A_742 = tpu.memref_squeeze %dma_wait3A_741 : memref<1x205x128xf32, #tpu.memory_space<hbm>> -> memref<205x128xf32, #tpu.memory_space<hbm>>
    %dma_wait3A_743 = arith.constant 0 : i32
    %dma_wait3A_744 = arith.constant 0 : i32
    %dma_wait3A_745 = tpu.memref_slice %arg4[%add3A_738, %dma_wait3A_743, %dma_wait3A_744] : memref<1024x205x128xf32, #tpu.memory_space<hbm>> -> memref<1x205x128xf32, #tpu.memory_space<hbm>>
    %dma_wait3A_746 = tpu.memref_squeeze %dma_wait3A_745 : memref<1x205x128xf32, #tpu.memory_space<hbm>> -> memref<205x128xf32, #tpu.memory_space<hbm>>
    tpu.wait_dma2 semaphore(%arg17 : memref<!tpu.dma_semaphore, #tpu.memory_space<semaphore_mem>>) src(%arg8 : memref<205x128xf32, #tpu.memory_space<vmem>>) dst(%dma_wait3A_746 : memref<205x128xf32, #tpu.memory_space<hbm>>)
    %add3A_747 = arith.constant 15 : i32
    %add3A_748 = arith.addi %mul3A_2, %add3A_747 : i32
    %dma_start3A_749 = arith.constant 5 : i32
    %dma_start3A_750 = arith.constant 0 : i32
    %dma_start3A_751 = tpu.memref_slice %arg8[%dma_start3A_749, %dma_start3A_750] : memref<205x128xf32, #tpu.memory_space<vmem>> -> memref<200x128xf32, #tpu.memory_space<vmem>>
    %dma_start3A_752 = arith.constant 0 : i32
    %dma_start3A_753 = arith.constant 0 : i32
    %dma_start3A_754 = tpu.memref_slice %arg2[%add3A_748, %dma_start3A_752, %dma_start3A_753] : memref<1024x200x128xf32, #tpu.memory_space<hbm>> -> memref<1x200x128xf32, #tpu.memory_space<hbm>>
    %dma_start3A_755 = tpu.memref_squeeze %dma_start3A_754 : memref<1x200x128xf32, #tpu.memory_space<hbm>> -> memref<200x128xf32, #tpu.memory_space<hbm>>
    %dma_start3A_756 = arith.constant 5 : i32
    %dma_start3A_757 = arith.constant 0 : i32
    %dma_start3A_758 = tpu.memref_slice %arg8[%dma_start3A_756, %dma_start3A_757] : memref<205x128xf32, #tpu.memory_space<vmem>> -> memref<200x128xf32, #tpu.memory_space<vmem>>
    %dma_start3A_759 = arith.constant 0 : i32
    %dma_start3A_760 = arith.constant 0 : i32
    %dma_start3A_761 = tpu.memref_slice %arg2[%add3A_748, %dma_start3A_759, %dma_start3A_760] : memref<1024x200x128xf32, #tpu.memory_space<hbm>> -> memref<1x200x128xf32, #tpu.memory_space<hbm>>
    %dma_start3A_762 = tpu.memref_squeeze %dma_start3A_761 : memref<1x200x128xf32, #tpu.memory_space<hbm>> -> memref<200x128xf32, #tpu.memory_space<hbm>>
    tpu.enqueue_dma source(%dma_start3A_762 : memref<200x128xf32, #tpu.memory_space<hbm>>) target(%dma_start3A_758 : memref<200x128xf32, #tpu.memory_space<vmem>>) target_semaphore(%arg13 : memref<!tpu.dma_semaphore, #tpu.memory_space<semaphore_mem>>)
    %add3A_763 = arith.constant 13 : i32
    %add3A_764 = arith.addi %mul3A_2, %add3A_763 : i32
    %dma_wait3A_765 = arith.constant 5 : i32
    %dma_wait3A_766 = arith.constant 0 : i32
    %dma_wait3A_767 = tpu.memref_slice %arg6[%dma_wait3A_765, %dma_wait3A_766] : memref<205x128xf32, #tpu.memory_space<vmem>> -> memref<200x128xf32, #tpu.memory_space<vmem>>
    %dma_wait3A_768 = arith.constant 0 : i32
    %dma_wait3A_769 = arith.constant 0 : i32
    %dma_wait3A_770 = tpu.memref_slice %arg2[%add3A_764, %dma_wait3A_768, %dma_wait3A_769] : memref<1024x200x128xf32, #tpu.memory_space<hbm>> -> memref<1x200x128xf32, #tpu.memory_space<hbm>>
    %dma_wait3A_771 = tpu.memref_squeeze %dma_wait3A_770 : memref<1x200x128xf32, #tpu.memory_space<hbm>> -> memref<200x128xf32, #tpu.memory_space<hbm>>
    %dma_wait3A_772 = arith.constant 5 : i32
    %dma_wait3A_773 = arith.constant 0 : i32
    %dma_wait3A_774 = tpu.memref_slice %arg6[%dma_wait3A_772, %dma_wait3A_773] : memref<205x128xf32, #tpu.memory_space<vmem>> -> memref<200x128xf32, #tpu.memory_space<vmem>>
    %dma_wait3A_775 = arith.constant 0 : i32
    %dma_wait3A_776 = arith.constant 0 : i32
    %dma_wait3A_777 = tpu.memref_slice %arg2[%add3A_764, %dma_wait3A_775, %dma_wait3A_776] : memref<1024x200x128xf32, #tpu.memory_space<hbm>> -> memref<1x200x128xf32, #tpu.memory_space<hbm>>
    %dma_wait3A_778 = tpu.memref_squeeze %dma_wait3A_777 : memref<1x200x128xf32, #tpu.memory_space<hbm>> -> memref<200x128xf32, #tpu.memory_space<hbm>>
    tpu.wait_dma2 semaphore(%arg11 : memref<!tpu.dma_semaphore, #tpu.memory_space<semaphore_mem>>) src(%dma_wait3A_778 : memref<200x128xf32, #tpu.memory_space<hbm>>) dst(%dma_wait3A_774 : memref<200x128xf32, #tpu.memory_space<vmem>>)
    %add3A_779 = arith.constant 13 : i32
    %add3A_780 = arith.addi %mul3A_2, %add3A_779 : i32
    %dma_start3A_781 = arith.constant 0 : i32
    %dma_start3A_782 = arith.constant 0 : i32
    %dma_start3A_783 = tpu.memref_slice %arg4[%add3A_780, %dma_start3A_781, %dma_start3A_782] : memref<1024x205x128xf32, #tpu.memory_space<hbm>> -> memref<1x205x128xf32, #tpu.memory_space<hbm>>
    %dma_start3A_784 = tpu.memref_squeeze %dma_start3A_783 : memref<1x205x128xf32, #tpu.memory_space<hbm>> -> memref<205x128xf32, #tpu.memory_space<hbm>>
    %dma_start3A_785 = arith.constant 0 : i32
    %dma_start3A_786 = arith.constant 0 : i32
    %dma_start3A_787 = tpu.memref_slice %arg4[%add3A_780, %dma_start3A_785, %dma_start3A_786] : memref<1024x205x128xf32, #tpu.memory_space<hbm>> -> memref<1x205x128xf32, #tpu.memory_space<hbm>>
    %dma_start3A_788 = tpu.memref_squeeze %dma_start3A_787 : memref<1x205x128xf32, #tpu.memory_space<hbm>> -> memref<205x128xf32, #tpu.memory_space<hbm>>
    tpu.enqueue_dma source(%arg6 : memref<205x128xf32, #tpu.memory_space<vmem>>) target(%dma_start3A_788 : memref<205x128xf32, #tpu.memory_space<hbm>>) target_semaphore(%arg15 : memref<!tpu.dma_semaphore, #tpu.memory_space<semaphore_mem>>)
    %add3A_789 = arith.constant 12 : i32
    %add3A_790 = arith.addi %mul3A_2, %add3A_789 : i32
    %dma_wait3A_791 = arith.constant 0 : i32
    %dma_wait3A_792 = arith.constant 0 : i32
    %dma_wait3A_793 = tpu.memref_slice %arg4[%add3A_790, %dma_wait3A_791, %dma_wait3A_792] : memref<1024x205x128xf32, #tpu.memory_space<hbm>> -> memref<1x205x128xf32, #tpu.memory_space<hbm>>
    %dma_wait3A_794 = tpu.memref_squeeze %dma_wait3A_793 : memref<1x205x128xf32, #tpu.memory_space<hbm>> -> memref<205x128xf32, #tpu.memory_space<hbm>>
    %dma_wait3A_795 = arith.constant 0 : i32
    %dma_wait3A_796 = arith.constant 0 : i32
    %dma_wait3A_797 = tpu.memref_slice %arg4[%add3A_790, %dma_wait3A_795, %dma_wait3A_796] : memref<1024x205x128xf32, #tpu.memory_space<hbm>> -> memref<1x205x128xf32, #tpu.memory_space<hbm>>
    %dma_wait3A_798 = tpu.memref_squeeze %dma_wait3A_797 : memref<1x205x128xf32, #tpu.memory_space<hbm>> -> memref<205x128xf32, #tpu.memory_space<hbm>>
    tpu.wait_dma2 semaphore(%arg14 : memref<!tpu.dma_semaphore, #tpu.memory_space<semaphore_mem>>) src(%arg5 : memref<205x128xf32, #tpu.memory_space<vmem>>) dst(%dma_wait3A_798 : memref<205x128xf32, #tpu.memory_space<hbm>>)
    %add3A_799 = arith.constant 16 : i32
    %add3A_800 = arith.addi %mul3A_2, %add3A_799 : i32
    %dma_start3A_801 = arith.constant 5 : i32
    %dma_start3A_802 = arith.constant 0 : i32
    %dma_start3A_803 = tpu.memref_slice %arg5[%dma_start3A_801, %dma_start3A_802] : memref<205x128xf32, #tpu.memory_space<vmem>> -> memref<200x128xf32, #tpu.memory_space<vmem>>
    %dma_start3A_804 = arith.constant 0 : i32
    %dma_start3A_805 = arith.constant 0 : i32
    %dma_start3A_806 = tpu.memref_slice %arg2[%add3A_800, %dma_start3A_804, %dma_start3A_805] : memref<1024x200x128xf32, #tpu.memory_space<hbm>> -> memref<1x200x128xf32, #tpu.memory_space<hbm>>
    %dma_start3A_807 = tpu.memref_squeeze %dma_start3A_806 : memref<1x200x128xf32, #tpu.memory_space<hbm>> -> memref<200x128xf32, #tpu.memory_space<hbm>>
    %dma_start3A_808 = arith.constant 5 : i32
    %dma_start3A_809 = arith.constant 0 : i32
    %dma_start3A_810 = tpu.memref_slice %arg5[%dma_start3A_808, %dma_start3A_809] : memref<205x128xf32, #tpu.memory_space<vmem>> -> memref<200x128xf32, #tpu.memory_space<vmem>>
    %dma_start3A_811 = arith.constant 0 : i32
    %dma_start3A_812 = arith.constant 0 : i32
    %dma_start3A_813 = tpu.memref_slice %arg2[%add3A_800, %dma_start3A_811, %dma_start3A_812] : memref<1024x200x128xf32, #tpu.memory_space<hbm>> -> memref<1x200x128xf32, #tpu.memory_space<hbm>>
    %dma_start3A_814 = tpu.memref_squeeze %dma_start3A_813 : memref<1x200x128xf32, #tpu.memory_space<hbm>> -> memref<200x128xf32, #tpu.memory_space<hbm>>
    tpu.enqueue_dma source(%dma_start3A_814 : memref<200x128xf32, #tpu.memory_space<hbm>>) target(%dma_start3A_810 : memref<200x128xf32, #tpu.memory_space<vmem>>) target_semaphore(%arg10 : memref<!tpu.dma_semaphore, #tpu.memory_space<semaphore_mem>>)
    %add3A_815 = arith.constant 14 : i32
    %add3A_816 = arith.addi %mul3A_2, %add3A_815 : i32
    %dma_wait3A_817 = arith.constant 5 : i32
    %dma_wait3A_818 = arith.constant 0 : i32
    %dma_wait3A_819 = tpu.memref_slice %arg7[%dma_wait3A_817, %dma_wait3A_818] : memref<205x128xf32, #tpu.memory_space<vmem>> -> memref<200x128xf32, #tpu.memory_space<vmem>>
    %dma_wait3A_820 = arith.constant 0 : i32
    %dma_wait3A_821 = arith.constant 0 : i32
    %dma_wait3A_822 = tpu.memref_slice %arg2[%add3A_816, %dma_wait3A_820, %dma_wait3A_821] : memref<1024x200x128xf32, #tpu.memory_space<hbm>> -> memref<1x200x128xf32, #tpu.memory_space<hbm>>
    %dma_wait3A_823 = tpu.memref_squeeze %dma_wait3A_822 : memref<1x200x128xf32, #tpu.memory_space<hbm>> -> memref<200x128xf32, #tpu.memory_space<hbm>>
    %dma_wait3A_824 = arith.constant 5 : i32
    %dma_wait3A_825 = arith.constant 0 : i32
    %dma_wait3A_826 = tpu.memref_slice %arg7[%dma_wait3A_824, %dma_wait3A_825] : memref<205x128xf32, #tpu.memory_space<vmem>> -> memref<200x128xf32, #tpu.memory_space<vmem>>
    %dma_wait3A_827 = arith.constant 0 : i32
    %dma_wait3A_828 = arith.constant 0 : i32
    %dma_wait3A_829 = tpu.memref_slice %arg2[%add3A_816, %dma_wait3A_827, %dma_wait3A_828] : memref<1024x200x128xf32, #tpu.memory_space<hbm>> -> memref<1x200x128xf32, #tpu.memory_space<hbm>>
    %dma_wait3A_830 = tpu.memref_squeeze %dma_wait3A_829 : memref<1x200x128xf32, #tpu.memory_space<hbm>> -> memref<200x128xf32, #tpu.memory_space<hbm>>
    tpu.wait_dma2 semaphore(%arg12 : memref<!tpu.dma_semaphore, #tpu.memory_space<semaphore_mem>>) src(%dma_wait3A_830 : memref<200x128xf32, #tpu.memory_space<hbm>>) dst(%dma_wait3A_826 : memref<200x128xf32, #tpu.memory_space<vmem>>)
    %add3A_831 = arith.constant 14 : i32
    %add3A_832 = arith.addi %mul3A_2, %add3A_831 : i32
    %dma_start3A_833 = arith.constant 0 : i32
    %dma_start3A_834 = arith.constant 0 : i32
    %dma_start3A_835 = tpu.memref_slice %arg4[%add3A_832, %dma_start3A_833, %dma_start3A_834] : memref<1024x205x128xf32, #tpu.memory_space<hbm>> -> memref<1x205x128xf32, #tpu.memory_space<hbm>>
    %dma_start3A_836 = tpu.memref_squeeze %dma_start3A_835 : memref<1x205x128xf32, #tpu.memory_space<hbm>> -> memref<205x128xf32, #tpu.memory_space<hbm>>
    %dma_start3A_837 = arith.constant 0 : i32
    %dma_start3A_838 = arith.constant 0 : i32
    %dma_start3A_839 = tpu.memref_slice %arg4[%add3A_832, %dma_start3A_837, %dma_start3A_838] : memref<1024x205x128xf32, #tpu.memory_space<hbm>> -> memref<1x205x128xf32, #tpu.memory_space<hbm>>
    %dma_start3A_840 = tpu.memref_squeeze %dma_start3A_839 : memref<1x205x128xf32, #tpu.memory_space<hbm>> -> memref<205x128xf32, #tpu.memory_space<hbm>>
    tpu.enqueue_dma source(%arg7 : memref<205x128xf32, #tpu.memory_space<vmem>>) target(%dma_start3A_840 : memref<205x128xf32, #tpu.memory_space<hbm>>) target_semaphore(%arg16 : memref<!tpu.dma_semaphore, #tpu.memory_space<semaphore_mem>>)
    %add3A_841 = arith.constant 13 : i32
    %add3A_842 = arith.addi %mul3A_2, %add3A_841 : i32
    %dma_wait3A_843 = arith.constant 0 : i32
    %dma_wait3A_844 = arith.constant 0 : i32
    %dma_wait3A_845 = tpu.memref_slice %arg4[%add3A_842, %dma_wait3A_843, %dma_wait3A_844] : memref<1024x205x128xf32, #tpu.memory_space<hbm>> -> memref<1x205x128xf32, #tpu.memory_space<hbm>>
    %dma_wait3A_846 = tpu.memref_squeeze %dma_wait3A_845 : memref<1x205x128xf32, #tpu.memory_space<hbm>> -> memref<205x128xf32, #tpu.memory_space<hbm>>
    %dma_wait3A_847 = arith.constant 0 : i32
    %dma_wait3A_848 = arith.constant 0 : i32
    %dma_wait3A_849 = tpu.memref_slice %arg4[%add3A_842, %dma_wait3A_847, %dma_wait3A_848] : memref<1024x205x128xf32, #tpu.memory_space<hbm>> -> memref<1x205x128xf32, #tpu.memory_space<hbm>>
    %dma_wait3A_850 = tpu.memref_squeeze %dma_wait3A_849 : memref<1x205x128xf32, #tpu.memory_space<hbm>> -> memref<205x128xf32, #tpu.memory_space<hbm>>
    tpu.wait_dma2 semaphore(%arg15 : memref<!tpu.dma_semaphore, #tpu.memory_space<semaphore_mem>>) src(%arg6 : memref<205x128xf32, #tpu.memory_space<vmem>>) dst(%dma_wait3A_850 : memref<205x128xf32, #tpu.memory_space<hbm>>)
    %add3A_851 = arith.constant 17 : i32
    %add3A_852 = arith.addi %mul3A_2, %add3A_851 : i32
    %dma_start3A_853 = arith.constant 5 : i32
    %dma_start3A_854 = arith.constant 0 : i32
    %dma_start3A_855 = tpu.memref_slice %arg6[%dma_start3A_853, %dma_start3A_854] : memref<205x128xf32, #tpu.memory_space<vmem>> -> memref<200x128xf32, #tpu.memory_space<vmem>>
    %dma_start3A_856 = arith.constant 0 : i32
    %dma_start3A_857 = arith.constant 0 : i32
    %dma_start3A_858 = tpu.memref_slice %arg2[%add3A_852, %dma_start3A_856, %dma_start3A_857] : memref<1024x200x128xf32, #tpu.memory_space<hbm>> -> memref<1x200x128xf32, #tpu.memory_space<hbm>>
    %dma_start3A_859 = tpu.memref_squeeze %dma_start3A_858 : memref<1x200x128xf32, #tpu.memory_space<hbm>> -> memref<200x128xf32, #tpu.memory_space<hbm>>
    %dma_start3A_860 = arith.constant 5 : i32
    %dma_start3A_861 = arith.constant 0 : i32
    %dma_start3A_862 = tpu.memref_slice %arg6[%dma_start3A_860, %dma_start3A_861] : memref<205x128xf32, #tpu.memory_space<vmem>> -> memref<200x128xf32, #tpu.memory_space<vmem>>
    %dma_start3A_863 = arith.constant 0 : i32
    %dma_start3A_864 = arith.constant 0 : i32
    %dma_start3A_865 = tpu.memref_slice %arg2[%add3A_852, %dma_start3A_863, %dma_start3A_864] : memref<1024x200x128xf32, #tpu.memory_space<hbm>> -> memref<1x200x128xf32, #tpu.memory_space<hbm>>
    %dma_start3A_866 = tpu.memref_squeeze %dma_start3A_865 : memref<1x200x128xf32, #tpu.memory_space<hbm>> -> memref<200x128xf32, #tpu.memory_space<hbm>>
    tpu.enqueue_dma source(%dma_start3A_866 : memref<200x128xf32, #tpu.memory_space<hbm>>) target(%dma_start3A_862 : memref<200x128xf32, #tpu.memory_space<vmem>>) target_semaphore(%arg11 : memref<!tpu.dma_semaphore, #tpu.memory_space<semaphore_mem>>)
    %add3A_867 = arith.constant 15 : i32
    %add3A_868 = arith.addi %mul3A_2, %add3A_867 : i32
    %dma_wait3A_869 = arith.constant 5 : i32
    %dma_wait3A_870 = arith.constant 0 : i32
    %dma_wait3A_871 = tpu.memref_slice %arg8[%dma_wait3A_869, %dma_wait3A_870] : memref<205x128xf32, #tpu.memory_space<vmem>> -> memref<200x128xf32, #tpu.memory_space<vmem>>
    %dma_wait3A_872 = arith.constant 0 : i32
    %dma_wait3A_873 = arith.constant 0 : i32
    %dma_wait3A_874 = tpu.memref_slice %arg2[%add3A_868, %dma_wait3A_872, %dma_wait3A_873] : memref<1024x200x128xf32, #tpu.memory_space<hbm>> -> memref<1x200x128xf32, #tpu.memory_space<hbm>>
    %dma_wait3A_875 = tpu.memref_squeeze %dma_wait3A_874 : memref<1x200x128xf32, #tpu.memory_space<hbm>> -> memref<200x128xf32, #tpu.memory_space<hbm>>
    %dma_wait3A_876 = arith.constant 5 : i32
    %dma_wait3A_877 = arith.constant 0 : i32
    %dma_wait3A_878 = tpu.memref_slice %arg8[%dma_wait3A_876, %dma_wait3A_877] : memref<205x128xf32, #tpu.memory_space<vmem>> -> memref<200x128xf32, #tpu.memory_space<vmem>>
    %dma_wait3A_879 = arith.constant 0 : i32
    %dma_wait3A_880 = arith.constant 0 : i32
    %dma_wait3A_881 = tpu.memref_slice %arg2[%add3A_868, %dma_wait3A_879, %dma_wait3A_880] : memref<1024x200x128xf32, #tpu.memory_space<hbm>> -> memref<1x200x128xf32, #tpu.memory_space<hbm>>
    %dma_wait3A_882 = tpu.memref_squeeze %dma_wait3A_881 : memref<1x200x128xf32, #tpu.memory_space<hbm>> -> memref<200x128xf32, #tpu.memory_space<hbm>>
    tpu.wait_dma2 semaphore(%arg13 : memref<!tpu.dma_semaphore, #tpu.memory_space<semaphore_mem>>) src(%dma_wait3A_882 : memref<200x128xf32, #tpu.memory_space<hbm>>) dst(%dma_wait3A_878 : memref<200x128xf32, #tpu.memory_space<vmem>>)
    %add3A_883 = arith.constant 15 : i32
    %add3A_884 = arith.addi %mul3A_2, %add3A_883 : i32
    %dma_start3A_885 = arith.constant 0 : i32
    %dma_start3A_886 = arith.constant 0 : i32
    %dma_start3A_887 = tpu.memref_slice %arg4[%add3A_884, %dma_start3A_885, %dma_start3A_886] : memref<1024x205x128xf32, #tpu.memory_space<hbm>> -> memref<1x205x128xf32, #tpu.memory_space<hbm>>
    %dma_start3A_888 = tpu.memref_squeeze %dma_start3A_887 : memref<1x205x128xf32, #tpu.memory_space<hbm>> -> memref<205x128xf32, #tpu.memory_space<hbm>>
    %dma_start3A_889 = arith.constant 0 : i32
    %dma_start3A_890 = arith.constant 0 : i32
    %dma_start3A_891 = tpu.memref_slice %arg4[%add3A_884, %dma_start3A_889, %dma_start3A_890] : memref<1024x205x128xf32, #tpu.memory_space<hbm>> -> memref<1x205x128xf32, #tpu.memory_space<hbm>>
    %dma_start3A_892 = tpu.memref_squeeze %dma_start3A_891 : memref<1x205x128xf32, #tpu.memory_space<hbm>> -> memref<205x128xf32, #tpu.memory_space<hbm>>
    tpu.enqueue_dma source(%arg8 : memref<205x128xf32, #tpu.memory_space<vmem>>) target(%dma_start3A_892 : memref<205x128xf32, #tpu.memory_space<hbm>>) target_semaphore(%arg17 : memref<!tpu.dma_semaphore, #tpu.memory_space<semaphore_mem>>)
    %add3A_893 = arith.constant 14 : i32
    %add3A_894 = arith.addi %mul3A_2, %add3A_893 : i32
    %dma_wait3A_895 = arith.constant 0 : i32
    %dma_wait3A_896 = arith.constant 0 : i32
    %dma_wait3A_897 = tpu.memref_slice %arg4[%add3A_894, %dma_wait3A_895, %dma_wait3A_896] : memref<1024x205x128xf32, #tpu.memory_space<hbm>> -> memref<1x205x128xf32, #tpu.memory_space<hbm>>
    %dma_wait3A_898 = tpu.memref_squeeze %dma_wait3A_897 : memref<1x205x128xf32, #tpu.memory_space<hbm>> -> memref<205x128xf32, #tpu.memory_space<hbm>>
    %dma_wait3A_899 = arith.constant 0 : i32
    %dma_wait3A_900 = arith.constant 0 : i32
    %dma_wait3A_901 = tpu.memref_slice %arg4[%add3A_894, %dma_wait3A_899, %dma_wait3A_900] : memref<1024x205x128xf32, #tpu.memory_space<hbm>> -> memref<1x205x128xf32, #tpu.memory_space<hbm>>
    %dma_wait3A_902 = tpu.memref_squeeze %dma_wait3A_901 : memref<1x205x128xf32, #tpu.memory_space<hbm>> -> memref<205x128xf32, #tpu.memory_space<hbm>>
    tpu.wait_dma2 semaphore(%arg16 : memref<!tpu.dma_semaphore, #tpu.memory_space<semaphore_mem>>) src(%arg7 : memref<205x128xf32, #tpu.memory_space<vmem>>) dst(%dma_wait3A_902 : memref<205x128xf32, #tpu.memory_space<hbm>>)
    %add3A_903 = arith.constant 18 : i32
    %add3A_904 = arith.addi %mul3A_2, %add3A_903 : i32
    %dma_start3A_905 = arith.constant 5 : i32
    %dma_start3A_906 = arith.constant 0 : i32
    %dma_start3A_907 = tpu.memref_slice %arg7[%dma_start3A_905, %dma_start3A_906] : memref<205x128xf32, #tpu.memory_space<vmem>> -> memref<200x128xf32, #tpu.memory_space<vmem>>
    %dma_start3A_908 = arith.constant 0 : i32
    %dma_start3A_909 = arith.constant 0 : i32
    %dma_start3A_910 = tpu.memref_slice %arg2[%add3A_904, %dma_start3A_908, %dma_start3A_909] : memref<1024x200x128xf32, #tpu.memory_space<hbm>> -> memref<1x200x128xf32, #tpu.memory_space<hbm>>
    %dma_start3A_911 = tpu.memref_squeeze %dma_start3A_910 : memref<1x200x128xf32, #tpu.memory_space<hbm>> -> memref<200x128xf32, #tpu.memory_space<hbm>>
    %dma_start3A_912 = arith.constant 5 : i32
    %dma_start3A_913 = arith.constant 0 : i32
    %dma_start3A_914 = tpu.memref_slice %arg7[%dma_start3A_912, %dma_start3A_913] : memref<205x128xf32, #tpu.memory_space<vmem>> -> memref<200x128xf32, #tpu.memory_space<vmem>>
    %dma_start3A_915 = arith.constant 0 : i32
    %dma_start3A_916 = arith.constant 0 : i32
    %dma_start3A_917 = tpu.memref_slice %arg2[%add3A_904, %dma_start3A_915, %dma_start3A_916] : memref<1024x200x128xf32, #tpu.memory_space<hbm>> -> memref<1x200x128xf32, #tpu.memory_space<hbm>>
    %dma_start3A_918 = tpu.memref_squeeze %dma_start3A_917 : memref<1x200x128xf32, #tpu.memory_space<hbm>> -> memref<200x128xf32, #tpu.memory_space<hbm>>
    tpu.enqueue_dma source(%dma_start3A_918 : memref<200x128xf32, #tpu.memory_space<hbm>>) target(%dma_start3A_914 : memref<200x128xf32, #tpu.memory_space<vmem>>) target_semaphore(%arg12 : memref<!tpu.dma_semaphore, #tpu.memory_space<semaphore_mem>>)
    %add3A_919 = arith.constant 16 : i32
    %add3A_920 = arith.addi %mul3A_2, %add3A_919 : i32
    %dma_wait3A_921 = arith.constant 5 : i32
    %dma_wait3A_922 = arith.constant 0 : i32
    %dma_wait3A_923 = tpu.memref_slice %arg5[%dma_wait3A_921, %dma_wait3A_922] : memref<205x128xf32, #tpu.memory_space<vmem>> -> memref<200x128xf32, #tpu.memory_space<vmem>>
    %dma_wait3A_924 = arith.constant 0 : i32
    %dma_wait3A_925 = arith.constant 0 : i32
    %dma_wait3A_926 = tpu.memref_slice %arg2[%add3A_920, %dma_wait3A_924, %dma_wait3A_925] : memref<1024x200x128xf32, #tpu.memory_space<hbm>> -> memref<1x200x128xf32, #tpu.memory_space<hbm>>
    %dma_wait3A_927 = tpu.memref_squeeze %dma_wait3A_926 : memref<1x200x128xf32, #tpu.memory_space<hbm>> -> memref<200x128xf32, #tpu.memory_space<hbm>>
    %dma_wait3A_928 = arith.constant 5 : i32
    %dma_wait3A_929 = arith.constant 0 : i32
    %dma_wait3A_930 = tpu.memref_slice %arg5[%dma_wait3A_928, %dma_wait3A_929] : memref<205x128xf32, #tpu.memory_space<vmem>> -> memref<200x128xf32, #tpu.memory_space<vmem>>
    %dma_wait3A_931 = arith.constant 0 : i32
    %dma_wait3A_932 = arith.constant 0 : i32
    %dma_wait3A_933 = tpu.memref_slice %arg2[%add3A_920, %dma_wait3A_931, %dma_wait3A_932] : memref<1024x200x128xf32, #tpu.memory_space<hbm>> -> memref<1x200x128xf32, #tpu.memory_space<hbm>>
    %dma_wait3A_934 = tpu.memref_squeeze %dma_wait3A_933 : memref<1x200x128xf32, #tpu.memory_space<hbm>> -> memref<200x128xf32, #tpu.memory_space<hbm>>
    tpu.wait_dma2 semaphore(%arg10 : memref<!tpu.dma_semaphore, #tpu.memory_space<semaphore_mem>>) src(%dma_wait3A_934 : memref<200x128xf32, #tpu.memory_space<hbm>>) dst(%dma_wait3A_930 : memref<200x128xf32, #tpu.memory_space<vmem>>)
    %add3A_935 = arith.constant 16 : i32
    %add3A_936 = arith.addi %mul3A_2, %add3A_935 : i32
    %dma_start3A_937 = arith.constant 0 : i32
    %dma_start3A_938 = arith.constant 0 : i32
    %dma_start3A_939 = tpu.memref_slice %arg4[%add3A_936, %dma_start3A_937, %dma_start3A_938] : memref<1024x205x128xf32, #tpu.memory_space<hbm>> -> memref<1x205x128xf32, #tpu.memory_space<hbm>>
    %dma_start3A_940 = tpu.memref_squeeze %dma_start3A_939 : memref<1x205x128xf32, #tpu.memory_space<hbm>> -> memref<205x128xf32, #tpu.memory_space<hbm>>
    %dma_start3A_941 = arith.constant 0 : i32
    %dma_start3A_942 = arith.constant 0 : i32
    %dma_start3A_943 = tpu.memref_slice %arg4[%add3A_936, %dma_start3A_941, %dma_start3A_942] : memref<1024x205x128xf32, #tpu.memory_space<hbm>> -> memref<1x205x128xf32, #tpu.memory_space<hbm>>
    %dma_start3A_944 = tpu.memref_squeeze %dma_start3A_943 : memref<1x205x128xf32, #tpu.memory_space<hbm>> -> memref<205x128xf32, #tpu.memory_space<hbm>>
    tpu.enqueue_dma source(%arg5 : memref<205x128xf32, #tpu.memory_space<vmem>>) target(%dma_start3A_944 : memref<205x128xf32, #tpu.memory_space<hbm>>) target_semaphore(%arg14 : memref<!tpu.dma_semaphore, #tpu.memory_space<semaphore_mem>>)
    %add3A_945 = arith.constant 15 : i32
    %add3A_946 = arith.addi %mul3A_2, %add3A_945 : i32
    %dma_wait3A_947 = arith.constant 0 : i32
    %dma_wait3A_948 = arith.constant 0 : i32
    %dma_wait3A_949 = tpu.memref_slice %arg4[%add3A_946, %dma_wait3A_947, %dma_wait3A_948] : memref<1024x205x128xf32, #tpu.memory_space<hbm>> -> memref<1x205x128xf32, #tpu.memory_space<hbm>>
    %dma_wait3A_950 = tpu.memref_squeeze %dma_wait3A_949 : memref<1x205x128xf32, #tpu.memory_space<hbm>> -> memref<205x128xf32, #tpu.memory_space<hbm>>
    %dma_wait3A_951 = arith.constant 0 : i32
    %dma_wait3A_952 = arith.constant 0 : i32
    %dma_wait3A_953 = tpu.memref_slice %arg4[%add3A_946, %dma_wait3A_951, %dma_wait3A_952] : memref<1024x205x128xf32, #tpu.memory_space<hbm>> -> memref<1x205x128xf32, #tpu.memory_space<hbm>>
    %dma_wait3A_954 = tpu.memref_squeeze %dma_wait3A_953 : memref<1x205x128xf32, #tpu.memory_space<hbm>> -> memref<205x128xf32, #tpu.memory_space<hbm>>
    tpu.wait_dma2 semaphore(%arg17 : memref<!tpu.dma_semaphore, #tpu.memory_space<semaphore_mem>>) src(%arg8 : memref<205x128xf32, #tpu.memory_space<vmem>>) dst(%dma_wait3A_954 : memref<205x128xf32, #tpu.memory_space<hbm>>)
    %add3A_955 = arith.constant 19 : i32
    %add3A_956 = arith.addi %mul3A_2, %add3A_955 : i32
    %dma_start3A_957 = arith.constant 5 : i32
    %dma_start3A_958 = arith.constant 0 : i32
    %dma_start3A_959 = tpu.memref_slice %arg8[%dma_start3A_957, %dma_start3A_958] : memref<205x128xf32, #tpu.memory_space<vmem>> -> memref<200x128xf32, #tpu.memory_space<vmem>>
    %dma_start3A_960 = arith.constant 0 : i32
    %dma_start3A_961 = arith.constant 0 : i32
    %dma_start3A_962 = tpu.memref_slice %arg2[%add3A_956, %dma_start3A_960, %dma_start3A_961] : memref<1024x200x128xf32, #tpu.memory_space<hbm>> -> memref<1x200x128xf32, #tpu.memory_space<hbm>>
    %dma_start3A_963 = tpu.memref_squeeze %dma_start3A_962 : memref<1x200x128xf32, #tpu.memory_space<hbm>> -> memref<200x128xf32, #tpu.memory_space<hbm>>
    %dma_start3A_964 = arith.constant 5 : i32
    %dma_start3A_965 = arith.constant 0 : i32
    %dma_start3A_966 = tpu.memref_slice %arg8[%dma_start3A_964, %dma_start3A_965] : memref<205x128xf32, #tpu.memory_space<vmem>> -> memref<200x128xf32, #tpu.memory_space<vmem>>
    %dma_start3A_967 = arith.constant 0 : i32
    %dma_start3A_968 = arith.constant 0 : i32
    %dma_start3A_969 = tpu.memref_slice %arg2[%add3A_956, %dma_start3A_967, %dma_start3A_968] : memref<1024x200x128xf32, #tpu.memory_space<hbm>> -> memref<1x200x128xf32, #tpu.memory_space<hbm>>
    %dma_start3A_970 = tpu.memref_squeeze %dma_start3A_969 : memref<1x200x128xf32, #tpu.memory_space<hbm>> -> memref<200x128xf32, #tpu.memory_space<hbm>>
    tpu.enqueue_dma source(%dma_start3A_970 : memref<200x128xf32, #tpu.memory_space<hbm>>) target(%dma_start3A_966 : memref<200x128xf32, #tpu.memory_space<vmem>>) target_semaphore(%arg13 : memref<!tpu.dma_semaphore, #tpu.memory_space<semaphore_mem>>)
    %add3A_971 = arith.constant 17 : i32
    %add3A_972 = arith.addi %mul3A_2, %add3A_971 : i32
    %dma_wait3A_973 = arith.constant 5 : i32
    %dma_wait3A_974 = arith.constant 0 : i32
    %dma_wait3A_975 = tpu.memref_slice %arg6[%dma_wait3A_973, %dma_wait3A_974] : memref<205x128xf32, #tpu.memory_space<vmem>> -> memref<200x128xf32, #tpu.memory_space<vmem>>
    %dma_wait3A_976 = arith.constant 0 : i32
    %dma_wait3A_977 = arith.constant 0 : i32
    %dma_wait3A_978 = tpu.memref_slice %arg2[%add3A_972, %dma_wait3A_976, %dma_wait3A_977] : memref<1024x200x128xf32, #tpu.memory_space<hbm>> -> memref<1x200x128xf32, #tpu.memory_space<hbm>>
    %dma_wait3A_979 = tpu.memref_squeeze %dma_wait3A_978 : memref<1x200x128xf32, #tpu.memory_space<hbm>> -> memref<200x128xf32, #tpu.memory_space<hbm>>
    %dma_wait3A_980 = arith.constant 5 : i32
    %dma_wait3A_981 = arith.constant 0 : i32
    %dma_wait3A_982 = tpu.memref_slice %arg6[%dma_wait3A_980, %dma_wait3A_981] : memref<205x128xf32, #tpu.memory_space<vmem>> -> memref<200x128xf32, #tpu.memory_space<vmem>>
    %dma_wait3A_983 = arith.constant 0 : i32
    %dma_wait3A_984 = arith.constant 0 : i32
    %dma_wait3A_985 = tpu.memref_slice %arg2[%add3A_972, %dma_wait3A_983, %dma_wait3A_984] : memref<1024x200x128xf32, #tpu.memory_space<hbm>> -> memref<1x200x128xf32, #tpu.memory_space<hbm>>
    %dma_wait3A_986 = tpu.memref_squeeze %dma_wait3A_985 : memref<1x200x128xf32, #tpu.memory_space<hbm>> -> memref<200x128xf32, #tpu.memory_space<hbm>>
    tpu.wait_dma2 semaphore(%arg11 : memref<!tpu.dma_semaphore, #tpu.memory_space<semaphore_mem>>) src(%dma_wait3A_986 : memref<200x128xf32, #tpu.memory_space<hbm>>) dst(%dma_wait3A_982 : memref<200x128xf32, #tpu.memory_space<vmem>>)
    %add3A_987 = arith.constant 17 : i32
    %add3A_988 = arith.addi %mul3A_2, %add3A_987 : i32
    %dma_start3A_989 = arith.constant 0 : i32
    %dma_start3A_990 = arith.constant 0 : i32
    %dma_start3A_991 = tpu.memref_slice %arg4[%add3A_988, %dma_start3A_989, %dma_start3A_990] : memref<1024x205x128xf32, #tpu.memory_space<hbm>> -> memref<1x205x128xf32, #tpu.memory_space<hbm>>
    %dma_start3A_992 = tpu.memref_squeeze %dma_start3A_991 : memref<1x205x128xf32, #tpu.memory_space<hbm>> -> memref<205x128xf32, #tpu.memory_space<hbm>>
    %dma_start3A_993 = arith.constant 0 : i32
    %dma_start3A_994 = arith.constant 0 : i32
    %dma_start3A_995 = tpu.memref_slice %arg4[%add3A_988, %dma_start3A_993, %dma_start3A_994] : memref<1024x205x128xf32, #tpu.memory_space<hbm>> -> memref<1x205x128xf32, #tpu.memory_space<hbm>>
    %dma_start3A_996 = tpu.memref_squeeze %dma_start3A_995 : memref<1x205x128xf32, #tpu.memory_space<hbm>> -> memref<205x128xf32, #tpu.memory_space<hbm>>
    tpu.enqueue_dma source(%arg6 : memref<205x128xf32, #tpu.memory_space<vmem>>) target(%dma_start3A_996 : memref<205x128xf32, #tpu.memory_space<hbm>>) target_semaphore(%arg15 : memref<!tpu.dma_semaphore, #tpu.memory_space<semaphore_mem>>)
    %add3A_997 = arith.constant 16 : i32
    %add3A_998 = arith.addi %mul3A_2, %add3A_997 : i32
    %dma_wait3A_999 = arith.constant 0 : i32
    %dma_wait3A_1000 = arith.constant 0 : i32
    %dma_wait3A_1001 = tpu.memref_slice %arg4[%add3A_998, %dma_wait3A_999, %dma_wait3A_1000] : memref<1024x205x128xf32, #tpu.memory_space<hbm>> -> memref<1x205x128xf32, #tpu.memory_space<hbm>>
    %dma_wait3A_1002 = tpu.memref_squeeze %dma_wait3A_1001 : memref<1x205x128xf32, #tpu.memory_space<hbm>> -> memref<205x128xf32, #tpu.memory_space<hbm>>
    %dma_wait3A_1003 = arith.constant 0 : i32
    %dma_wait3A_1004 = arith.constant 0 : i32
    %dma_wait3A_1005 = tpu.memref_slice %arg4[%add3A_998, %dma_wait3A_1003, %dma_wait3A_1004] : memref<1024x205x128xf32, #tpu.memory_space<hbm>> -> memref<1x205x128xf32, #tpu.memory_space<hbm>>
    %dma_wait3A_1006 = tpu.memref_squeeze %dma_wait3A_1005 : memref<1x205x128xf32, #tpu.memory_space<hbm>> -> memref<205x128xf32, #tpu.memory_space<hbm>>
    tpu.wait_dma2 semaphore(%arg14 : memref<!tpu.dma_semaphore, #tpu.memory_space<semaphore_mem>>) src(%arg5 : memref<205x128xf32, #tpu.memory_space<vmem>>) dst(%dma_wait3A_1006 : memref<205x128xf32, #tpu.memory_space<hbm>>)
    %add3A_1007 = arith.constant 20 : i32
    %add3A_1008 = arith.addi %mul3A_2, %add3A_1007 : i32
    %dma_start3A_1009 = arith.constant 5 : i32
    %dma_start3A_1010 = arith.constant 0 : i32
    %dma_start3A_1011 = tpu.memref_slice %arg5[%dma_start3A_1009, %dma_start3A_1010] : memref<205x128xf32, #tpu.memory_space<vmem>> -> memref<200x128xf32, #tpu.memory_space<vmem>>
    %dma_start3A_1012 = arith.constant 0 : i32
    %dma_start3A_1013 = arith.constant 0 : i32
    %dma_start3A_1014 = tpu.memref_slice %arg2[%add3A_1008, %dma_start3A_1012, %dma_start3A_1013] : memref<1024x200x128xf32, #tpu.memory_space<hbm>> -> memref<1x200x128xf32, #tpu.memory_space<hbm>>
    %dma_start3A_1015 = tpu.memref_squeeze %dma_start3A_1014 : memref<1x200x128xf32, #tpu.memory_space<hbm>> -> memref<200x128xf32, #tpu.memory_space<hbm>>
    %dma_start3A_1016 = arith.constant 5 : i32
    %dma_start3A_1017 = arith.constant 0 : i32
    %dma_start3A_1018 = tpu.memref_slice %arg5[%dma_start3A_1016, %dma_start3A_1017] : memref<205x128xf32, #tpu.memory_space<vmem>> -> memref<200x128xf32, #tpu.memory_space<vmem>>
    %dma_start3A_1019 = arith.constant 0 : i32
    %dma_start3A_1020 = arith.constant 0 : i32
    %dma_start3A_1021 = tpu.memref_slice %arg2[%add3A_1008, %dma_start3A_1019, %dma_start3A_1020] : memref<1024x200x128xf32, #tpu.memory_space<hbm>> -> memref<1x200x128xf32, #tpu.memory_space<hbm>>
    %dma_start3A_1022 = tpu.memref_squeeze %dma_start3A_1021 : memref<1x200x128xf32, #tpu.memory_space<hbm>> -> memref<200x128xf32, #tpu.memory_space<hbm>>
    tpu.enqueue_dma source(%dma_start3A_1022 : memref<200x128xf32, #tpu.memory_space<hbm>>) target(%dma_start3A_1018 : memref<200x128xf32, #tpu.memory_space<vmem>>) target_semaphore(%arg10 : memref<!tpu.dma_semaphore, #tpu.memory_space<semaphore_mem>>)
    %add3A_1023 = arith.constant 18 : i32
    %add3A_1024 = arith.addi %mul3A_2, %add3A_1023 : i32
    %dma_wait3A_1025 = arith.constant 5 : i32
    %dma_wait3A_1026 = arith.constant 0 : i32
    %dma_wait3A_1027 = tpu.memref_slice %arg7[%dma_wait3A_1025, %dma_wait3A_1026] : memref<205x128xf32, #tpu.memory_space<vmem>> -> memref<200x128xf32, #tpu.memory_space<vmem>>
    %dma_wait3A_1028 = arith.constant 0 : i32
    %dma_wait3A_1029 = arith.constant 0 : i32
    %dma_wait3A_1030 = tpu.memref_slice %arg2[%add3A_1024, %dma_wait3A_1028, %dma_wait3A_1029] : memref<1024x200x128xf32, #tpu.memory_space<hbm>> -> memref<1x200x128xf32, #tpu.memory_space<hbm>>
    %dma_wait3A_1031 = tpu.memref_squeeze %dma_wait3A_1030 : memref<1x200x128xf32, #tpu.memory_space<hbm>> -> memref<200x128xf32, #tpu.memory_space<hbm>>
    %dma_wait3A_1032 = arith.constant 5 : i32
    %dma_wait3A_1033 = arith.constant 0 : i32
    %dma_wait3A_1034 = tpu.memref_slice %arg7[%dma_wait3A_1032, %dma_wait3A_1033] : memref<205x128xf32, #tpu.memory_space<vmem>> -> memref<200x128xf32, #tpu.memory_space<vmem>>
    %dma_wait3A_1035 = arith.constant 0 : i32
    %dma_wait3A_1036 = arith.constant 0 : i32
    %dma_wait3A_1037 = tpu.memref_slice %arg2[%add3A_1024, %dma_wait3A_1035, %dma_wait3A_1036] : memref<1024x200x128xf32, #tpu.memory_space<hbm>> -> memref<1x200x128xf32, #tpu.memory_space<hbm>>
    %dma_wait3A_1038 = tpu.memref_squeeze %dma_wait3A_1037 : memref<1x200x128xf32, #tpu.memory_space<hbm>> -> memref<200x128xf32, #tpu.memory_space<hbm>>
    tpu.wait_dma2 semaphore(%arg12 : memref<!tpu.dma_semaphore, #tpu.memory_space<semaphore_mem>>) src(%dma_wait3A_1038 : memref<200x128xf32, #tpu.memory_space<hbm>>) dst(%dma_wait3A_1034 : memref<200x128xf32, #tpu.memory_space<vmem>>)
    %add3A_1039 = arith.constant 18 : i32
    %add3A_1040 = arith.addi %mul3A_2, %add3A_1039 : i32
    %dma_start3A_1041 = arith.constant 0 : i32
    %dma_start3A_1042 = arith.constant 0 : i32
    %dma_start3A_1043 = tpu.memref_slice %arg4[%add3A_1040, %dma_start3A_1041, %dma_start3A_1042] : memref<1024x205x128xf32, #tpu.memory_space<hbm>> -> memref<1x205x128xf32, #tpu.memory_space<hbm>>
    %dma_start3A_1044 = tpu.memref_squeeze %dma_start3A_1043 : memref<1x205x128xf32, #tpu.memory_space<hbm>> -> memref<205x128xf32, #tpu.memory_space<hbm>>
    %dma_start3A_1045 = arith.constant 0 : i32
    %dma_start3A_1046 = arith.constant 0 : i32
    %dma_start3A_1047 = tpu.memref_slice %arg4[%add3A_1040, %dma_start3A_1045, %dma_start3A_1046] : memref<1024x205x128xf32, #tpu.memory_space<hbm>> -> memref<1x205x128xf32, #tpu.memory_space<hbm>>
    %dma_start3A_1048 = tpu.memref_squeeze %dma_start3A_1047 : memref<1x205x128xf32, #tpu.memory_space<hbm>> -> memref<205x128xf32, #tpu.memory_space<hbm>>
    tpu.enqueue_dma source(%arg7 : memref<205x128xf32, #tpu.memory_space<vmem>>) target(%dma_start3A_1048 : memref<205x128xf32, #tpu.memory_space<hbm>>) target_semaphore(%arg16 : memref<!tpu.dma_semaphore, #tpu.memory_space<semaphore_mem>>)
    %add3A_1049 = arith.constant 17 : i32
    %add3A_1050 = arith.addi %mul3A_2, %add3A_1049 : i32
    %dma_wait3A_1051 = arith.constant 0 : i32
    %dma_wait3A_1052 = arith.constant 0 : i32
    %dma_wait3A_1053 = tpu.memref_slice %arg4[%add3A_1050, %dma_wait3A_1051, %dma_wait3A_1052] : memref<1024x205x128xf32, #tpu.memory_space<hbm>> -> memref<1x205x128xf32, #tpu.memory_space<hbm>>
    %dma_wait3A_1054 = tpu.memref_squeeze %dma_wait3A_1053 : memref<1x205x128xf32, #tpu.memory_space<hbm>> -> memref<205x128xf32, #tpu.memory_space<hbm>>
    %dma_wait3A_1055 = arith.constant 0 : i32
    %dma_wait3A_1056 = arith.constant 0 : i32
    %dma_wait3A_1057 = tpu.memref_slice %arg4[%add3A_1050, %dma_wait3A_1055, %dma_wait3A_1056] : memref<1024x205x128xf32, #tpu.memory_space<hbm>> -> memref<1x205x128xf32, #tpu.memory_space<hbm>>
    %dma_wait3A_1058 = tpu.memref_squeeze %dma_wait3A_1057 : memref<1x205x128xf32, #tpu.memory_space<hbm>> -> memref<205x128xf32, #tpu.memory_space<hbm>>
    tpu.wait_dma2 semaphore(%arg15 : memref<!tpu.dma_semaphore, #tpu.memory_space<semaphore_mem>>) src(%arg6 : memref<205x128xf32, #tpu.memory_space<vmem>>) dst(%dma_wait3A_1058 : memref<205x128xf32, #tpu.memory_space<hbm>>)
    %add3A_1059 = arith.constant 21 : i32
    %add3A_1060 = arith.addi %mul3A_2, %add3A_1059 : i32
    %dma_start3A_1061 = arith.constant 5 : i32
    %dma_start3A_1062 = arith.constant 0 : i32
    %dma_start3A_1063 = tpu.memref_slice %arg6[%dma_start3A_1061, %dma_start3A_1062] : memref<205x128xf32, #tpu.memory_space<vmem>> -> memref<200x128xf32, #tpu.memory_space<vmem>>
    %dma_start3A_1064 = arith.constant 0 : i32
    %dma_start3A_1065 = arith.constant 0 : i32
    %dma_start3A_1066 = tpu.memref_slice %arg2[%add3A_1060, %dma_start3A_1064, %dma_start3A_1065] : memref<1024x200x128xf32, #tpu.memory_space<hbm>> -> memref<1x200x128xf32, #tpu.memory_space<hbm>>
    %dma_start3A_1067 = tpu.memref_squeeze %dma_start3A_1066 : memref<1x200x128xf32, #tpu.memory_space<hbm>> -> memref<200x128xf32, #tpu.memory_space<hbm>>
    %dma_start3A_1068 = arith.constant 5 : i32
    %dma_start3A_1069 = arith.constant 0 : i32
    %dma_start3A_1070 = tpu.memref_slice %arg6[%dma_start3A_1068, %dma_start3A_1069] : memref<205x128xf32, #tpu.memory_space<vmem>> -> memref<200x128xf32, #tpu.memory_space<vmem>>
    %dma_start3A_1071 = arith.constant 0 : i32
    %dma_start3A_1072 = arith.constant 0 : i32
    %dma_start3A_1073 = tpu.memref_slice %arg2[%add3A_1060, %dma_start3A_1071, %dma_start3A_1072] : memref<1024x200x128xf32, #tpu.memory_space<hbm>> -> memref<1x200x128xf32, #tpu.memory_space<hbm>>
    %dma_start3A_1074 = tpu.memref_squeeze %dma_start3A_1073 : memref<1x200x128xf32, #tpu.memory_space<hbm>> -> memref<200x128xf32, #tpu.memory_space<hbm>>
    tpu.enqueue_dma source(%dma_start3A_1074 : memref<200x128xf32, #tpu.memory_space<hbm>>) target(%dma_start3A_1070 : memref<200x128xf32, #tpu.memory_space<vmem>>) target_semaphore(%arg11 : memref<!tpu.dma_semaphore, #tpu.memory_space<semaphore_mem>>)
    %add3A_1075 = arith.constant 19 : i32
    %add3A_1076 = arith.addi %mul3A_2, %add3A_1075 : i32
    %dma_wait3A_1077 = arith.constant 5 : i32
    %dma_wait3A_1078 = arith.constant 0 : i32
    %dma_wait3A_1079 = tpu.memref_slice %arg8[%dma_wait3A_1077, %dma_wait3A_1078] : memref<205x128xf32, #tpu.memory_space<vmem>> -> memref<200x128xf32, #tpu.memory_space<vmem>>
    %dma_wait3A_1080 = arith.constant 0 : i32
    %dma_wait3A_1081 = arith.constant 0 : i32
    %dma_wait3A_1082 = tpu.memref_slice %arg2[%add3A_1076, %dma_wait3A_1080, %dma_wait3A_1081] : memref<1024x200x128xf32, #tpu.memory_space<hbm>> -> memref<1x200x128xf32, #tpu.memory_space<hbm>>
    %dma_wait3A_1083 = tpu.memref_squeeze %dma_wait3A_1082 : memref<1x200x128xf32, #tpu.memory_space<hbm>> -> memref<200x128xf32, #tpu.memory_space<hbm>>
    %dma_wait3A_1084 = arith.constant 5 : i32
    %dma_wait3A_1085 = arith.constant 0 : i32
    %dma_wait3A_1086 = tpu.memref_slice %arg8[%dma_wait3A_1084, %dma_wait3A_1085] : memref<205x128xf32, #tpu.memory_space<vmem>> -> memref<200x128xf32, #tpu.memory_space<vmem>>
    %dma_wait3A_1087 = arith.constant 0 : i32
    %dma_wait3A_1088 = arith.constant 0 : i32
    %dma_wait3A_1089 = tpu.memref_slice %arg2[%add3A_1076, %dma_wait3A_1087, %dma_wait3A_1088] : memref<1024x200x128xf32, #tpu.memory_space<hbm>> -> memref<1x200x128xf32, #tpu.memory_space<hbm>>
    %dma_wait3A_1090 = tpu.memref_squeeze %dma_wait3A_1089 : memref<1x200x128xf32, #tpu.memory_space<hbm>> -> memref<200x128xf32, #tpu.memory_space<hbm>>
    tpu.wait_dma2 semaphore(%arg13 : memref<!tpu.dma_semaphore, #tpu.memory_space<semaphore_mem>>) src(%dma_wait3A_1090 : memref<200x128xf32, #tpu.memory_space<hbm>>) dst(%dma_wait3A_1086 : memref<200x128xf32, #tpu.memory_space<vmem>>)
    %add3A_1091 = arith.constant 19 : i32
    %add3A_1092 = arith.addi %mul3A_2, %add3A_1091 : i32
    %dma_start3A_1093 = arith.constant 0 : i32
    %dma_start3A_1094 = arith.constant 0 : i32
    %dma_start3A_1095 = tpu.memref_slice %arg4[%add3A_1092, %dma_start3A_1093, %dma_start3A_1094] : memref<1024x205x128xf32, #tpu.memory_space<hbm>> -> memref<1x205x128xf32, #tpu.memory_space<hbm>>
    %dma_start3A_1096 = tpu.memref_squeeze %dma_start3A_1095 : memref<1x205x128xf32, #tpu.memory_space<hbm>> -> memref<205x128xf32, #tpu.memory_space<hbm>>
    %dma_start3A_1097 = arith.constant 0 : i32
    %dma_start3A_1098 = arith.constant 0 : i32
    %dma_start3A_1099 = tpu.memref_slice %arg4[%add3A_1092, %dma_start3A_1097, %dma_start3A_1098] : memref<1024x205x128xf32, #tpu.memory_space<hbm>> -> memref<1x205x128xf32, #tpu.memory_space<hbm>>
    %dma_start3A_1100 = tpu.memref_squeeze %dma_start3A_1099 : memref<1x205x128xf32, #tpu.memory_space<hbm>> -> memref<205x128xf32, #tpu.memory_space<hbm>>
    tpu.enqueue_dma source(%arg8 : memref<205x128xf32, #tpu.memory_space<vmem>>) target(%dma_start3A_1100 : memref<205x128xf32, #tpu.memory_space<hbm>>) target_semaphore(%arg17 : memref<!tpu.dma_semaphore, #tpu.memory_space<semaphore_mem>>)
    %add3A_1101 = arith.constant 18 : i32
    %add3A_1102 = arith.addi %mul3A_2, %add3A_1101 : i32
    %dma_wait3A_1103 = arith.constant 0 : i32
    %dma_wait3A_1104 = arith.constant 0 : i32
    %dma_wait3A_1105 = tpu.memref_slice %arg4[%add3A_1102, %dma_wait3A_1103, %dma_wait3A_1104] : memref<1024x205x128xf32, #tpu.memory_space<hbm>> -> memref<1x205x128xf32, #tpu.memory_space<hbm>>
    %dma_wait3A_1106 = tpu.memref_squeeze %dma_wait3A_1105 : memref<1x205x128xf32, #tpu.memory_space<hbm>> -> memref<205x128xf32, #tpu.memory_space<hbm>>
    %dma_wait3A_1107 = arith.constant 0 : i32
    %dma_wait3A_1108 = arith.constant 0 : i32
    %dma_wait3A_1109 = tpu.memref_slice %arg4[%add3A_1102, %dma_wait3A_1107, %dma_wait3A_1108] : memref<1024x205x128xf32, #tpu.memory_space<hbm>> -> memref<1x205x128xf32, #tpu.memory_space<hbm>>
    %dma_wait3A_1110 = tpu.memref_squeeze %dma_wait3A_1109 : memref<1x205x128xf32, #tpu.memory_space<hbm>> -> memref<205x128xf32, #tpu.memory_space<hbm>>
    tpu.wait_dma2 semaphore(%arg16 : memref<!tpu.dma_semaphore, #tpu.memory_space<semaphore_mem>>) src(%arg7 : memref<205x128xf32, #tpu.memory_space<vmem>>) dst(%dma_wait3A_1110 : memref<205x128xf32, #tpu.memory_space<hbm>>)
    %add3A_1111 = arith.constant 22 : i32
    %add3A_1112 = arith.addi %mul3A_2, %add3A_1111 : i32
    %dma_start3A_1113 = arith.constant 5 : i32
    %dma_start3A_1114 = arith.constant 0 : i32
    %dma_start3A_1115 = tpu.memref_slice %arg7[%dma_start3A_1113, %dma_start3A_1114] : memref<205x128xf32, #tpu.memory_space<vmem>> -> memref<200x128xf32, #tpu.memory_space<vmem>>
    %dma_start3A_1116 = arith.constant 0 : i32
    %dma_start3A_1117 = arith.constant 0 : i32
    %dma_start3A_1118 = tpu.memref_slice %arg2[%add3A_1112, %dma_start3A_1116, %dma_start3A_1117] : memref<1024x200x128xf32, #tpu.memory_space<hbm>> -> memref<1x200x128xf32, #tpu.memory_space<hbm>>
    %dma_start3A_1119 = tpu.memref_squeeze %dma_start3A_1118 : memref<1x200x128xf32, #tpu.memory_space<hbm>> -> memref<200x128xf32, #tpu.memory_space<hbm>>
    %dma_start3A_1120 = arith.constant 5 : i32
    %dma_start3A_1121 = arith.constant 0 : i32
    %dma_start3A_1122 = tpu.memref_slice %arg7[%dma_start3A_1120, %dma_start3A_1121] : memref<205x128xf32, #tpu.memory_space<vmem>> -> memref<200x128xf32, #tpu.memory_space<vmem>>
    %dma_start3A_1123 = arith.constant 0 : i32
    %dma_start3A_1124 = arith.constant 0 : i32
    %dma_start3A_1125 = tpu.memref_slice %arg2[%add3A_1112, %dma_start3A_1123, %dma_start3A_1124] : memref<1024x200x128xf32, #tpu.memory_space<hbm>> -> memref<1x200x128xf32, #tpu.memory_space<hbm>>
    %dma_start3A_1126 = tpu.memref_squeeze %dma_start3A_1125 : memref<1x200x128xf32, #tpu.memory_space<hbm>> -> memref<200x128xf32, #tpu.memory_space<hbm>>
    tpu.enqueue_dma source(%dma_start3A_1126 : memref<200x128xf32, #tpu.memory_space<hbm>>) target(%dma_start3A_1122 : memref<200x128xf32, #tpu.memory_space<vmem>>) target_semaphore(%arg12 : memref<!tpu.dma_semaphore, #tpu.memory_space<semaphore_mem>>)
    %add3A_1127 = arith.constant 20 : i32
    %add3A_1128 = arith.addi %mul3A_2, %add3A_1127 : i32
    %dma_wait3A_1129 = arith.constant 5 : i32
    %dma_wait3A_1130 = arith.constant 0 : i32
    %dma_wait3A_1131 = tpu.memref_slice %arg5[%dma_wait3A_1129, %dma_wait3A_1130] : memref<205x128xf32, #tpu.memory_space<vmem>> -> memref<200x128xf32, #tpu.memory_space<vmem>>
    %dma_wait3A_1132 = arith.constant 0 : i32
    %dma_wait3A_1133 = arith.constant 0 : i32
    %dma_wait3A_1134 = tpu.memref_slice %arg2[%add3A_1128, %dma_wait3A_1132, %dma_wait3A_1133] : memref<1024x200x128xf32, #tpu.memory_space<hbm>> -> memref<1x200x128xf32, #tpu.memory_space<hbm>>
    %dma_wait3A_1135 = tpu.memref_squeeze %dma_wait3A_1134 : memref<1x200x128xf32, #tpu.memory_space<hbm>> -> memref<200x128xf32, #tpu.memory_space<hbm>>
    %dma_wait3A_1136 = arith.constant 5 : i32
    %dma_wait3A_1137 = arith.constant 0 : i32
    %dma_wait3A_1138 = tpu.memref_slice %arg5[%dma_wait3A_1136, %dma_wait3A_1137] : memref<205x128xf32, #tpu.memory_space<vmem>> -> memref<200x128xf32, #tpu.memory_space<vmem>>
    %dma_wait3A_1139 = arith.constant 0 : i32
    %dma_wait3A_1140 = arith.constant 0 : i32
    %dma_wait3A_1141 = tpu.memref_slice %arg2[%add3A_1128, %dma_wait3A_1139, %dma_wait3A_1140] : memref<1024x200x128xf32, #tpu.memory_space<hbm>> -> memref<1x200x128xf32, #tpu.memory_space<hbm>>
    %dma_wait3A_1142 = tpu.memref_squeeze %dma_wait3A_1141 : memref<1x200x128xf32, #tpu.memory_space<hbm>> -> memref<200x128xf32, #tpu.memory_space<hbm>>
    tpu.wait_dma2 semaphore(%arg10 : memref<!tpu.dma_semaphore, #tpu.memory_space<semaphore_mem>>) src(%dma_wait3A_1142 : memref<200x128xf32, #tpu.memory_space<hbm>>) dst(%dma_wait3A_1138 : memref<200x128xf32, #tpu.memory_space<vmem>>)
    %add3A_1143 = arith.constant 20 : i32
    %add3A_1144 = arith.addi %mul3A_2, %add3A_1143 : i32
    %dma_start3A_1145 = arith.constant 0 : i32
    %dma_start3A_1146 = arith.constant 0 : i32
    %dma_start3A_1147 = tpu.memref_slice %arg4[%add3A_1144, %dma_start3A_1145, %dma_start3A_1146] : memref<1024x205x128xf32, #tpu.memory_space<hbm>> -> memref<1x205x128xf32, #tpu.memory_space<hbm>>
    %dma_start3A_1148 = tpu.memref_squeeze %dma_start3A_1147 : memref<1x205x128xf32, #tpu.memory_space<hbm>> -> memref<205x128xf32, #tpu.memory_space<hbm>>
    %dma_start3A_1149 = arith.constant 0 : i32
    %dma_start3A_1150 = arith.constant 0 : i32
    %dma_start3A_1151 = tpu.memref_slice %arg4[%add3A_1144, %dma_start3A_1149, %dma_start3A_1150] : memref<1024x205x128xf32, #tpu.memory_space<hbm>> -> memref<1x205x128xf32, #tpu.memory_space<hbm>>
    %dma_start3A_1152 = tpu.memref_squeeze %dma_start3A_1151 : memref<1x205x128xf32, #tpu.memory_space<hbm>> -> memref<205x128xf32, #tpu.memory_space<hbm>>
    tpu.enqueue_dma source(%arg5 : memref<205x128xf32, #tpu.memory_space<vmem>>) target(%dma_start3A_1152 : memref<205x128xf32, #tpu.memory_space<hbm>>) target_semaphore(%arg14 : memref<!tpu.dma_semaphore, #tpu.memory_space<semaphore_mem>>)
    %add3A_1153 = arith.constant 19 : i32
    %add3A_1154 = arith.addi %mul3A_2, %add3A_1153 : i32
    %dma_wait3A_1155 = arith.constant 0 : i32
    %dma_wait3A_1156 = arith.constant 0 : i32
    %dma_wait3A_1157 = tpu.memref_slice %arg4[%add3A_1154, %dma_wait3A_1155, %dma_wait3A_1156] : memref<1024x205x128xf32, #tpu.memory_space<hbm>> -> memref<1x205x128xf32, #tpu.memory_space<hbm>>
    %dma_wait3A_1158 = tpu.memref_squeeze %dma_wait3A_1157 : memref<1x205x128xf32, #tpu.memory_space<hbm>> -> memref<205x128xf32, #tpu.memory_space<hbm>>
    %dma_wait3A_1159 = arith.constant 0 : i32
    %dma_wait3A_1160 = arith.constant 0 : i32
    %dma_wait3A_1161 = tpu.memref_slice %arg4[%add3A_1154, %dma_wait3A_1159, %dma_wait3A_1160] : memref<1024x205x128xf32, #tpu.memory_space<hbm>> -> memref<1x205x128xf32, #tpu.memory_space<hbm>>
    %dma_wait3A_1162 = tpu.memref_squeeze %dma_wait3A_1161 : memref<1x205x128xf32, #tpu.memory_space<hbm>> -> memref<205x128xf32, #tpu.memory_space<hbm>>
    tpu.wait_dma2 semaphore(%arg17 : memref<!tpu.dma_semaphore, #tpu.memory_space<semaphore_mem>>) src(%arg8 : memref<205x128xf32, #tpu.memory_space<vmem>>) dst(%dma_wait3A_1162 : memref<205x128xf32, #tpu.memory_space<hbm>>)
    %add3A_1163 = arith.constant 23 : i32
    %add3A_1164 = arith.addi %mul3A_2, %add3A_1163 : i32
    %dma_start3A_1165 = arith.constant 5 : i32
    %dma_start3A_1166 = arith.constant 0 : i32
    %dma_start3A_1167 = tpu.memref_slice %arg8[%dma_start3A_1165, %dma_start3A_1166] : memref<205x128xf32, #tpu.memory_space<vmem>> -> memref<200x128xf32, #tpu.memory_space<vmem>>
    %dma_start3A_1168 = arith.constant 0 : i32
    %dma_start3A_1169 = arith.constant 0 : i32
    %dma_start3A_1170 = tpu.memref_slice %arg2[%add3A_1164, %dma_start3A_1168, %dma_start3A_1169] : memref<1024x200x128xf32, #tpu.memory_space<hbm>> -> memref<1x200x128xf32, #tpu.memory_space<hbm>>
    %dma_start3A_1171 = tpu.memref_squeeze %dma_start3A_1170 : memref<1x200x128xf32, #tpu.memory_space<hbm>> -> memref<200x128xf32, #tpu.memory_space<hbm>>
    %dma_start3A_1172 = arith.constant 5 : i32
    %dma_start3A_1173 = arith.constant 0 : i32
    %dma_start3A_1174 = tpu.memref_slice %arg8[%dma_start3A_1172, %dma_start3A_1173] : memref<205x128xf32, #tpu.memory_space<vmem>> -> memref<200x128xf32, #tpu.memory_space<vmem>>
    %dma_start3A_1175 = arith.constant 0 : i32
    %dma_start3A_1176 = arith.constant 0 : i32
    %dma_start3A_1177 = tpu.memref_slice %arg2[%add3A_1164, %dma_start3A_1175, %dma_start3A_1176] : memref<1024x200x128xf32, #tpu.memory_space<hbm>> -> memref<1x200x128xf32, #tpu.memory_space<hbm>>
    %dma_start3A_1178 = tpu.memref_squeeze %dma_start3A_1177 : memref<1x200x128xf32, #tpu.memory_space<hbm>> -> memref<200x128xf32, #tpu.memory_space<hbm>>
    tpu.enqueue_dma source(%dma_start3A_1178 : memref<200x128xf32, #tpu.memory_space<hbm>>) target(%dma_start3A_1174 : memref<200x128xf32, #tpu.memory_space<vmem>>) target_semaphore(%arg13 : memref<!tpu.dma_semaphore, #tpu.memory_space<semaphore_mem>>)
    %add3A_1179 = arith.constant 21 : i32
    %add3A_1180 = arith.addi %mul3A_2, %add3A_1179 : i32
    %dma_wait3A_1181 = arith.constant 5 : i32
    %dma_wait3A_1182 = arith.constant 0 : i32
    %dma_wait3A_1183 = tpu.memref_slice %arg6[%dma_wait3A_1181, %dma_wait3A_1182] : memref<205x128xf32, #tpu.memory_space<vmem>> -> memref<200x128xf32, #tpu.memory_space<vmem>>
    %dma_wait3A_1184 = arith.constant 0 : i32
    %dma_wait3A_1185 = arith.constant 0 : i32
    %dma_wait3A_1186 = tpu.memref_slice %arg2[%add3A_1180, %dma_wait3A_1184, %dma_wait3A_1185] : memref<1024x200x128xf32, #tpu.memory_space<hbm>> -> memref<1x200x128xf32, #tpu.memory_space<hbm>>
    %dma_wait3A_1187 = tpu.memref_squeeze %dma_wait3A_1186 : memref<1x200x128xf32, #tpu.memory_space<hbm>> -> memref<200x128xf32, #tpu.memory_space<hbm>>
    %dma_wait3A_1188 = arith.constant 5 : i32
    %dma_wait3A_1189 = arith.constant 0 : i32
    %dma_wait3A_1190 = tpu.memref_slice %arg6[%dma_wait3A_1188, %dma_wait3A_1189] : memref<205x128xf32, #tpu.memory_space<vmem>> -> memref<200x128xf32, #tpu.memory_space<vmem>>
    %dma_wait3A_1191 = arith.constant 0 : i32
    %dma_wait3A_1192 = arith.constant 0 : i32
    %dma_wait3A_1193 = tpu.memref_slice %arg2[%add3A_1180, %dma_wait3A_1191, %dma_wait3A_1192] : memref<1024x200x128xf32, #tpu.memory_space<hbm>> -> memref<1x200x128xf32, #tpu.memory_space<hbm>>
    %dma_wait3A_1194 = tpu.memref_squeeze %dma_wait3A_1193 : memref<1x200x128xf32, #tpu.memory_space<hbm>> -> memref<200x128xf32, #tpu.memory_space<hbm>>
    tpu.wait_dma2 semaphore(%arg11 : memref<!tpu.dma_semaphore, #tpu.memory_space<semaphore_mem>>) src(%dma_wait3A_1194 : memref<200x128xf32, #tpu.memory_space<hbm>>) dst(%dma_wait3A_1190 : memref<200x128xf32, #tpu.memory_space<vmem>>)
    %add3A_1195 = arith.constant 21 : i32
    %add3A_1196 = arith.addi %mul3A_2, %add3A_1195 : i32
    %dma_start3A_1197 = arith.constant 0 : i32
    %dma_start3A_1198 = arith.constant 0 : i32
    %dma_start3A_1199 = tpu.memref_slice %arg4[%add3A_1196, %dma_start3A_1197, %dma_start3A_1198] : memref<1024x205x128xf32, #tpu.memory_space<hbm>> -> memref<1x205x128xf32, #tpu.memory_space<hbm>>
    %dma_start3A_1200 = tpu.memref_squeeze %dma_start3A_1199 : memref<1x205x128xf32, #tpu.memory_space<hbm>> -> memref<205x128xf32, #tpu.memory_space<hbm>>
    %dma_start3A_1201 = arith.constant 0 : i32
    %dma_start3A_1202 = arith.constant 0 : i32
    %dma_start3A_1203 = tpu.memref_slice %arg4[%add3A_1196, %dma_start3A_1201, %dma_start3A_1202] : memref<1024x205x128xf32, #tpu.memory_space<hbm>> -> memref<1x205x128xf32, #tpu.memory_space<hbm>>
    %dma_start3A_1204 = tpu.memref_squeeze %dma_start3A_1203 : memref<1x205x128xf32, #tpu.memory_space<hbm>> -> memref<205x128xf32, #tpu.memory_space<hbm>>
    tpu.enqueue_dma source(%arg6 : memref<205x128xf32, #tpu.memory_space<vmem>>) target(%dma_start3A_1204 : memref<205x128xf32, #tpu.memory_space<hbm>>) target_semaphore(%arg15 : memref<!tpu.dma_semaphore, #tpu.memory_space<semaphore_mem>>)
    %add3A_1205 = arith.constant 20 : i32
    %add3A_1206 = arith.addi %mul3A_2, %add3A_1205 : i32
    %dma_wait3A_1207 = arith.constant 0 : i32
    %dma_wait3A_1208 = arith.constant 0 : i32
    %dma_wait3A_1209 = tpu.memref_slice %arg4[%add3A_1206, %dma_wait3A_1207, %dma_wait3A_1208] : memref<1024x205x128xf32, #tpu.memory_space<hbm>> -> memref<1x205x128xf32, #tpu.memory_space<hbm>>
    %dma_wait3A_1210 = tpu.memref_squeeze %dma_wait3A_1209 : memref<1x205x128xf32, #tpu.memory_space<hbm>> -> memref<205x128xf32, #tpu.memory_space<hbm>>
    %dma_wait3A_1211 = arith.constant 0 : i32
    %dma_wait3A_1212 = arith.constant 0 : i32
    %dma_wait3A_1213 = tpu.memref_slice %arg4[%add3A_1206, %dma_wait3A_1211, %dma_wait3A_1212] : memref<1024x205x128xf32, #tpu.memory_space<hbm>> -> memref<1x205x128xf32, #tpu.memory_space<hbm>>
    %dma_wait3A_1214 = tpu.memref_squeeze %dma_wait3A_1213 : memref<1x205x128xf32, #tpu.memory_space<hbm>> -> memref<205x128xf32, #tpu.memory_space<hbm>>
    tpu.wait_dma2 semaphore(%arg14 : memref<!tpu.dma_semaphore, #tpu.memory_space<semaphore_mem>>) src(%arg5 : memref<205x128xf32, #tpu.memory_space<vmem>>) dst(%dma_wait3A_1214 : memref<205x128xf32, #tpu.memory_space<hbm>>)
    %add3A_1215 = arith.constant 24 : i32
    %add3A_1216 = arith.addi %mul3A_2, %add3A_1215 : i32
    %dma_start3A_1217 = arith.constant 5 : i32
    %dma_start3A_1218 = arith.constant 0 : i32
    %dma_start3A_1219 = tpu.memref_slice %arg5[%dma_start3A_1217, %dma_start3A_1218] : memref<205x128xf32, #tpu.memory_space<vmem>> -> memref<200x128xf32, #tpu.memory_space<vmem>>
    %dma_start3A_1220 = arith.constant 0 : i32
    %dma_start3A_1221 = arith.constant 0 : i32
    %dma_start3A_1222 = tpu.memref_slice %arg2[%add3A_1216, %dma_start3A_1220, %dma_start3A_1221] : memref<1024x200x128xf32, #tpu.memory_space<hbm>> -> memref<1x200x128xf32, #tpu.memory_space<hbm>>
    %dma_start3A_1223 = tpu.memref_squeeze %dma_start3A_1222 : memref<1x200x128xf32, #tpu.memory_space<hbm>> -> memref<200x128xf32, #tpu.memory_space<hbm>>
    %dma_start3A_1224 = arith.constant 5 : i32
    %dma_start3A_1225 = arith.constant 0 : i32
    %dma_start3A_1226 = tpu.memref_slice %arg5[%dma_start3A_1224, %dma_start3A_1225] : memref<205x128xf32, #tpu.memory_space<vmem>> -> memref<200x128xf32, #tpu.memory_space<vmem>>
    %dma_start3A_1227 = arith.constant 0 : i32
    %dma_start3A_1228 = arith.constant 0 : i32
    %dma_start3A_1229 = tpu.memref_slice %arg2[%add3A_1216, %dma_start3A_1227, %dma_start3A_1228] : memref<1024x200x128xf32, #tpu.memory_space<hbm>> -> memref<1x200x128xf32, #tpu.memory_space<hbm>>
    %dma_start3A_1230 = tpu.memref_squeeze %dma_start3A_1229 : memref<1x200x128xf32, #tpu.memory_space<hbm>> -> memref<200x128xf32, #tpu.memory_space<hbm>>
    tpu.enqueue_dma source(%dma_start3A_1230 : memref<200x128xf32, #tpu.memory_space<hbm>>) target(%dma_start3A_1226 : memref<200x128xf32, #tpu.memory_space<vmem>>) target_semaphore(%arg10 : memref<!tpu.dma_semaphore, #tpu.memory_space<semaphore_mem>>)
    %add3A_1231 = arith.constant 22 : i32
    %add3A_1232 = arith.addi %mul3A_2, %add3A_1231 : i32
    %dma_wait3A_1233 = arith.constant 5 : i32
    %dma_wait3A_1234 = arith.constant 0 : i32
    %dma_wait3A_1235 = tpu.memref_slice %arg7[%dma_wait3A_1233, %dma_wait3A_1234] : memref<205x128xf32, #tpu.memory_space<vmem>> -> memref<200x128xf32, #tpu.memory_space<vmem>>
    %dma_wait3A_1236 = arith.constant 0 : i32
    %dma_wait3A_1237 = arith.constant 0 : i32
    %dma_wait3A_1238 = tpu.memref_slice %arg2[%add3A_1232, %dma_wait3A_1236, %dma_wait3A_1237] : memref<1024x200x128xf32, #tpu.memory_space<hbm>> -> memref<1x200x128xf32, #tpu.memory_space<hbm>>
    %dma_wait3A_1239 = tpu.memref_squeeze %dma_wait3A_1238 : memref<1x200x128xf32, #tpu.memory_space<hbm>> -> memref<200x128xf32, #tpu.memory_space<hbm>>
    %dma_wait3A_1240 = arith.constant 5 : i32
    %dma_wait3A_1241 = arith.constant 0 : i32
    %dma_wait3A_1242 = tpu.memref_slice %arg7[%dma_wait3A_1240, %dma_wait3A_1241] : memref<205x128xf32, #tpu.memory_space<vmem>> -> memref<200x128xf32, #tpu.memory_space<vmem>>
    %dma_wait3A_1243 = arith.constant 0 : i32
    %dma_wait3A_1244 = arith.constant 0 : i32
    %dma_wait3A_1245 = tpu.memref_slice %arg2[%add3A_1232, %dma_wait3A_1243, %dma_wait3A_1244] : memref<1024x200x128xf32, #tpu.memory_space<hbm>> -> memref<1x200x128xf32, #tpu.memory_space<hbm>>
    %dma_wait3A_1246 = tpu.memref_squeeze %dma_wait3A_1245 : memref<1x200x128xf32, #tpu.memory_space<hbm>> -> memref<200x128xf32, #tpu.memory_space<hbm>>
    tpu.wait_dma2 semaphore(%arg12 : memref<!tpu.dma_semaphore, #tpu.memory_space<semaphore_mem>>) src(%dma_wait3A_1246 : memref<200x128xf32, #tpu.memory_space<hbm>>) dst(%dma_wait3A_1242 : memref<200x128xf32, #tpu.memory_space<vmem>>)
    %add3A_1247 = arith.constant 22 : i32
    %add3A_1248 = arith.addi %mul3A_2, %add3A_1247 : i32
    %dma_start3A_1249 = arith.constant 0 : i32
    %dma_start3A_1250 = arith.constant 0 : i32
    %dma_start3A_1251 = tpu.memref_slice %arg4[%add3A_1248, %dma_start3A_1249, %dma_start3A_1250] : memref<1024x205x128xf32, #tpu.memory_space<hbm>> -> memref<1x205x128xf32, #tpu.memory_space<hbm>>
    %dma_start3A_1252 = tpu.memref_squeeze %dma_start3A_1251 : memref<1x205x128xf32, #tpu.memory_space<hbm>> -> memref<205x128xf32, #tpu.memory_space<hbm>>
    %dma_start3A_1253 = arith.constant 0 : i32
    %dma_start3A_1254 = arith.constant 0 : i32
    %dma_start3A_1255 = tpu.memref_slice %arg4[%add3A_1248, %dma_start3A_1253, %dma_start3A_1254] : memref<1024x205x128xf32, #tpu.memory_space<hbm>> -> memref<1x205x128xf32, #tpu.memory_space<hbm>>
    %dma_start3A_1256 = tpu.memref_squeeze %dma_start3A_1255 : memref<1x205x128xf32, #tpu.memory_space<hbm>> -> memref<205x128xf32, #tpu.memory_space<hbm>>
    tpu.enqueue_dma source(%arg7 : memref<205x128xf32, #tpu.memory_space<vmem>>) target(%dma_start3A_1256 : memref<205x128xf32, #tpu.memory_space<hbm>>) target_semaphore(%arg16 : memref<!tpu.dma_semaphore, #tpu.memory_space<semaphore_mem>>)
    %add3A_1257 = arith.constant 21 : i32
    %add3A_1258 = arith.addi %mul3A_2, %add3A_1257 : i32
    %dma_wait3A_1259 = arith.constant 0 : i32
    %dma_wait3A_1260 = arith.constant 0 : i32
    %dma_wait3A_1261 = tpu.memref_slice %arg4[%add3A_1258, %dma_wait3A_1259, %dma_wait3A_1260] : memref<1024x205x128xf32, #tpu.memory_space<hbm>> -> memref<1x205x128xf32, #tpu.memory_space<hbm>>
    %dma_wait3A_1262 = tpu.memref_squeeze %dma_wait3A_1261 : memref<1x205x128xf32, #tpu.memory_space<hbm>> -> memref<205x128xf32, #tpu.memory_space<hbm>>
    %dma_wait3A_1263 = arith.constant 0 : i32
    %dma_wait3A_1264 = arith.constant 0 : i32
    %dma_wait3A_1265 = tpu.memref_slice %arg4[%add3A_1258, %dma_wait3A_1263, %dma_wait3A_1264] : memref<1024x205x128xf32, #tpu.memory_space<hbm>> -> memref<1x205x128xf32, #tpu.memory_space<hbm>>
    %dma_wait3A_1266 = tpu.memref_squeeze %dma_wait3A_1265 : memref<1x205x128xf32, #tpu.memory_space<hbm>> -> memref<205x128xf32, #tpu.memory_space<hbm>>
    tpu.wait_dma2 semaphore(%arg15 : memref<!tpu.dma_semaphore, #tpu.memory_space<semaphore_mem>>) src(%arg6 : memref<205x128xf32, #tpu.memory_space<vmem>>) dst(%dma_wait3A_1266 : memref<205x128xf32, #tpu.memory_space<hbm>>)
    %add3A_1267 = arith.constant 25 : i32
    %add3A_1268 = arith.addi %mul3A_2, %add3A_1267 : i32
    %dma_start3A_1269 = arith.constant 5 : i32
    %dma_start3A_1270 = arith.constant 0 : i32
    %dma_start3A_1271 = tpu.memref_slice %arg6[%dma_start3A_1269, %dma_start3A_1270] : memref<205x128xf32, #tpu.memory_space<vmem>> -> memref<200x128xf32, #tpu.memory_space<vmem>>
    %dma_start3A_1272 = arith.constant 0 : i32
    %dma_start3A_1273 = arith.constant 0 : i32
    %dma_start3A_1274 = tpu.memref_slice %arg2[%add3A_1268, %dma_start3A_1272, %dma_start3A_1273] : memref<1024x200x128xf32, #tpu.memory_space<hbm>> -> memref<1x200x128xf32, #tpu.memory_space<hbm>>
    %dma_start3A_1275 = tpu.memref_squeeze %dma_start3A_1274 : memref<1x200x128xf32, #tpu.memory_space<hbm>> -> memref<200x128xf32, #tpu.memory_space<hbm>>
    %dma_start3A_1276 = arith.constant 5 : i32
    %dma_start3A_1277 = arith.constant 0 : i32
    %dma_start3A_1278 = tpu.memref_slice %arg6[%dma_start3A_1276, %dma_start3A_1277] : memref<205x128xf32, #tpu.memory_space<vmem>> -> memref<200x128xf32, #tpu.memory_space<vmem>>
    %dma_start3A_1279 = arith.constant 0 : i32
    %dma_start3A_1280 = arith.constant 0 : i32
    %dma_start3A_1281 = tpu.memref_slice %arg2[%add3A_1268, %dma_start3A_1279, %dma_start3A_1280] : memref<1024x200x128xf32, #tpu.memory_space<hbm>> -> memref<1x200x128xf32, #tpu.memory_space<hbm>>
    %dma_start3A_1282 = tpu.memref_squeeze %dma_start3A_1281 : memref<1x200x128xf32, #tpu.memory_space<hbm>> -> memref<200x128xf32, #tpu.memory_space<hbm>>
    tpu.enqueue_dma source(%dma_start3A_1282 : memref<200x128xf32, #tpu.memory_space<hbm>>) target(%dma_start3A_1278 : memref<200x128xf32, #tpu.memory_space<vmem>>) target_semaphore(%arg11 : memref<!tpu.dma_semaphore, #tpu.memory_space<semaphore_mem>>)
    %add3A_1283 = arith.constant 23 : i32
    %add3A_1284 = arith.addi %mul3A_2, %add3A_1283 : i32
    %dma_wait3A_1285 = arith.constant 5 : i32
    %dma_wait3A_1286 = arith.constant 0 : i32
    %dma_wait3A_1287 = tpu.memref_slice %arg8[%dma_wait3A_1285, %dma_wait3A_1286] : memref<205x128xf32, #tpu.memory_space<vmem>> -> memref<200x128xf32, #tpu.memory_space<vmem>>
    %dma_wait3A_1288 = arith.constant 0 : i32
    %dma_wait3A_1289 = arith.constant 0 : i32
    %dma_wait3A_1290 = tpu.memref_slice %arg2[%add3A_1284, %dma_wait3A_1288, %dma_wait3A_1289] : memref<1024x200x128xf32, #tpu.memory_space<hbm>> -> memref<1x200x128xf32, #tpu.memory_space<hbm>>
    %dma_wait3A_1291 = tpu.memref_squeeze %dma_wait3A_1290 : memref<1x200x128xf32, #tpu.memory_space<hbm>> -> memref<200x128xf32, #tpu.memory_space<hbm>>
    %dma_wait3A_1292 = arith.constant 5 : i32
    %dma_wait3A_1293 = arith.constant 0 : i32
    %dma_wait3A_1294 = tpu.memref_slice %arg8[%dma_wait3A_1292, %dma_wait3A_1293] : memref<205x128xf32, #tpu.memory_space<vmem>> -> memref<200x128xf32, #tpu.memory_space<vmem>>
    %dma_wait3A_1295 = arith.constant 0 : i32
    %dma_wait3A_1296 = arith.constant 0 : i32
    %dma_wait3A_1297 = tpu.memref_slice %arg2[%add3A_1284, %dma_wait3A_1295, %dma_wait3A_1296] : memref<1024x200x128xf32, #tpu.memory_space<hbm>> -> memref<1x200x128xf32, #tpu.memory_space<hbm>>
    %dma_wait3A_1298 = tpu.memref_squeeze %dma_wait3A_1297 : memref<1x200x128xf32, #tpu.memory_space<hbm>> -> memref<200x128xf32, #tpu.memory_space<hbm>>
    tpu.wait_dma2 semaphore(%arg13 : memref<!tpu.dma_semaphore, #tpu.memory_space<semaphore_mem>>) src(%dma_wait3A_1298 : memref<200x128xf32, #tpu.memory_space<hbm>>) dst(%dma_wait3A_1294 : memref<200x128xf32, #tpu.memory_space<vmem>>)
    %add3A_1299 = arith.constant 23 : i32
    %add3A_1300 = arith.addi %mul3A_2, %add3A_1299 : i32
    %dma_start3A_1301 = arith.constant 0 : i32
    %dma_start3A_1302 = arith.constant 0 : i32
    %dma_start3A_1303 = tpu.memref_slice %arg4[%add3A_1300, %dma_start3A_1301, %dma_start3A_1302] : memref<1024x205x128xf32, #tpu.memory_space<hbm>> -> memref<1x205x128xf32, #tpu.memory_space<hbm>>
    %dma_start3A_1304 = tpu.memref_squeeze %dma_start3A_1303 : memref<1x205x128xf32, #tpu.memory_space<hbm>> -> memref<205x128xf32, #tpu.memory_space<hbm>>
    %dma_start3A_1305 = arith.constant 0 : i32
    %dma_start3A_1306 = arith.constant 0 : i32
    %dma_start3A_1307 = tpu.memref_slice %arg4[%add3A_1300, %dma_start3A_1305, %dma_start3A_1306] : memref<1024x205x128xf32, #tpu.memory_space<hbm>> -> memref<1x205x128xf32, #tpu.memory_space<hbm>>
    %dma_start3A_1308 = tpu.memref_squeeze %dma_start3A_1307 : memref<1x205x128xf32, #tpu.memory_space<hbm>> -> memref<205x128xf32, #tpu.memory_space<hbm>>
    tpu.enqueue_dma source(%arg8 : memref<205x128xf32, #tpu.memory_space<vmem>>) target(%dma_start3A_1308 : memref<205x128xf32, #tpu.memory_space<hbm>>) target_semaphore(%arg17 : memref<!tpu.dma_semaphore, #tpu.memory_space<semaphore_mem>>)
    %add3A_1309 = arith.constant 22 : i32
    %add3A_1310 = arith.addi %mul3A_2, %add3A_1309 : i32
    %dma_wait3A_1311 = arith.constant 0 : i32
    %dma_wait3A_1312 = arith.constant 0 : i32
    %dma_wait3A_1313 = tpu.memref_slice %arg4[%add3A_1310, %dma_wait3A_1311, %dma_wait3A_1312] : memref<1024x205x128xf32, #tpu.memory_space<hbm>> -> memref<1x205x128xf32, #tpu.memory_space<hbm>>
    %dma_wait3A_1314 = tpu.memref_squeeze %dma_wait3A_1313 : memref<1x205x128xf32, #tpu.memory_space<hbm>> -> memref<205x128xf32, #tpu.memory_space<hbm>>
    %dma_wait3A_1315 = arith.constant 0 : i32
    %dma_wait3A_1316 = arith.constant 0 : i32
    %dma_wait3A_1317 = tpu.memref_slice %arg4[%add3A_1310, %dma_wait3A_1315, %dma_wait3A_1316] : memref<1024x205x128xf32, #tpu.memory_space<hbm>> -> memref<1x205x128xf32, #tpu.memory_space<hbm>>
    %dma_wait3A_1318 = tpu.memref_squeeze %dma_wait3A_1317 : memref<1x205x128xf32, #tpu.memory_space<hbm>> -> memref<205x128xf32, #tpu.memory_space<hbm>>
    tpu.wait_dma2 semaphore(%arg16 : memref<!tpu.dma_semaphore, #tpu.memory_space<semaphore_mem>>) src(%arg7 : memref<205x128xf32, #tpu.memory_space<vmem>>) dst(%dma_wait3A_1318 : memref<205x128xf32, #tpu.memory_space<hbm>>)
    %add3A_1319 = arith.constant 26 : i32
    %add3A_1320 = arith.addi %mul3A_2, %add3A_1319 : i32
    %dma_start3A_1321 = arith.constant 5 : i32
    %dma_start3A_1322 = arith.constant 0 : i32
    %dma_start3A_1323 = tpu.memref_slice %arg7[%dma_start3A_1321, %dma_start3A_1322] : memref<205x128xf32, #tpu.memory_space<vmem>> -> memref<200x128xf32, #tpu.memory_space<vmem>>
    %dma_start3A_1324 = arith.constant 0 : i32
    %dma_start3A_1325 = arith.constant 0 : i32
    %dma_start3A_1326 = tpu.memref_slice %arg2[%add3A_1320, %dma_start3A_1324, %dma_start3A_1325] : memref<1024x200x128xf32, #tpu.memory_space<hbm>> -> memref<1x200x128xf32, #tpu.memory_space<hbm>>
    %dma_start3A_1327 = tpu.memref_squeeze %dma_start3A_1326 : memref<1x200x128xf32, #tpu.memory_space<hbm>> -> memref<200x128xf32, #tpu.memory_space<hbm>>
    %dma_start3A_1328 = arith.constant 5 : i32
    %dma_start3A_1329 = arith.constant 0 : i32
    %dma_start3A_1330 = tpu.memref_slice %arg7[%dma_start3A_1328, %dma_start3A_1329] : memref<205x128xf32, #tpu.memory_space<vmem>> -> memref<200x128xf32, #tpu.memory_space<vmem>>
    %dma_start3A_1331 = arith.constant 0 : i32
    %dma_start3A_1332 = arith.constant 0 : i32
    %dma_start3A_1333 = tpu.memref_slice %arg2[%add3A_1320, %dma_start3A_1331, %dma_start3A_1332] : memref<1024x200x128xf32, #tpu.memory_space<hbm>> -> memref<1x200x128xf32, #tpu.memory_space<hbm>>
    %dma_start3A_1334 = tpu.memref_squeeze %dma_start3A_1333 : memref<1x200x128xf32, #tpu.memory_space<hbm>> -> memref<200x128xf32, #tpu.memory_space<hbm>>
    tpu.enqueue_dma source(%dma_start3A_1334 : memref<200x128xf32, #tpu.memory_space<hbm>>) target(%dma_start3A_1330 : memref<200x128xf32, #tpu.memory_space<vmem>>) target_semaphore(%arg12 : memref<!tpu.dma_semaphore, #tpu.memory_space<semaphore_mem>>)
    %add3A_1335 = arith.constant 24 : i32
    %add3A_1336 = arith.addi %mul3A_2, %add3A_1335 : i32
    %dma_wait3A_1337 = arith.constant 5 : i32
    %dma_wait3A_1338 = arith.constant 0 : i32
    %dma_wait3A_1339 = tpu.memref_slice %arg5[%dma_wait3A_1337, %dma_wait3A_1338] : memref<205x128xf32, #tpu.memory_space<vmem>> -> memref<200x128xf32, #tpu.memory_space<vmem>>
    %dma_wait3A_1340 = arith.constant 0 : i32
    %dma_wait3A_1341 = arith.constant 0 : i32
    %dma_wait3A_1342 = tpu.memref_slice %arg2[%add3A_1336, %dma_wait3A_1340, %dma_wait3A_1341] : memref<1024x200x128xf32, #tpu.memory_space<hbm>> -> memref<1x200x128xf32, #tpu.memory_space<hbm>>
    %dma_wait3A_1343 = tpu.memref_squeeze %dma_wait3A_1342 : memref<1x200x128xf32, #tpu.memory_space<hbm>> -> memref<200x128xf32, #tpu.memory_space<hbm>>
    %dma_wait3A_1344 = arith.constant 5 : i32
    %dma_wait3A_1345 = arith.constant 0 : i32
    %dma_wait3A_1346 = tpu.memref_slice %arg5[%dma_wait3A_1344, %dma_wait3A_1345] : memref<205x128xf32, #tpu.memory_space<vmem>> -> memref<200x128xf32, #tpu.memory_space<vmem>>
    %dma_wait3A_1347 = arith.constant 0 : i32
    %dma_wait3A_1348 = arith.constant 0 : i32
    %dma_wait3A_1349 = tpu.memref_slice %arg2[%add3A_1336, %dma_wait3A_1347, %dma_wait3A_1348] : memref<1024x200x128xf32, #tpu.memory_space<hbm>> -> memref<1x200x128xf32, #tpu.memory_space<hbm>>
    %dma_wait3A_1350 = tpu.memref_squeeze %dma_wait3A_1349 : memref<1x200x128xf32, #tpu.memory_space<hbm>> -> memref<200x128xf32, #tpu.memory_space<hbm>>
    tpu.wait_dma2 semaphore(%arg10 : memref<!tpu.dma_semaphore, #tpu.memory_space<semaphore_mem>>) src(%dma_wait3A_1350 : memref<200x128xf32, #tpu.memory_space<hbm>>) dst(%dma_wait3A_1346 : memref<200x128xf32, #tpu.memory_space<vmem>>)
    %add3A_1351 = arith.constant 24 : i32
    %add3A_1352 = arith.addi %mul3A_2, %add3A_1351 : i32
    %dma_start3A_1353 = arith.constant 0 : i32
    %dma_start3A_1354 = arith.constant 0 : i32
    %dma_start3A_1355 = tpu.memref_slice %arg4[%add3A_1352, %dma_start3A_1353, %dma_start3A_1354] : memref<1024x205x128xf32, #tpu.memory_space<hbm>> -> memref<1x205x128xf32, #tpu.memory_space<hbm>>
    %dma_start3A_1356 = tpu.memref_squeeze %dma_start3A_1355 : memref<1x205x128xf32, #tpu.memory_space<hbm>> -> memref<205x128xf32, #tpu.memory_space<hbm>>
    %dma_start3A_1357 = arith.constant 0 : i32
    %dma_start3A_1358 = arith.constant 0 : i32
    %dma_start3A_1359 = tpu.memref_slice %arg4[%add3A_1352, %dma_start3A_1357, %dma_start3A_1358] : memref<1024x205x128xf32, #tpu.memory_space<hbm>> -> memref<1x205x128xf32, #tpu.memory_space<hbm>>
    %dma_start3A_1360 = tpu.memref_squeeze %dma_start3A_1359 : memref<1x205x128xf32, #tpu.memory_space<hbm>> -> memref<205x128xf32, #tpu.memory_space<hbm>>
    tpu.enqueue_dma source(%arg5 : memref<205x128xf32, #tpu.memory_space<vmem>>) target(%dma_start3A_1360 : memref<205x128xf32, #tpu.memory_space<hbm>>) target_semaphore(%arg14 : memref<!tpu.dma_semaphore, #tpu.memory_space<semaphore_mem>>)
    %add3A_1361 = arith.constant 23 : i32
    %add3A_1362 = arith.addi %mul3A_2, %add3A_1361 : i32
    %dma_wait3A_1363 = arith.constant 0 : i32
    %dma_wait3A_1364 = arith.constant 0 : i32
    %dma_wait3A_1365 = tpu.memref_slice %arg4[%add3A_1362, %dma_wait3A_1363, %dma_wait3A_1364] : memref<1024x205x128xf32, #tpu.memory_space<hbm>> -> memref<1x205x128xf32, #tpu.memory_space<hbm>>
    %dma_wait3A_1366 = tpu.memref_squeeze %dma_wait3A_1365 : memref<1x205x128xf32, #tpu.memory_space<hbm>> -> memref<205x128xf32, #tpu.memory_space<hbm>>
    %dma_wait3A_1367 = arith.constant 0 : i32
    %dma_wait3A_1368 = arith.constant 0 : i32
    %dma_wait3A_1369 = tpu.memref_slice %arg4[%add3A_1362, %dma_wait3A_1367, %dma_wait3A_1368] : memref<1024x205x128xf32, #tpu.memory_space<hbm>> -> memref<1x205x128xf32, #tpu.memory_space<hbm>>
    %dma_wait3A_1370 = tpu.memref_squeeze %dma_wait3A_1369 : memref<1x205x128xf32, #tpu.memory_space<hbm>> -> memref<205x128xf32, #tpu.memory_space<hbm>>
    tpu.wait_dma2 semaphore(%arg17 : memref<!tpu.dma_semaphore, #tpu.memory_space<semaphore_mem>>) src(%arg8 : memref<205x128xf32, #tpu.memory_space<vmem>>) dst(%dma_wait3A_1370 : memref<205x128xf32, #tpu.memory_space<hbm>>)
    %add3A_1371 = arith.constant 27 : i32
    %add3A_1372 = arith.addi %mul3A_2, %add3A_1371 : i32
    %dma_start3A_1373 = arith.constant 5 : i32
    %dma_start3A_1374 = arith.constant 0 : i32
    %dma_start3A_1375 = tpu.memref_slice %arg8[%dma_start3A_1373, %dma_start3A_1374] : memref<205x128xf32, #tpu.memory_space<vmem>> -> memref<200x128xf32, #tpu.memory_space<vmem>>
    %dma_start3A_1376 = arith.constant 0 : i32
    %dma_start3A_1377 = arith.constant 0 : i32
    %dma_start3A_1378 = tpu.memref_slice %arg2[%add3A_1372, %dma_start3A_1376, %dma_start3A_1377] : memref<1024x200x128xf32, #tpu.memory_space<hbm>> -> memref<1x200x128xf32, #tpu.memory_space<hbm>>
    %dma_start3A_1379 = tpu.memref_squeeze %dma_start3A_1378 : memref<1x200x128xf32, #tpu.memory_space<hbm>> -> memref<200x128xf32, #tpu.memory_space<hbm>>
    %dma_start3A_1380 = arith.constant 5 : i32
    %dma_start3A_1381 = arith.constant 0 : i32
    %dma_start3A_1382 = tpu.memref_slice %arg8[%dma_start3A_1380, %dma_start3A_1381] : memref<205x128xf32, #tpu.memory_space<vmem>> -> memref<200x128xf32, #tpu.memory_space<vmem>>
    %dma_start3A_1383 = arith.constant 0 : i32
    %dma_start3A_1384 = arith.constant 0 : i32
    %dma_start3A_1385 = tpu.memref_slice %arg2[%add3A_1372, %dma_start3A_1383, %dma_start3A_1384] : memref<1024x200x128xf32, #tpu.memory_space<hbm>> -> memref<1x200x128xf32, #tpu.memory_space<hbm>>
    %dma_start3A_1386 = tpu.memref_squeeze %dma_start3A_1385 : memref<1x200x128xf32, #tpu.memory_space<hbm>> -> memref<200x128xf32, #tpu.memory_space<hbm>>
    tpu.enqueue_dma source(%dma_start3A_1386 : memref<200x128xf32, #tpu.memory_space<hbm>>) target(%dma_start3A_1382 : memref<200x128xf32, #tpu.memory_space<vmem>>) target_semaphore(%arg13 : memref<!tpu.dma_semaphore, #tpu.memory_space<semaphore_mem>>)
    %add3A_1387 = arith.constant 25 : i32
    %add3A_1388 = arith.addi %mul3A_2, %add3A_1387 : i32
    %dma_wait3A_1389 = arith.constant 5 : i32
    %dma_wait3A_1390 = arith.constant 0 : i32
    %dma_wait3A_1391 = tpu.memref_slice %arg6[%dma_wait3A_1389, %dma_wait3A_1390] : memref<205x128xf32, #tpu.memory_space<vmem>> -> memref<200x128xf32, #tpu.memory_space<vmem>>
    %dma_wait3A_1392 = arith.constant 0 : i32
    %dma_wait3A_1393 = arith.constant 0 : i32
    %dma_wait3A_1394 = tpu.memref_slice %arg2[%add3A_1388, %dma_wait3A_1392, %dma_wait3A_1393] : memref<1024x200x128xf32, #tpu.memory_space<hbm>> -> memref<1x200x128xf32, #tpu.memory_space<hbm>>
    %dma_wait3A_1395 = tpu.memref_squeeze %dma_wait3A_1394 : memref<1x200x128xf32, #tpu.memory_space<hbm>> -> memref<200x128xf32, #tpu.memory_space<hbm>>
    %dma_wait3A_1396 = arith.constant 5 : i32
    %dma_wait3A_1397 = arith.constant 0 : i32
    %dma_wait3A_1398 = tpu.memref_slice %arg6[%dma_wait3A_1396, %dma_wait3A_1397] : memref<205x128xf32, #tpu.memory_space<vmem>> -> memref<200x128xf32, #tpu.memory_space<vmem>>
    %dma_wait3A_1399 = arith.constant 0 : i32
    %dma_wait3A_1400 = arith.constant 0 : i32
    %dma_wait3A_1401 = tpu.memref_slice %arg2[%add3A_1388, %dma_wait3A_1399, %dma_wait3A_1400] : memref<1024x200x128xf32, #tpu.memory_space<hbm>> -> memref<1x200x128xf32, #tpu.memory_space<hbm>>
    %dma_wait3A_1402 = tpu.memref_squeeze %dma_wait3A_1401 : memref<1x200x128xf32, #tpu.memory_space<hbm>> -> memref<200x128xf32, #tpu.memory_space<hbm>>
    tpu.wait_dma2 semaphore(%arg11 : memref<!tpu.dma_semaphore, #tpu.memory_space<semaphore_mem>>) src(%dma_wait3A_1402 : memref<200x128xf32, #tpu.memory_space<hbm>>) dst(%dma_wait3A_1398 : memref<200x128xf32, #tpu.memory_space<vmem>>)
    %add3A_1403 = arith.constant 25 : i32
    %add3A_1404 = arith.addi %mul3A_2, %add3A_1403 : i32
    %dma_start3A_1405 = arith.constant 0 : i32
    %dma_start3A_1406 = arith.constant 0 : i32
    %dma_start3A_1407 = tpu.memref_slice %arg4[%add3A_1404, %dma_start3A_1405, %dma_start3A_1406] : memref<1024x205x128xf32, #tpu.memory_space<hbm>> -> memref<1x205x128xf32, #tpu.memory_space<hbm>>
    %dma_start3A_1408 = tpu.memref_squeeze %dma_start3A_1407 : memref<1x205x128xf32, #tpu.memory_space<hbm>> -> memref<205x128xf32, #tpu.memory_space<hbm>>
    %dma_start3A_1409 = arith.constant 0 : i32
    %dma_start3A_1410 = arith.constant 0 : i32
    %dma_start3A_1411 = tpu.memref_slice %arg4[%add3A_1404, %dma_start3A_1409, %dma_start3A_1410] : memref<1024x205x128xf32, #tpu.memory_space<hbm>> -> memref<1x205x128xf32, #tpu.memory_space<hbm>>
    %dma_start3A_1412 = tpu.memref_squeeze %dma_start3A_1411 : memref<1x205x128xf32, #tpu.memory_space<hbm>> -> memref<205x128xf32, #tpu.memory_space<hbm>>
    tpu.enqueue_dma source(%arg6 : memref<205x128xf32, #tpu.memory_space<vmem>>) target(%dma_start3A_1412 : memref<205x128xf32, #tpu.memory_space<hbm>>) target_semaphore(%arg15 : memref<!tpu.dma_semaphore, #tpu.memory_space<semaphore_mem>>)
    %add3A_1413 = arith.constant 24 : i32
    %add3A_1414 = arith.addi %mul3A_2, %add3A_1413 : i32
    %dma_wait3A_1415 = arith.constant 0 : i32
    %dma_wait3A_1416 = arith.constant 0 : i32
    %dma_wait3A_1417 = tpu.memref_slice %arg4[%add3A_1414, %dma_wait3A_1415, %dma_wait3A_1416] : memref<1024x205x128xf32, #tpu.memory_space<hbm>> -> memref<1x205x128xf32, #tpu.memory_space<hbm>>
    %dma_wait3A_1418 = tpu.memref_squeeze %dma_wait3A_1417 : memref<1x205x128xf32, #tpu.memory_space<hbm>> -> memref<205x128xf32, #tpu.memory_space<hbm>>
    %dma_wait3A_1419 = arith.constant 0 : i32
    %dma_wait3A_1420 = arith.constant 0 : i32
    %dma_wait3A_1421 = tpu.memref_slice %arg4[%add3A_1414, %dma_wait3A_1419, %dma_wait3A_1420] : memref<1024x205x128xf32, #tpu.memory_space<hbm>> -> memref<1x205x128xf32, #tpu.memory_space<hbm>>
    %dma_wait3A_1422 = tpu.memref_squeeze %dma_wait3A_1421 : memref<1x205x128xf32, #tpu.memory_space<hbm>> -> memref<205x128xf32, #tpu.memory_space<hbm>>
    tpu.wait_dma2 semaphore(%arg14 : memref<!tpu.dma_semaphore, #tpu.memory_space<semaphore_mem>>) src(%arg5 : memref<205x128xf32, #tpu.memory_space<vmem>>) dst(%dma_wait3A_1422 : memref<205x128xf32, #tpu.memory_space<hbm>>)
    %add3A_1423 = arith.constant 28 : i32
    %add3A_1424 = arith.addi %mul3A_2, %add3A_1423 : i32
    %dma_start3A_1425 = arith.constant 5 : i32
    %dma_start3A_1426 = arith.constant 0 : i32
    %dma_start3A_1427 = tpu.memref_slice %arg5[%dma_start3A_1425, %dma_start3A_1426] : memref<205x128xf32, #tpu.memory_space<vmem>> -> memref<200x128xf32, #tpu.memory_space<vmem>>
    %dma_start3A_1428 = arith.constant 0 : i32
    %dma_start3A_1429 = arith.constant 0 : i32
    %dma_start3A_1430 = tpu.memref_slice %arg2[%add3A_1424, %dma_start3A_1428, %dma_start3A_1429] : memref<1024x200x128xf32, #tpu.memory_space<hbm>> -> memref<1x200x128xf32, #tpu.memory_space<hbm>>
    %dma_start3A_1431 = tpu.memref_squeeze %dma_start3A_1430 : memref<1x200x128xf32, #tpu.memory_space<hbm>> -> memref<200x128xf32, #tpu.memory_space<hbm>>
    %dma_start3A_1432 = arith.constant 5 : i32
    %dma_start3A_1433 = arith.constant 0 : i32
    %dma_start3A_1434 = tpu.memref_slice %arg5[%dma_start3A_1432, %dma_start3A_1433] : memref<205x128xf32, #tpu.memory_space<vmem>> -> memref<200x128xf32, #tpu.memory_space<vmem>>
    %dma_start3A_1435 = arith.constant 0 : i32
    %dma_start3A_1436 = arith.constant 0 : i32
    %dma_start3A_1437 = tpu.memref_slice %arg2[%add3A_1424, %dma_start3A_1435, %dma_start3A_1436] : memref<1024x200x128xf32, #tpu.memory_space<hbm>> -> memref<1x200x128xf32, #tpu.memory_space<hbm>>
    %dma_start3A_1438 = tpu.memref_squeeze %dma_start3A_1437 : memref<1x200x128xf32, #tpu.memory_space<hbm>> -> memref<200x128xf32, #tpu.memory_space<hbm>>
    tpu.enqueue_dma source(%dma_start3A_1438 : memref<200x128xf32, #tpu.memory_space<hbm>>) target(%dma_start3A_1434 : memref<200x128xf32, #tpu.memory_space<vmem>>) target_semaphore(%arg10 : memref<!tpu.dma_semaphore, #tpu.memory_space<semaphore_mem>>)
    %add3A_1439 = arith.constant 26 : i32
    %add3A_1440 = arith.addi %mul3A_2, %add3A_1439 : i32
    %dma_wait3A_1441 = arith.constant 5 : i32
    %dma_wait3A_1442 = arith.constant 0 : i32
    %dma_wait3A_1443 = tpu.memref_slice %arg7[%dma_wait3A_1441, %dma_wait3A_1442] : memref<205x128xf32, #tpu.memory_space<vmem>> -> memref<200x128xf32, #tpu.memory_space<vmem>>
    %dma_wait3A_1444 = arith.constant 0 : i32
    %dma_wait3A_1445 = arith.constant 0 : i32
    %dma_wait3A_1446 = tpu.memref_slice %arg2[%add3A_1440, %dma_wait3A_1444, %dma_wait3A_1445] : memref<1024x200x128xf32, #tpu.memory_space<hbm>> -> memref<1x200x128xf32, #tpu.memory_space<hbm>>
    %dma_wait3A_1447 = tpu.memref_squeeze %dma_wait3A_1446 : memref<1x200x128xf32, #tpu.memory_space<hbm>> -> memref<200x128xf32, #tpu.memory_space<hbm>>
    %dma_wait3A_1448 = arith.constant 5 : i32
    %dma_wait3A_1449 = arith.constant 0 : i32
    %dma_wait3A_1450 = tpu.memref_slice %arg7[%dma_wait3A_1448, %dma_wait3A_1449] : memref<205x128xf32, #tpu.memory_space<vmem>> -> memref<200x128xf32, #tpu.memory_space<vmem>>
    %dma_wait3A_1451 = arith.constant 0 : i32
    %dma_wait3A_1452 = arith.constant 0 : i32
    %dma_wait3A_1453 = tpu.memref_slice %arg2[%add3A_1440, %dma_wait3A_1451, %dma_wait3A_1452] : memref<1024x200x128xf32, #tpu.memory_space<hbm>> -> memref<1x200x128xf32, #tpu.memory_space<hbm>>
    %dma_wait3A_1454 = tpu.memref_squeeze %dma_wait3A_1453 : memref<1x200x128xf32, #tpu.memory_space<hbm>> -> memref<200x128xf32, #tpu.memory_space<hbm>>
    tpu.wait_dma2 semaphore(%arg12 : memref<!tpu.dma_semaphore, #tpu.memory_space<semaphore_mem>>) src(%dma_wait3A_1454 : memref<200x128xf32, #tpu.memory_space<hbm>>) dst(%dma_wait3A_1450 : memref<200x128xf32, #tpu.memory_space<vmem>>)
    %add3A_1455 = arith.constant 26 : i32
    %add3A_1456 = arith.addi %mul3A_2, %add3A_1455 : i32
    %dma_start3A_1457 = arith.constant 0 : i32
    %dma_start3A_1458 = arith.constant 0 : i32
    %dma_start3A_1459 = tpu.memref_slice %arg4[%add3A_1456, %dma_start3A_1457, %dma_start3A_1458] : memref<1024x205x128xf32, #tpu.memory_space<hbm>> -> memref<1x205x128xf32, #tpu.memory_space<hbm>>
    %dma_start3A_1460 = tpu.memref_squeeze %dma_start3A_1459 : memref<1x205x128xf32, #tpu.memory_space<hbm>> -> memref<205x128xf32, #tpu.memory_space<hbm>>
    %dma_start3A_1461 = arith.constant 0 : i32
    %dma_start3A_1462 = arith.constant 0 : i32
    %dma_start3A_1463 = tpu.memref_slice %arg4[%add3A_1456, %dma_start3A_1461, %dma_start3A_1462] : memref<1024x205x128xf32, #tpu.memory_space<hbm>> -> memref<1x205x128xf32, #tpu.memory_space<hbm>>
    %dma_start3A_1464 = tpu.memref_squeeze %dma_start3A_1463 : memref<1x205x128xf32, #tpu.memory_space<hbm>> -> memref<205x128xf32, #tpu.memory_space<hbm>>
    tpu.enqueue_dma source(%arg7 : memref<205x128xf32, #tpu.memory_space<vmem>>) target(%dma_start3A_1464 : memref<205x128xf32, #tpu.memory_space<hbm>>) target_semaphore(%arg16 : memref<!tpu.dma_semaphore, #tpu.memory_space<semaphore_mem>>)
    %add3A_1465 = arith.constant 25 : i32
    %add3A_1466 = arith.addi %mul3A_2, %add3A_1465 : i32
    %dma_wait3A_1467 = arith.constant 0 : i32
    %dma_wait3A_1468 = arith.constant 0 : i32
    %dma_wait3A_1469 = tpu.memref_slice %arg4[%add3A_1466, %dma_wait3A_1467, %dma_wait3A_1468] : memref<1024x205x128xf32, #tpu.memory_space<hbm>> -> memref<1x205x128xf32, #tpu.memory_space<hbm>>
    %dma_wait3A_1470 = tpu.memref_squeeze %dma_wait3A_1469 : memref<1x205x128xf32, #tpu.memory_space<hbm>> -> memref<205x128xf32, #tpu.memory_space<hbm>>
    %dma_wait3A_1471 = arith.constant 0 : i32
    %dma_wait3A_1472 = arith.constant 0 : i32
    %dma_wait3A_1473 = tpu.memref_slice %arg4[%add3A_1466, %dma_wait3A_1471, %dma_wait3A_1472] : memref<1024x205x128xf32, #tpu.memory_space<hbm>> -> memref<1x205x128xf32, #tpu.memory_space<hbm>>
    %dma_wait3A_1474 = tpu.memref_squeeze %dma_wait3A_1473 : memref<1x205x128xf32, #tpu.memory_space<hbm>> -> memref<205x128xf32, #tpu.memory_space<hbm>>
    tpu.wait_dma2 semaphore(%arg15 : memref<!tpu.dma_semaphore, #tpu.memory_space<semaphore_mem>>) src(%arg6 : memref<205x128xf32, #tpu.memory_space<vmem>>) dst(%dma_wait3A_1474 : memref<205x128xf32, #tpu.memory_space<hbm>>)
    %add3A_1475 = arith.constant 29 : i32
    %add3A_1476 = arith.addi %mul3A_2, %add3A_1475 : i32
    %dma_start3A_1477 = arith.constant 5 : i32
    %dma_start3A_1478 = arith.constant 0 : i32
    %dma_start3A_1479 = tpu.memref_slice %arg6[%dma_start3A_1477, %dma_start3A_1478] : memref<205x128xf32, #tpu.memory_space<vmem>> -> memref<200x128xf32, #tpu.memory_space<vmem>>
    %dma_start3A_1480 = arith.constant 0 : i32
    %dma_start3A_1481 = arith.constant 0 : i32
    %dma_start3A_1482 = tpu.memref_slice %arg2[%add3A_1476, %dma_start3A_1480, %dma_start3A_1481] : memref<1024x200x128xf32, #tpu.memory_space<hbm>> -> memref<1x200x128xf32, #tpu.memory_space<hbm>>
    %dma_start3A_1483 = tpu.memref_squeeze %dma_start3A_1482 : memref<1x200x128xf32, #tpu.memory_space<hbm>> -> memref<200x128xf32, #tpu.memory_space<hbm>>
    %dma_start3A_1484 = arith.constant 5 : i32
    %dma_start3A_1485 = arith.constant 0 : i32
    %dma_start3A_1486 = tpu.memref_slice %arg6[%dma_start3A_1484, %dma_start3A_1485] : memref<205x128xf32, #tpu.memory_space<vmem>> -> memref<200x128xf32, #tpu.memory_space<vmem>>
    %dma_start3A_1487 = arith.constant 0 : i32
    %dma_start3A_1488 = arith.constant 0 : i32
    %dma_start3A_1489 = tpu.memref_slice %arg2[%add3A_1476, %dma_start3A_1487, %dma_start3A_1488] : memref<1024x200x128xf32, #tpu.memory_space<hbm>> -> memref<1x200x128xf32, #tpu.memory_space<hbm>>
    %dma_start3A_1490 = tpu.memref_squeeze %dma_start3A_1489 : memref<1x200x128xf32, #tpu.memory_space<hbm>> -> memref<200x128xf32, #tpu.memory_space<hbm>>
    tpu.enqueue_dma source(%dma_start3A_1490 : memref<200x128xf32, #tpu.memory_space<hbm>>) target(%dma_start3A_1486 : memref<200x128xf32, #tpu.memory_space<vmem>>) target_semaphore(%arg11 : memref<!tpu.dma_semaphore, #tpu.memory_space<semaphore_mem>>)
    %add3A_1491 = arith.constant 27 : i32
    %add3A_1492 = arith.addi %mul3A_2, %add3A_1491 : i32
    %dma_wait3A_1493 = arith.constant 5 : i32
    %dma_wait3A_1494 = arith.constant 0 : i32
    %dma_wait3A_1495 = tpu.memref_slice %arg8[%dma_wait3A_1493, %dma_wait3A_1494] : memref<205x128xf32, #tpu.memory_space<vmem>> -> memref<200x128xf32, #tpu.memory_space<vmem>>
    %dma_wait3A_1496 = arith.constant 0 : i32
    %dma_wait3A_1497 = arith.constant 0 : i32
    %dma_wait3A_1498 = tpu.memref_slice %arg2[%add3A_1492, %dma_wait3A_1496, %dma_wait3A_1497] : memref<1024x200x128xf32, #tpu.memory_space<hbm>> -> memref<1x200x128xf32, #tpu.memory_space<hbm>>
    %dma_wait3A_1499 = tpu.memref_squeeze %dma_wait3A_1498 : memref<1x200x128xf32, #tpu.memory_space<hbm>> -> memref<200x128xf32, #tpu.memory_space<hbm>>
    %dma_wait3A_1500 = arith.constant 5 : i32
    %dma_wait3A_1501 = arith.constant 0 : i32
    %dma_wait3A_1502 = tpu.memref_slice %arg8[%dma_wait3A_1500, %dma_wait3A_1501] : memref<205x128xf32, #tpu.memory_space<vmem>> -> memref<200x128xf32, #tpu.memory_space<vmem>>
    %dma_wait3A_1503 = arith.constant 0 : i32
    %dma_wait3A_1504 = arith.constant 0 : i32
    %dma_wait3A_1505 = tpu.memref_slice %arg2[%add3A_1492, %dma_wait3A_1503, %dma_wait3A_1504] : memref<1024x200x128xf32, #tpu.memory_space<hbm>> -> memref<1x200x128xf32, #tpu.memory_space<hbm>>
    %dma_wait3A_1506 = tpu.memref_squeeze %dma_wait3A_1505 : memref<1x200x128xf32, #tpu.memory_space<hbm>> -> memref<200x128xf32, #tpu.memory_space<hbm>>
    tpu.wait_dma2 semaphore(%arg13 : memref<!tpu.dma_semaphore, #tpu.memory_space<semaphore_mem>>) src(%dma_wait3A_1506 : memref<200x128xf32, #tpu.memory_space<hbm>>) dst(%dma_wait3A_1502 : memref<200x128xf32, #tpu.memory_space<vmem>>)
    %add3A_1507 = arith.constant 27 : i32
    %add3A_1508 = arith.addi %mul3A_2, %add3A_1507 : i32
    %dma_start3A_1509 = arith.constant 0 : i32
    %dma_start3A_1510 = arith.constant 0 : i32
    %dma_start3A_1511 = tpu.memref_slice %arg4[%add3A_1508, %dma_start3A_1509, %dma_start3A_1510] : memref<1024x205x128xf32, #tpu.memory_space<hbm>> -> memref<1x205x128xf32, #tpu.memory_space<hbm>>
    %dma_start3A_1512 = tpu.memref_squeeze %dma_start3A_1511 : memref<1x205x128xf32, #tpu.memory_space<hbm>> -> memref<205x128xf32, #tpu.memory_space<hbm>>
    %dma_start3A_1513 = arith.constant 0 : i32
    %dma_start3A_1514 = arith.constant 0 : i32
    %dma_start3A_1515 = tpu.memref_slice %arg4[%add3A_1508, %dma_start3A_1513, %dma_start3A_1514] : memref<1024x205x128xf32, #tpu.memory_space<hbm>> -> memref<1x205x128xf32, #tpu.memory_space<hbm>>
    %dma_start3A_1516 = tpu.memref_squeeze %dma_start3A_1515 : memref<1x205x128xf32, #tpu.memory_space<hbm>> -> memref<205x128xf32, #tpu.memory_space<hbm>>
    tpu.enqueue_dma source(%arg8 : memref<205x128xf32, #tpu.memory_space<vmem>>) target(%dma_start3A_1516 : memref<205x128xf32, #tpu.memory_space<hbm>>) target_semaphore(%arg17 : memref<!tpu.dma_semaphore, #tpu.memory_space<semaphore_mem>>)
    %add3A_1517 = arith.constant 26 : i32
    %add3A_1518 = arith.addi %mul3A_2, %add3A_1517 : i32
    %dma_wait3A_1519 = arith.constant 0 : i32
    %dma_wait3A_1520 = arith.constant 0 : i32
    %dma_wait3A_1521 = tpu.memref_slice %arg4[%add3A_1518, %dma_wait3A_1519, %dma_wait3A_1520] : memref<1024x205x128xf32, #tpu.memory_space<hbm>> -> memref<1x205x128xf32, #tpu.memory_space<hbm>>
    %dma_wait3A_1522 = tpu.memref_squeeze %dma_wait3A_1521 : memref<1x205x128xf32, #tpu.memory_space<hbm>> -> memref<205x128xf32, #tpu.memory_space<hbm>>
    %dma_wait3A_1523 = arith.constant 0 : i32
    %dma_wait3A_1524 = arith.constant 0 : i32
    %dma_wait3A_1525 = tpu.memref_slice %arg4[%add3A_1518, %dma_wait3A_1523, %dma_wait3A_1524] : memref<1024x205x128xf32, #tpu.memory_space<hbm>> -> memref<1x205x128xf32, #tpu.memory_space<hbm>>
    %dma_wait3A_1526 = tpu.memref_squeeze %dma_wait3A_1525 : memref<1x205x128xf32, #tpu.memory_space<hbm>> -> memref<205x128xf32, #tpu.memory_space<hbm>>
    tpu.wait_dma2 semaphore(%arg16 : memref<!tpu.dma_semaphore, #tpu.memory_space<semaphore_mem>>) src(%arg7 : memref<205x128xf32, #tpu.memory_space<vmem>>) dst(%dma_wait3A_1526 : memref<205x128xf32, #tpu.memory_space<hbm>>)
    %add3A_1527 = arith.constant 30 : i32
    %add3A_1528 = arith.addi %mul3A_2, %add3A_1527 : i32
    %dma_start3A_1529 = arith.constant 5 : i32
    %dma_start3A_1530 = arith.constant 0 : i32
    %dma_start3A_1531 = tpu.memref_slice %arg7[%dma_start3A_1529, %dma_start3A_1530] : memref<205x128xf32, #tpu.memory_space<vmem>> -> memref<200x128xf32, #tpu.memory_space<vmem>>
    %dma_start3A_1532 = arith.constant 0 : i32
    %dma_start3A_1533 = arith.constant 0 : i32
    %dma_start3A_1534 = tpu.memref_slice %arg2[%add3A_1528, %dma_start3A_1532, %dma_start3A_1533] : memref<1024x200x128xf32, #tpu.memory_space<hbm>> -> memref<1x200x128xf32, #tpu.memory_space<hbm>>
    %dma_start3A_1535 = tpu.memref_squeeze %dma_start3A_1534 : memref<1x200x128xf32, #tpu.memory_space<hbm>> -> memref<200x128xf32, #tpu.memory_space<hbm>>
    %dma_start3A_1536 = arith.constant 5 : i32
    %dma_start3A_1537 = arith.constant 0 : i32
    %dma_start3A_1538 = tpu.memref_slice %arg7[%dma_start3A_1536, %dma_start3A_1537] : memref<205x128xf32, #tpu.memory_space<vmem>> -> memref<200x128xf32, #tpu.memory_space<vmem>>
    %dma_start3A_1539 = arith.constant 0 : i32
    %dma_start3A_1540 = arith.constant 0 : i32
    %dma_start3A_1541 = tpu.memref_slice %arg2[%add3A_1528, %dma_start3A_1539, %dma_start3A_1540] : memref<1024x200x128xf32, #tpu.memory_space<hbm>> -> memref<1x200x128xf32, #tpu.memory_space<hbm>>
    %dma_start3A_1542 = tpu.memref_squeeze %dma_start3A_1541 : memref<1x200x128xf32, #tpu.memory_space<hbm>> -> memref<200x128xf32, #tpu.memory_space<hbm>>
    tpu.enqueue_dma source(%dma_start3A_1542 : memref<200x128xf32, #tpu.memory_space<hbm>>) target(%dma_start3A_1538 : memref<200x128xf32, #tpu.memory_space<vmem>>) target_semaphore(%arg12 : memref<!tpu.dma_semaphore, #tpu.memory_space<semaphore_mem>>)
    %add3A_1543 = arith.constant 28 : i32
    %add3A_1544 = arith.addi %mul3A_2, %add3A_1543 : i32
    %dma_wait3A_1545 = arith.constant 5 : i32
    %dma_wait3A_1546 = arith.constant 0 : i32
    %dma_wait3A_1547 = tpu.memref_slice %arg5[%dma_wait3A_1545, %dma_wait3A_1546] : memref<205x128xf32, #tpu.memory_space<vmem>> -> memref<200x128xf32, #tpu.memory_space<vmem>>
    %dma_wait3A_1548 = arith.constant 0 : i32
    %dma_wait3A_1549 = arith.constant 0 : i32
    %dma_wait3A_1550 = tpu.memref_slice %arg2[%add3A_1544, %dma_wait3A_1548, %dma_wait3A_1549] : memref<1024x200x128xf32, #tpu.memory_space<hbm>> -> memref<1x200x128xf32, #tpu.memory_space<hbm>>
    %dma_wait3A_1551 = tpu.memref_squeeze %dma_wait3A_1550 : memref<1x200x128xf32, #tpu.memory_space<hbm>> -> memref<200x128xf32, #tpu.memory_space<hbm>>
    %dma_wait3A_1552 = arith.constant 5 : i32
    %dma_wait3A_1553 = arith.constant 0 : i32
    %dma_wait3A_1554 = tpu.memref_slice %arg5[%dma_wait3A_1552, %dma_wait3A_1553] : memref<205x128xf32, #tpu.memory_space<vmem>> -> memref<200x128xf32, #tpu.memory_space<vmem>>
    %dma_wait3A_1555 = arith.constant 0 : i32
    %dma_wait3A_1556 = arith.constant 0 : i32
    %dma_wait3A_1557 = tpu.memref_slice %arg2[%add3A_1544, %dma_wait3A_1555, %dma_wait3A_1556] : memref<1024x200x128xf32, #tpu.memory_space<hbm>> -> memref<1x200x128xf32, #tpu.memory_space<hbm>>
    %dma_wait3A_1558 = tpu.memref_squeeze %dma_wait3A_1557 : memref<1x200x128xf32, #tpu.memory_space<hbm>> -> memref<200x128xf32, #tpu.memory_space<hbm>>
    tpu.wait_dma2 semaphore(%arg10 : memref<!tpu.dma_semaphore, #tpu.memory_space<semaphore_mem>>) src(%dma_wait3A_1558 : memref<200x128xf32, #tpu.memory_space<hbm>>) dst(%dma_wait3A_1554 : memref<200x128xf32, #tpu.memory_space<vmem>>)
    %add3A_1559 = arith.constant 28 : i32
    %add3A_1560 = arith.addi %mul3A_2, %add3A_1559 : i32
    %dma_start3A_1561 = arith.constant 0 : i32
    %dma_start3A_1562 = arith.constant 0 : i32
    %dma_start3A_1563 = tpu.memref_slice %arg4[%add3A_1560, %dma_start3A_1561, %dma_start3A_1562] : memref<1024x205x128xf32, #tpu.memory_space<hbm>> -> memref<1x205x128xf32, #tpu.memory_space<hbm>>
    %dma_start3A_1564 = tpu.memref_squeeze %dma_start3A_1563 : memref<1x205x128xf32, #tpu.memory_space<hbm>> -> memref<205x128xf32, #tpu.memory_space<hbm>>
    %dma_start3A_1565 = arith.constant 0 : i32
    %dma_start3A_1566 = arith.constant 0 : i32
    %dma_start3A_1567 = tpu.memref_slice %arg4[%add3A_1560, %dma_start3A_1565, %dma_start3A_1566] : memref<1024x205x128xf32, #tpu.memory_space<hbm>> -> memref<1x205x128xf32, #tpu.memory_space<hbm>>
    %dma_start3A_1568 = tpu.memref_squeeze %dma_start3A_1567 : memref<1x205x128xf32, #tpu.memory_space<hbm>> -> memref<205x128xf32, #tpu.memory_space<hbm>>
    tpu.enqueue_dma source(%arg5 : memref<205x128xf32, #tpu.memory_space<vmem>>) target(%dma_start3A_1568 : memref<205x128xf32, #tpu.memory_space<hbm>>) target_semaphore(%arg14 : memref<!tpu.dma_semaphore, #tpu.memory_space<semaphore_mem>>)
    %add3A_1569 = arith.constant 27 : i32
    %add3A_1570 = arith.addi %mul3A_2, %add3A_1569 : i32
    %dma_wait3A_1571 = arith.constant 0 : i32
    %dma_wait3A_1572 = arith.constant 0 : i32
    %dma_wait3A_1573 = tpu.memref_slice %arg4[%add3A_1570, %dma_wait3A_1571, %dma_wait3A_1572] : memref<1024x205x128xf32, #tpu.memory_space<hbm>> -> memref<1x205x128xf32, #tpu.memory_space<hbm>>
    %dma_wait3A_1574 = tpu.memref_squeeze %dma_wait3A_1573 : memref<1x205x128xf32, #tpu.memory_space<hbm>> -> memref<205x128xf32, #tpu.memory_space<hbm>>
    %dma_wait3A_1575 = arith.constant 0 : i32
    %dma_wait3A_1576 = arith.constant 0 : i32
    %dma_wait3A_1577 = tpu.memref_slice %arg4[%add3A_1570, %dma_wait3A_1575, %dma_wait3A_1576] : memref<1024x205x128xf32, #tpu.memory_space<hbm>> -> memref<1x205x128xf32, #tpu.memory_space<hbm>>
    %dma_wait3A_1578 = tpu.memref_squeeze %dma_wait3A_1577 : memref<1x205x128xf32, #tpu.memory_space<hbm>> -> memref<205x128xf32, #tpu.memory_space<hbm>>
    tpu.wait_dma2 semaphore(%arg17 : memref<!tpu.dma_semaphore, #tpu.memory_space<semaphore_mem>>) src(%arg8 : memref<205x128xf32, #tpu.memory_space<vmem>>) dst(%dma_wait3A_1578 : memref<205x128xf32, #tpu.memory_space<hbm>>)
    %add3A_1579 = arith.constant 31 : i32
    %add3A_1580 = arith.addi %mul3A_2, %add3A_1579 : i32
    %dma_start3A_1581 = arith.constant 5 : i32
    %dma_start3A_1582 = arith.constant 0 : i32
    %dma_start3A_1583 = tpu.memref_slice %arg8[%dma_start3A_1581, %dma_start3A_1582] : memref<205x128xf32, #tpu.memory_space<vmem>> -> memref<200x128xf32, #tpu.memory_space<vmem>>
    %dma_start3A_1584 = arith.constant 0 : i32
    %dma_start3A_1585 = arith.constant 0 : i32
    %dma_start3A_1586 = tpu.memref_slice %arg2[%add3A_1580, %dma_start3A_1584, %dma_start3A_1585] : memref<1024x200x128xf32, #tpu.memory_space<hbm>> -> memref<1x200x128xf32, #tpu.memory_space<hbm>>
    %dma_start3A_1587 = tpu.memref_squeeze %dma_start3A_1586 : memref<1x200x128xf32, #tpu.memory_space<hbm>> -> memref<200x128xf32, #tpu.memory_space<hbm>>
    %dma_start3A_1588 = arith.constant 5 : i32
    %dma_start3A_1589 = arith.constant 0 : i32
    %dma_start3A_1590 = tpu.memref_slice %arg8[%dma_start3A_1588, %dma_start3A_1589] : memref<205x128xf32, #tpu.memory_space<vmem>> -> memref<200x128xf32, #tpu.memory_space<vmem>>
    %dma_start3A_1591 = arith.constant 0 : i32
    %dma_start3A_1592 = arith.constant 0 : i32
    %dma_start3A_1593 = tpu.memref_slice %arg2[%add3A_1580, %dma_start3A_1591, %dma_start3A_1592] : memref<1024x200x128xf32, #tpu.memory_space<hbm>> -> memref<1x200x128xf32, #tpu.memory_space<hbm>>
    %dma_start3A_1594 = tpu.memref_squeeze %dma_start3A_1593 : memref<1x200x128xf32, #tpu.memory_space<hbm>> -> memref<200x128xf32, #tpu.memory_space<hbm>>
    tpu.enqueue_dma source(%dma_start3A_1594 : memref<200x128xf32, #tpu.memory_space<hbm>>) target(%dma_start3A_1590 : memref<200x128xf32, #tpu.memory_space<vmem>>) target_semaphore(%arg13 : memref<!tpu.dma_semaphore, #tpu.memory_space<semaphore_mem>>)
    %add3A_1595 = arith.constant 29 : i32
    %add3A_1596 = arith.addi %mul3A_2, %add3A_1595 : i32
    %dma_wait3A_1597 = arith.constant 5 : i32
    %dma_wait3A_1598 = arith.constant 0 : i32
    %dma_wait3A_1599 = tpu.memref_slice %arg6[%dma_wait3A_1597, %dma_wait3A_1598] : memref<205x128xf32, #tpu.memory_space<vmem>> -> memref<200x128xf32, #tpu.memory_space<vmem>>
    %dma_wait3A_1600 = arith.constant 0 : i32
    %dma_wait3A_1601 = arith.constant 0 : i32
    %dma_wait3A_1602 = tpu.memref_slice %arg2[%add3A_1596, %dma_wait3A_1600, %dma_wait3A_1601] : memref<1024x200x128xf32, #tpu.memory_space<hbm>> -> memref<1x200x128xf32, #tpu.memory_space<hbm>>
    %dma_wait3A_1603 = tpu.memref_squeeze %dma_wait3A_1602 : memref<1x200x128xf32, #tpu.memory_space<hbm>> -> memref<200x128xf32, #tpu.memory_space<hbm>>
    %dma_wait3A_1604 = arith.constant 5 : i32
    %dma_wait3A_1605 = arith.constant 0 : i32
    %dma_wait3A_1606 = tpu.memref_slice %arg6[%dma_wait3A_1604, %dma_wait3A_1605] : memref<205x128xf32, #tpu.memory_space<vmem>> -> memref<200x128xf32, #tpu.memory_space<vmem>>
    %dma_wait3A_1607 = arith.constant 0 : i32
    %dma_wait3A_1608 = arith.constant 0 : i32
    %dma_wait3A_1609 = tpu.memref_slice %arg2[%add3A_1596, %dma_wait3A_1607, %dma_wait3A_1608] : memref<1024x200x128xf32, #tpu.memory_space<hbm>> -> memref<1x200x128xf32, #tpu.memory_space<hbm>>
    %dma_wait3A_1610 = tpu.memref_squeeze %dma_wait3A_1609 : memref<1x200x128xf32, #tpu.memory_space<hbm>> -> memref<200x128xf32, #tpu.memory_space<hbm>>
    tpu.wait_dma2 semaphore(%arg11 : memref<!tpu.dma_semaphore, #tpu.memory_space<semaphore_mem>>) src(%dma_wait3A_1610 : memref<200x128xf32, #tpu.memory_space<hbm>>) dst(%dma_wait3A_1606 : memref<200x128xf32, #tpu.memory_space<vmem>>)
    %add3A_1611 = arith.constant 29 : i32
    %add3A_1612 = arith.addi %mul3A_2, %add3A_1611 : i32
    %dma_start3A_1613 = arith.constant 0 : i32
    %dma_start3A_1614 = arith.constant 0 : i32
    %dma_start3A_1615 = tpu.memref_slice %arg4[%add3A_1612, %dma_start3A_1613, %dma_start3A_1614] : memref<1024x205x128xf32, #tpu.memory_space<hbm>> -> memref<1x205x128xf32, #tpu.memory_space<hbm>>
    %dma_start3A_1616 = tpu.memref_squeeze %dma_start3A_1615 : memref<1x205x128xf32, #tpu.memory_space<hbm>> -> memref<205x128xf32, #tpu.memory_space<hbm>>
    %dma_start3A_1617 = arith.constant 0 : i32
    %dma_start3A_1618 = arith.constant 0 : i32
    %dma_start3A_1619 = tpu.memref_slice %arg4[%add3A_1612, %dma_start3A_1617, %dma_start3A_1618] : memref<1024x205x128xf32, #tpu.memory_space<hbm>> -> memref<1x205x128xf32, #tpu.memory_space<hbm>>
    %dma_start3A_1620 = tpu.memref_squeeze %dma_start3A_1619 : memref<1x205x128xf32, #tpu.memory_space<hbm>> -> memref<205x128xf32, #tpu.memory_space<hbm>>
    tpu.enqueue_dma source(%arg6 : memref<205x128xf32, #tpu.memory_space<vmem>>) target(%dma_start3A_1620 : memref<205x128xf32, #tpu.memory_space<hbm>>) target_semaphore(%arg15 : memref<!tpu.dma_semaphore, #tpu.memory_space<semaphore_mem>>)
    %add3A_1621 = arith.constant 28 : i32
    %add3A_1622 = arith.addi %mul3A_2, %add3A_1621 : i32
    %dma_wait3A_1623 = arith.constant 0 : i32
    %dma_wait3A_1624 = arith.constant 0 : i32
    %dma_wait3A_1625 = tpu.memref_slice %arg4[%add3A_1622, %dma_wait3A_1623, %dma_wait3A_1624] : memref<1024x205x128xf32, #tpu.memory_space<hbm>> -> memref<1x205x128xf32, #tpu.memory_space<hbm>>
    %dma_wait3A_1626 = tpu.memref_squeeze %dma_wait3A_1625 : memref<1x205x128xf32, #tpu.memory_space<hbm>> -> memref<205x128xf32, #tpu.memory_space<hbm>>
    %dma_wait3A_1627 = arith.constant 0 : i32
    %dma_wait3A_1628 = arith.constant 0 : i32
    %dma_wait3A_1629 = tpu.memref_slice %arg4[%add3A_1622, %dma_wait3A_1627, %dma_wait3A_1628] : memref<1024x205x128xf32, #tpu.memory_space<hbm>> -> memref<1x205x128xf32, #tpu.memory_space<hbm>>
    %dma_wait3A_1630 = tpu.memref_squeeze %dma_wait3A_1629 : memref<1x205x128xf32, #tpu.memory_space<hbm>> -> memref<205x128xf32, #tpu.memory_space<hbm>>
    tpu.wait_dma2 semaphore(%arg14 : memref<!tpu.dma_semaphore, #tpu.memory_space<semaphore_mem>>) src(%arg5 : memref<205x128xf32, #tpu.memory_space<vmem>>) dst(%dma_wait3A_1630 : memref<205x128xf32, #tpu.memory_space<hbm>>)
    %add3A_1631 = arith.constant 30 : i32
    %add3A_1632 = arith.addi %mul3A_2, %add3A_1631 : i32
    %dma_wait3A_1633 = arith.constant 5 : i32
    %dma_wait3A_1634 = arith.constant 0 : i32
    %dma_wait3A_1635 = tpu.memref_slice %arg7[%dma_wait3A_1633, %dma_wait3A_1634] : memref<205x128xf32, #tpu.memory_space<vmem>> -> memref<200x128xf32, #tpu.memory_space<vmem>>
    %dma_wait3A_1636 = arith.constant 0 : i32
    %dma_wait3A_1637 = arith.constant 0 : i32
    %dma_wait3A_1638 = tpu.memref_slice %arg2[%add3A_1632, %dma_wait3A_1636, %dma_wait3A_1637] : memref<1024x200x128xf32, #tpu.memory_space<hbm>> -> memref<1x200x128xf32, #tpu.memory_space<hbm>>
    %dma_wait3A_1639 = tpu.memref_squeeze %dma_wait3A_1638 : memref<1x200x128xf32, #tpu.memory_space<hbm>> -> memref<200x128xf32, #tpu.memory_space<hbm>>
    %dma_wait3A_1640 = arith.constant 5 : i32
    %dma_wait3A_1641 = arith.constant 0 : i32
    %dma_wait3A_1642 = tpu.memref_slice %arg7[%dma_wait3A_1640, %dma_wait3A_1641] : memref<205x128xf32, #tpu.memory_space<vmem>> -> memref<200x128xf32, #tpu.memory_space<vmem>>
    %dma_wait3A_1643 = arith.constant 0 : i32
    %dma_wait3A_1644 = arith.constant 0 : i32
    %dma_wait3A_1645 = tpu.memref_slice %arg2[%add3A_1632, %dma_wait3A_1643, %dma_wait3A_1644] : memref<1024x200x128xf32, #tpu.memory_space<hbm>> -> memref<1x200x128xf32, #tpu.memory_space<hbm>>
    %dma_wait3A_1646 = tpu.memref_squeeze %dma_wait3A_1645 : memref<1x200x128xf32, #tpu.memory_space<hbm>> -> memref<200x128xf32, #tpu.memory_space<hbm>>
    tpu.wait_dma2 semaphore(%arg12 : memref<!tpu.dma_semaphore, #tpu.memory_space<semaphore_mem>>) src(%dma_wait3A_1646 : memref<200x128xf32, #tpu.memory_space<hbm>>) dst(%dma_wait3A_1642 : memref<200x128xf32, #tpu.memory_space<vmem>>)
    %add3A_1647 = arith.constant 30 : i32
    %add3A_1648 = arith.addi %mul3A_2, %add3A_1647 : i32
    %dma_start3A_1649 = arith.constant 0 : i32
    %dma_start3A_1650 = arith.constant 0 : i32
    %dma_start3A_1651 = tpu.memref_slice %arg4[%add3A_1648, %dma_start3A_1649, %dma_start3A_1650] : memref<1024x205x128xf32, #tpu.memory_space<hbm>> -> memref<1x205x128xf32, #tpu.memory_space<hbm>>
    %dma_start3A_1652 = tpu.memref_squeeze %dma_start3A_1651 : memref<1x205x128xf32, #tpu.memory_space<hbm>> -> memref<205x128xf32, #tpu.memory_space<hbm>>
    %dma_start3A_1653 = arith.constant 0 : i32
    %dma_start3A_1654 = arith.constant 0 : i32
    %dma_start3A_1655 = tpu.memref_slice %arg4[%add3A_1648, %dma_start3A_1653, %dma_start3A_1654] : memref<1024x205x128xf32, #tpu.memory_space<hbm>> -> memref<1x205x128xf32, #tpu.memory_space<hbm>>
    %dma_start3A_1656 = tpu.memref_squeeze %dma_start3A_1655 : memref<1x205x128xf32, #tpu.memory_space<hbm>> -> memref<205x128xf32, #tpu.memory_space<hbm>>
    tpu.enqueue_dma source(%arg7 : memref<205x128xf32, #tpu.memory_space<vmem>>) target(%dma_start3A_1656 : memref<205x128xf32, #tpu.memory_space<hbm>>) target_semaphore(%arg16 : memref<!tpu.dma_semaphore, #tpu.memory_space<semaphore_mem>>)
    %add3A_1657 = arith.constant 29 : i32
    %add3A_1658 = arith.addi %mul3A_2, %add3A_1657 : i32
    %dma_wait3A_1659 = arith.constant 0 : i32
    %dma_wait3A_1660 = arith.constant 0 : i32
    %dma_wait3A_1661 = tpu.memref_slice %arg4[%add3A_1658, %dma_wait3A_1659, %dma_wait3A_1660] : memref<1024x205x128xf32, #tpu.memory_space<hbm>> -> memref<1x205x128xf32, #tpu.memory_space<hbm>>
    %dma_wait3A_1662 = tpu.memref_squeeze %dma_wait3A_1661 : memref<1x205x128xf32, #tpu.memory_space<hbm>> -> memref<205x128xf32, #tpu.memory_space<hbm>>
    %dma_wait3A_1663 = arith.constant 0 : i32
    %dma_wait3A_1664 = arith.constant 0 : i32
    %dma_wait3A_1665 = tpu.memref_slice %arg4[%add3A_1658, %dma_wait3A_1663, %dma_wait3A_1664] : memref<1024x205x128xf32, #tpu.memory_space<hbm>> -> memref<1x205x128xf32, #tpu.memory_space<hbm>>
    %dma_wait3A_1666 = tpu.memref_squeeze %dma_wait3A_1665 : memref<1x205x128xf32, #tpu.memory_space<hbm>> -> memref<205x128xf32, #tpu.memory_space<hbm>>
    tpu.wait_dma2 semaphore(%arg15 : memref<!tpu.dma_semaphore, #tpu.memory_space<semaphore_mem>>) src(%arg6 : memref<205x128xf32, #tpu.memory_space<vmem>>) dst(%dma_wait3A_1666 : memref<205x128xf32, #tpu.memory_space<hbm>>)
    %add3A_1667 = arith.constant 31 : i32
    %add3A_1668 = arith.addi %mul3A_2, %add3A_1667 : i32
    %dma_wait3A_1669 = arith.constant 5 : i32
    %dma_wait3A_1670 = arith.constant 0 : i32
    %dma_wait3A_1671 = tpu.memref_slice %arg8[%dma_wait3A_1669, %dma_wait3A_1670] : memref<205x128xf32, #tpu.memory_space<vmem>> -> memref<200x128xf32, #tpu.memory_space<vmem>>
    %dma_wait3A_1672 = arith.constant 0 : i32
    %dma_wait3A_1673 = arith.constant 0 : i32
    %dma_wait3A_1674 = tpu.memref_slice %arg2[%add3A_1668, %dma_wait3A_1672, %dma_wait3A_1673] : memref<1024x200x128xf32, #tpu.memory_space<hbm>> -> memref<1x200x128xf32, #tpu.memory_space<hbm>>
    %dma_wait3A_1675 = tpu.memref_squeeze %dma_wait3A_1674 : memref<1x200x128xf32, #tpu.memory_space<hbm>> -> memref<200x128xf32, #tpu.memory_space<hbm>>
    %dma_wait3A_1676 = arith.constant 5 : i32
    %dma_wait3A_1677 = arith.constant 0 : i32
    %dma_wait3A_1678 = tpu.memref_slice %arg8[%dma_wait3A_1676, %dma_wait3A_1677] : memref<205x128xf32, #tpu.memory_space<vmem>> -> memref<200x128xf32, #tpu.memory_space<vmem>>
    %dma_wait3A_1679 = arith.constant 0 : i32
    %dma_wait3A_1680 = arith.constant 0 : i32
    %dma_wait3A_1681 = tpu.memref_slice %arg2[%add3A_1668, %dma_wait3A_1679, %dma_wait3A_1680] : memref<1024x200x128xf32, #tpu.memory_space<hbm>> -> memref<1x200x128xf32, #tpu.memory_space<hbm>>
    %dma_wait3A_1682 = tpu.memref_squeeze %dma_wait3A_1681 : memref<1x200x128xf32, #tpu.memory_space<hbm>> -> memref<200x128xf32, #tpu.memory_space<hbm>>
    tpu.wait_dma2 semaphore(%arg13 : memref<!tpu.dma_semaphore, #tpu.memory_space<semaphore_mem>>) src(%dma_wait3A_1682 : memref<200x128xf32, #tpu.memory_space<hbm>>) dst(%dma_wait3A_1678 : memref<200x128xf32, #tpu.memory_space<vmem>>)
    %add3A_1683 = arith.constant 31 : i32
    %add3A_1684 = arith.addi %mul3A_2, %add3A_1683 : i32
    %dma_start3A_1685 = arith.constant 0 : i32
    %dma_start3A_1686 = arith.constant 0 : i32
    %dma_start3A_1687 = tpu.memref_slice %arg4[%add3A_1684, %dma_start3A_1685, %dma_start3A_1686] : memref<1024x205x128xf32, #tpu.memory_space<hbm>> -> memref<1x205x128xf32, #tpu.memory_space<hbm>>
    %dma_start3A_1688 = tpu.memref_squeeze %dma_start3A_1687 : memref<1x205x128xf32, #tpu.memory_space<hbm>> -> memref<205x128xf32, #tpu.memory_space<hbm>>
    %dma_start3A_1689 = arith.constant 0 : i32
    %dma_start3A_1690 = arith.constant 0 : i32
    %dma_start3A_1691 = tpu.memref_slice %arg4[%add3A_1684, %dma_start3A_1689, %dma_start3A_1690] : memref<1024x205x128xf32, #tpu.memory_space<hbm>> -> memref<1x205x128xf32, #tpu.memory_space<hbm>>
    %dma_start3A_1692 = tpu.memref_squeeze %dma_start3A_1691 : memref<1x205x128xf32, #tpu.memory_space<hbm>> -> memref<205x128xf32, #tpu.memory_space<hbm>>
    tpu.enqueue_dma source(%arg8 : memref<205x128xf32, #tpu.memory_space<vmem>>) target(%dma_start3A_1692 : memref<205x128xf32, #tpu.memory_space<hbm>>) target_semaphore(%arg17 : memref<!tpu.dma_semaphore, #tpu.memory_space<semaphore_mem>>)
    %add3A_1693 = arith.constant 30 : i32
    %add3A_1694 = arith.addi %mul3A_2, %add3A_1693 : i32
    %dma_wait3A_1695 = arith.constant 0 : i32
    %dma_wait3A_1696 = arith.constant 0 : i32
    %dma_wait3A_1697 = tpu.memref_slice %arg4[%add3A_1694, %dma_wait3A_1695, %dma_wait3A_1696] : memref<1024x205x128xf32, #tpu.memory_space<hbm>> -> memref<1x205x128xf32, #tpu.memory_space<hbm>>
    %dma_wait3A_1698 = tpu.memref_squeeze %dma_wait3A_1697 : memref<1x205x128xf32, #tpu.memory_space<hbm>> -> memref<205x128xf32, #tpu.memory_space<hbm>>
    %dma_wait3A_1699 = arith.constant 0 : i32
    %dma_wait3A_1700 = arith.constant 0 : i32
    %dma_wait3A_1701 = tpu.memref_slice %arg4[%add3A_1694, %dma_wait3A_1699, %dma_wait3A_1700] : memref<1024x205x128xf32, #tpu.memory_space<hbm>> -> memref<1x205x128xf32, #tpu.memory_space<hbm>>
    %dma_wait3A_1702 = tpu.memref_squeeze %dma_wait3A_1701 : memref<1x205x128xf32, #tpu.memory_space<hbm>> -> memref<205x128xf32, #tpu.memory_space<hbm>>
    tpu.wait_dma2 semaphore(%arg16 : memref<!tpu.dma_semaphore, #tpu.memory_space<semaphore_mem>>) src(%arg7 : memref<205x128xf32, #tpu.memory_space<vmem>>) dst(%dma_wait3A_1702 : memref<205x128xf32, #tpu.memory_space<hbm>>)
    %add3A_1703 = arith.constant 31 : i32
    %add3A_1704 = arith.addi %mul3A_2, %add3A_1703 : i32
    %dma_wait3A_1705 = arith.constant 0 : i32
    %dma_wait3A_1706 = arith.constant 0 : i32
    %dma_wait3A_1707 = tpu.memref_slice %arg4[%add3A_1704, %dma_wait3A_1705, %dma_wait3A_1706] : memref<1024x205x128xf32, #tpu.memory_space<hbm>> -> memref<1x205x128xf32, #tpu.memory_space<hbm>>
    %dma_wait3A_1708 = tpu.memref_squeeze %dma_wait3A_1707 : memref<1x205x128xf32, #tpu.memory_space<hbm>> -> memref<205x128xf32, #tpu.memory_space<hbm>>
    %dma_wait3A_1709 = arith.constant 0 : i32
    %dma_wait3A_1710 = arith.constant 0 : i32
    %dma_wait3A_1711 = tpu.memref_slice %arg4[%add3A_1704, %dma_wait3A_1709, %dma_wait3A_1710] : memref<1024x205x128xf32, #tpu.memory_space<hbm>> -> memref<1x205x128xf32, #tpu.memory_space<hbm>>
    %dma_wait3A_1712 = tpu.memref_squeeze %dma_wait3A_1711 : memref<1x205x128xf32, #tpu.memory_space<hbm>> -> memref<205x128xf32, #tpu.memory_space<hbm>>
    tpu.wait_dma2 semaphore(%arg17 : memref<!tpu.dma_semaphore, #tpu.memory_space<semaphore_mem>>) src(%arg8 : memref<205x128xf32, #tpu.memory_space<vmem>>) dst(%dma_wait3A_1712 : memref<205x128xf32, #tpu.memory_space<hbm>>)
    return
  }
}

</mosaic_0001>

<sc_bundles>
// kernel: kernel.3.cloned.1.call-start
scs
__scs_entry_jumppad:
0x0: {  	(pc) =	sbr.rel $0x88, $3  }
0x1: {  	(tag) =	ssettag $0x0;
	lr =	simm.s32 $0x1  }
0x2: {  	[smem:$0x3F9F] =	sst lr;
	_ =	strace $0xD0000000  }
0x3: {  	_ = 	snop  }
0x4: {  	_ = 	snop  }
0x5: {  	_ = 	snop  }
0x6: {  	_ = 	snop  }
0x7: {  	_ = 	snop  }
__scs_overlays_trampoline_lowered:
0x8: {  	[smem:$0x3FAE] =	sst s0  }
0x9: {  	[smem:$0x3FAF] =	sst s1  }
0xa: {  	[smem:$0x3FB0] =	sst s2  }
0xb: {  	[smem:$0x3FB1] =	sst s3  }
0xc: {  	[smem:$0x3FB2] =	sst s4  }
0xd: {  	[smem:$0x3FB3] =	sst s5  }
0xe: {  	[smem:$0x3FB4] =	sst s6  }
0xf: {  	[smem:$0x3FB5] =	sst s7  }
0x10: {  	[smem:$0x3FB6] =	sst s8  }
0x11: {  	[smem:$0x3FB7] =	sst s9;
	s0 =	simm.s32 @!p0 $0x0  }
0x12: {  	s1 =	sld [smem:$0x3F9D];
	s0 =	simm.s32 @p0 $0x1  }
0x13: {  	[smem:$0x3FB8] =	sst s0;
	s0 =	simm.s32 @!p1 $0x0  }
0x14: {  	s2 =	sld [smem:$0x3F9C];
	s0 =	simm.s32 @p1 $0x1  }
0x15: {  	[smem:$0x3FB9] =	sst s0;
	s0 =	simm.s32 @!p2 $0x0  }
0x16: {  	s3 =	sld [smem:$0x3FDB];
	s0 =	simm.s32 @p2 $0x1  }
0x17: {  	s4 =	simm.s32 $0x1BF5;
	[smem:$0x3FBB] =	sst s0  }
0x18: {  	s0 =	sld [smem:$0x3F9E];
	_ =	swait.ge [sflag:s4], $0x0  }
0x19: {  	s7 =	sld [smem:$0x3F9F]  }
0x1a: {  	s8 =	sadd.s32 $0xFFFFE003, lr  }
0x1b: {  	s9 =	sadd.s32 $0xFFFFFEF7, lr;
	s5 =	simm.s32 $0xFFFFFFFF;
	p2 =	slt.u32 s8, $0xFFFFF086  }
0x1c: {  	p1 =	slt.u32 s9, $0xF7A;
	s5 =	simm.s32 @!p2 $0x0  }
0x1d: {  	s5 =	simm.s32 @p1 $0x1;
	p0 =	seq.s32 s7, s2  }
0x1e: {  	s7 =	smul.u32 @!p0 $0xF7A, s2;
	p2 =	seq.s32 @!p0 s5, $0x0  }
0x1f: {  	s9 =	smul.u32 $0xF7A, s1;
	s8 =	simm.s32 @!p0 $0x1BF5;
	p2 =	por !p2, p0  }
0x20: {  	[sflag:s8] =	ssyncset.s32 @!p0 $0xFFFFF086;
	s6 =	sadd.s32 @!p0 s3, s7;
	s7 =	simm.s32 @!p0 $0x108  }
0x21: {  	s3 =	sadd.s32 s3, s9;
	s6 =	sadd.s32 @!p0 $0x88, s6;
	s7 =	simm.s32 @p2 $0x1082  }
0x22: {  	[simem:s7], [sflag:s8] =	dma.local @!p0 [hbm:s6], $0xF7A  }
0x23: {  	s9 =	sor.u32 $0xD0000000, s2;
	s6 =	simm.s32 $0x108;
	_ =	swait.ge @!p0 [sflag:s8], $0x0  }
0x24: {  	s3 =	sadd.s32 $0x88, s3;
	s6 =	simm.s32 @!p1 $0x1082;
	[sflag:s4] =	ssyncset.s32 $0xFFFFF086  }
0x25: {  	[simem:s6], [sflag:s4] =	dma.local [hbm:s3], $0xF7A  }
0x26: {  	[smem:$0x3F9F] =	sst s1;
	(tag) =	ssettag s2;
	_ =	strace s9  }
0x27: {  	s1 =	sld [smem:$0x3FAF]  }
0x28: {  	s2 =	sld [smem:$0x3FB0]  }
0x29: {  	s4 =	sld [smem:$0x3FB2]  }
0x2a: {  	p0 =	seq.s32 s5, $0x0;
	s5 =	sld [smem:$0x3FB3]  }
0x2b: {  	s6 =	sld [smem:$0x3FB4]  }
0x2c: {  	s7 =	sld [smem:$0x3FB5]  }
0x2d: {  	s3 =	simm.s32 $0x108;
	s8 =	sld [smem:$0x3FB6]  }
0x2e: {  	s3 =	simm.s32 @!p0 $0x1082;
	s9 =	sld [smem:$0x3FB7]  }
0x2f: {  	lr =	sadd.s32 s0, s3;
	s0 =	sld [smem:$0x3FAE]  }
0x30: {  	s3 =	sld [smem:$0x3FB1]  }
0x31: {  	[smem:$0x3FBA] =	sst s10  }
0x32: {  	s10 =	sld [smem:$0x3FB8];
	_ =	sdelay $0x3  }
0x33: {  	p0 =	seq.s32 s10, $0x1;
	s10 =	sld [smem:$0x3FBA];
	_ =	sdelay $0x3  }
0x34: {  	[smem:$0x3FBA] =	sst s10  }
0x35: {  	s10 =	sld [smem:$0x3FB9];
	_ =	sdelay $0x3  }
0x36: {  	p1 =	seq.s32 s10, $0x1;
	s10 =	sld [smem:$0x3FBA];
	_ =	sdelay $0x3  }
0x37: {  	[smem:$0x3FBA] =	sst s10  }
0x38: {  	s10 =	sld [smem:$0x3FBB]  }
0x39: {  	_ = 	snop;
	(pc) =	sbr.ind lr, $3  }
0x3a: {  	_ = 	snop  }
0x3b: {  	_ = 	snop  }
0x3c: {  	p2 =	seq.s32 s10, $0x1;
	s10 =	sld [smem:$0x3FBA]  }
0x3d: {  	_ =	shalt  }
0x3e: {  	_ =	shalt  }
0x3f: {  	_ =	shalt  }
0x40: {  	_ =	shalt  }
0x41: {  	_ =	shalt  }
0x42: {  	_ =	shalt  }
0x43: {  	_ =	shalt  }
0x44: {  	_ =	shalt  }
0x45: {  	_ =	shalt  }
0x46: {  	_ =	shalt  }
0x47: {  	_ =	shalt  }
0x48: {  	_ =	shalt  }
0x49: {  	_ =	shalt  }
0x4a: {  	_ =	shalt  }
0x4b: {  	_ =	shalt  }
0x4c: {  	_ =	shalt  }
0x4d: {  	_ =	shalt  }
0x4e: {  	_ =	shalt  }
0x4f: {  	_ =	shalt  }
0x50: {  	_ =	shalt  }
0x51: {  	_ =	shalt  }
0x52: {  	_ =	shalt  }
0x53: {  	_ =	shalt  }
0x54: {  	_ =	shalt  }
0x55: {  	_ =	shalt  }
0x56: {  	_ =	shalt  }
0x57: {  	_ =	shalt  }
0x58: {  	_ =	shalt  }
0x59: {  	_ =	shalt  }
0x5a: {  	_ =	shalt  }
0x5b: {  	_ =	shalt  }
0x5c: {  	_ =	shalt  }
0x5d: {  	_ =	shalt  }
0x5e: {  	_ =	shalt  }
0x5f: {  	_ =	shalt  }
0x60: {  	_ =	shalt  }
0x61: {  	_ =	shalt  }
0x62: {  	_ =	shalt  }
0x63: {  	_ =	shalt  }
0x64: {  	_ =	shalt  }
0x65: {  	_ =	shalt  }
0x66: {  	_ =	shalt  }
0x67: {  	_ =	shalt  }
0x68: {  	_ =	shalt  }
0x69: {  	_ =	shalt  }
0x6a: {  	_ =	shalt  }
0x6b: {  	_ =	shalt  }
0x6c: {  	_ =	shalt  }
0x6d: {  	_ =	shalt  }
0x6e: {  	_ =	shalt  }
0x6f: {  	_ =	shalt  }
0x70: {  	_ =	shalt  }
0x71: {  	_ =	shalt  }
0x72: {  	_ =	shalt  }
0x73: {  	_ =	shalt  }
0x74: {  	_ =	shalt  }
0x75: {  	_ =	shalt  }
0x76: {  	_ =	shalt  }
0x77: {  	_ =	shalt  }
0x78: {  	_ =	shalt  }
0x79: {  	_ =	shalt  }
0x7a: {  	_ =	shalt  }
0x7b: {  	_ =	shalt  }
0x7c: {  	_ =	shalt  }
0x7d: {  	_ =	shalt  }
0x7e: {  	_ =	shalt  }
0x7f: {  	_ =	shalt  }
0x80: {  	_ =	shalt  }
0x81: {  	_ =	shalt  }
0x82: {  	_ =	shalt  }
0x83: {  	_ =	shalt  }
0x84: {  	_ =	shalt  }
0x85: {  	_ =	shalt  }
0x86: {  	_ =	shalt  }
0x87: {  	_ =	shalt  }
.Lfunc_end0:
.L_simem_size_0:
called_computation_lowered:
.L_overlay_start_0:
0x88: {  	s2 =	sld [smem:$0x3FD9]  }
0x89: {  	s3 =	sld [smem:$0x3FFE];
	_ =	sdelay $0x1  }
0x8a: {  	s1 =	srdreg.scid  }
0x8b: {  	s0 =	sand.u32 $0x1, s1  }
0x8c: {  	s17 =	sshll.u32 s0, $0xA;
	s2 =	sadd.s32 s3, s2  }
0x8d: {  	s2 =	sadd.s32 s2, s17  }
0x8e: {  	[smem:$0x3FC6] =	sst s2  }
0x8f: {  	_ = 	snop  }
0x90: {  	s2 =	sld [smem:$0x3FC9]  }
0x91: {  	s18 =	sld [smem:$0x3FC8];
	(tm) =	ssettm $0x1  }
0x92: {  	s4 =	sld [smem:$0x3FFB];
	_ =	sdelay $0x3  }
0x93: {  	_ =	strace s4  }
0x94: {  	s4 =	sld [smem:$0x3FFC];
	_ =	sdelay $0x3  }
0x95: {  	_ =	strace s4  }
0x96: {  	s4 =	sld [smem:$0x3FFD];
	_ =	sdelay $0x3  }
0x97: {  	_ =	strace s4  }
0x98: {  	_ =	strace $0x8FFFFFFF  }
0x99: {  	s19 =	sld [smem:$0x3FDB];
	_ =	sdelay $0x1  }
0x9a: {  	s5 =	simm.s32 $_scs_section_size  }
0x9b: {  	s6 =	simm.s32 $_size__tile_overlayer_lowered;
	s7 =	simm.s32 $_tile_overlayer_lowered  }
0x9c: {  	s22 =	simm.s32 $0x1BFF;
	s21 =	sshll.u32 s7, $0x1;
	s4 =	sadd.s32 s5, s19  }
0x9d: {  	s8 =	simm.s32 $0x0;
	s20 =	sshll.u32 s6, $0x1;
	s6 =	sadd.s32 s21, s4  }
0x9e: {  	[timem:s8], [sflag:s22] =	dma.local [hbm:s6], s20  }
0x9f: {  	_ =	swait.ge [sflag:s22], s20  }
0xa0: {  	s5 =	ssub.s32 $0x0, s20;
	[sflag:s22] =	ssyncset.done $0x0  }
0xa1: {  	[sflag:s22] =	ssyncadd.s32 s5;
	_ =	sdelay $0x1  }
0xa2: {  	s23 =	simm.s32 $0x1B8B  }
0xa3: {  	_ =	swait.ge [sflag:s23], $0x1  }
0xa4: {  	[sflag:s23] =	ssyncset.done $0x0  }
0xa5: {  	s25 =	simm.s32 $0x1B8E;
	s24 =	sld [smem:$0x3FFE];
	[sflag:s23] =	ssyncadd.s32 $0xFFFFFFFF  }
0xa6: {  	s26 =	simm.s32 $execute0_lowered;
	[smem:$0x3FD2] =	sst s25  }
0xa7: {  	s6 =	sshll.u32 s26, $0x1;
	_ =	strace $0x80000046;
	[dreg:$0x1] =	wrdreg $0xFFFFFFFF  }
0xa8: {  	s28 =	simm.s32 $_size_execute0_lowered;
	s4 =	sadd.s32 s4, s6;
	[dreg:$0x0] =	wrdreg $0x0  }
0xa9: {  	s6 =	sshll.u32 s28, $0x1;
	[dreg:$0x2] =	wrdreg s4  }
0xaa: {  	[dreg:$0x3] =	wrdreg s6  }
0xab: {  	[dreg:$0x4] =	wrdreg $0xC0  }
0xac: {  	_ =	task [dreg:s8], $0x5FFFF  }
0xad: {  	[dreg:$0x1] =	wrdreg $0xFFFFFFFF  }
0xae: {  	[dreg:$0x0] =	wrdreg $0x60  }
0xaf: {  	[dreg:$0x2] =	wrdreg s2  }
0xb0: {  	[dreg:$0x3] =	wrdreg s18  }
0xb1: {  	[dreg:$0x4] =	wrdreg s24  }
0xb2: {  	[dreg:$0x5] =	wrdreg $0x9  }
0xb3: {  	_ =	task.clear_ibuf [dreg:s8], $0x6FFFF;
	_ =	strace $0x90000046  }
0xb4: {  	s29 =	simm.s32 $0x9;
	_ =	strace $0x80000048  }
0xb5: {  	_ =	swait.ge [sflag:s29], $0x1  }
0xb6: {  	[sflag:s29] =	ssyncadd.s32 $0xFFFFFFFF  }
0xb7: {  	_ =	strace $0x90000048  }
0xb8: {  	_ =	sfence  }
0xb9: {  	s30 =	sld [smem:$0x0];
	_ =	sdelay $0x2  }
0xba: {  	s31 =	sshll.u32 s1, $0xD;
	s1 =	sshrl.u32 s1, $0x2  }
0xbb: {  	s3 =	sand.u32 $0x4000, s31;
	s1 =	sadd.s32 s1, s30  }
0xbc: {  	s0 =	sor.u32 s3, s0;
	s1 =	sshll.u32 s1, $0x11  }
0xbd: {  	s0 =	sor.u32 s1, s0  }
0xbe: {  	s0 =	sadd.s32 $0x8F2B, s0  }
0xbf: {  	[sflag:s0] =	ssyncadd.remote.s32 $0x1  }
0xc0: {  	_ =	sfence.sel $0xFFFF  }
0xc1: {  	[dreg:$0x0] =	wrdreg $0xFFFFFFFF;
	(pc) =	sbr.abs _section_cstart, $3  }
0xc2: {  	[dreg:$0x1] =	wrdreg $0xFFFFFFFF  }
0xc3: {  	_ =	task.clear_ibuf [dreg:s8], $0x2FFFF;
	_ =	strace $0x9FFFFFFF  }
0xc4: {  	(tm) =	ssettm $0x7FFFFFFF  }
0xc5: {  	_ =	shalt  }
tec
execute0_lowered:
.L_overlay_start_1:
0x0: {  	(tag) =	ssettag $0x1  }
0x1: {  	s0 =	srdreg.scid  }
0x2: {  	s2 =	stileid.u32;
	s5 =	sand.u32 $0x1, s0  }
0x3: {  	s2 =	sshll.u32 s2, $0x6;
	s3 =	sshll.u32 s5, $0x5  }
0x4: {  	s4 =	sor.u32 s3, s2  }
0x5: {  	s3 =	smul.u32 $0xC80, s4  }
0x6: {  	s1 =	rddreg [dreg:$0x0];
	s6 =	sor.u32 $0x1, s4;
	s9 =	smul.u32 $0xD00, s4  }
0x7: {  	s30 =	rddreg [dreg:$0x1];
	s8 =	sor.u32 $0x2, s4;
	s7 =	smul.u32 $0xC80, s6  }
0x8: {  	s14 =	rddreg [dreg:$0x2];
	s10 =	sor.u32 $0x3, s4;
	s16 =	smul.u32 $0xC80, s8  }
0x9: {  	s29 =	simm.s32 $0x280;
	s28 =	simm.s32 $0x6A80;
	s17 =	smul.u32 $0xC80, s10  }
0xa: {  	s31 =	simm.s32 $0x1;
	s19 =	sor.u32 $0x4, s4;
	s6 =	smul.u32 $0xD00, s6  }
0xb: {  	p0 =	por $0x0, $0x0;
	s2 =	simm.s32 $0x0;
	s20 =	smul.u32 $0xC80, s19  }
0xc: {  	[smem:$0x7FF] =	sst s2;
	s24 =	sor.u32 $0x5, s4;
	s22 =	smul.u32 $0xD00, s8  }
0xd: {  	s11 =	sor.u32 $0x6, s4;
	s13 =	sor.u32 $0x7, s4;
	s26 =	smul.u32 $0xC80, s24  }
0xe: {  	_ =	strace $0x80000047;
	s10 =	smul.u32 $0xD00, s10;
	s3 =	sadd.s32 s1, s3  }
0xf: {  	s12 =	smul.u32 $0xC80, s11;
	[dreg:$0x4] =	wrdreg s3;
	s15 =	sadd.s32 s1, s7  }
0x10: {  	s7 =	sadd.s32 s1, s16;
	s3 =	sadd.s32 $0x400, s14;
	[dreg:$0x5] =	wrdreg s15  }
0x11: {  	s0 =	sadd.s32 s1, s17;
	s23 =	sadd.s32 s1, s20;
	[dreg:$0x6] =	wrdreg s7  }
0x12: {  	s8 =	sadd.s32 s1, s26;
	s14 =	smul.u32 $0xC80, s13;
	[dreg:$0x8] =	wrdreg s0  }
0x13: {  	s17 =	sor.u32 $0x8, s4;
	s18 =	sadd.s32 s3, s9;
	[dreg:$0xa] =	wrdreg s23  }
0x14: {  	s21 =	sadd.s32 s3, s6;
	[dreg:$0xc] =	wrdreg s8;
	s9 =	smul.u32 $0xD00, s19  }
0x15: {  	s25 =	sadd.s32 s3, s22;
	s7 =	smul.u32 $0xD00, s24;
	[dreg:$0x7] =	wrdreg s18  }
0x16: {  	s6 =	sadd.s32 s3, s10;
	s19 =	smul.u32 $0xC80, s17;
	[dreg:$0x9] =	wrdreg s21  }
0x17: {  	s0 =	sadd.s32 s1, s12;
	s24 =	smul.u32 $0xD00, s13;
	[dreg:$0xb] =	wrdreg s25  }
0x18: {  	s22 =	sor.u32 $0x9, s4;
	[dreg:$0xd] =	wrdreg s6;
	s21 =	smul.u32 $0xD00, s11  }
0x19: {  	s12 =	sor.u32 $0xB, s4;
	[dreg:$0xe] =	wrdreg s0;
	s23 =	smul.u32 $0xC80, s22  }
0x1a: {  	s16 =	sadd.s32 s1, s14;
	s25 =	sor.u32 $0xA, s4;
	s6 =	smul.u32 $0xD00, s17  }
0x1b: {  	s14 =	smul.u32 $0xC80, s12;
	s17 =	sor.u32 $0xC, s4;
	s15 =	sadd.s32 s3, s9  }
0x1c: {  	[dreg:$0x10] =	wrdreg s16;
	s18 =	sadd.s32 s3, s7;
	s26 =	smul.u32 $0xC80, s25  }
0x1d: {  	s20 =	sadd.s32 s1, s19;
	s16 =	smul.u32 $0xD00, s22;
	[dreg:$0xf] =	wrdreg s15  }
0x1e: {  	s9 =	sadd.s32 s3, s24;
	s19 =	smul.u32 $0xD00, s25;
	[dreg:$0x11] =	wrdreg s18  }
0x1f: {  	s24 =	sor.u32 $0xE, s4;
	[dreg:$0x12] =	wrdreg s20;
	s7 =	sadd.s32 s3, s21  }
0x20: {  	s0 =	sadd.s32 s1, s23;
	[dreg:$0x15] =	wrdreg s9;
	s13 =	sadd.s32 s3, s6  }
0x21: {  	s15 =	sadd.s32 s1, s14;
	s18 =	smul.u32 $0xC80, s17;
	[dreg:$0x13] =	wrdreg s7  }
0x22: {  	s20 =	sor.u32 $0xD, s4;
	s9 =	smul.u32 $0xD00, s17;
	[dreg:$0x14] =	wrdreg s0  }
0x23: {  	s14 =	sor.u32 $0x10, s4;
	[dreg:$0x17] =	wrdreg s13;
	s21 =	smul.u32 $0xC80, s20  }
0x24: {  	s11 =	sadd.s32 s1, s26;
	[dreg:$0x18] =	wrdreg s15;
	s7 =	smul.u32 $0xD00, s12  }
0x25: {  	s6 =	sadd.s32 s3, s16;
	s26 =	smul.u32 $0xC80, s24;
	[dreg:$0x16] =	wrdreg s11  }
0x26: {  	s22 =	sadd.s32 s3, s19;
	s13 =	smul.u32 $0xD00, s20;
	[dreg:$0x19] =	wrdreg s6  }
0x27: {  	s15 =	smul.u32 $0xC80, s14;
	s0 =	sadd.s32 s1, s18;
	[dreg:$0x1b] =	wrdreg s22  }
0x28: {  	s11 =	sor.u32 $0xF, s4;
	s6 =	smul.u32 $0xD00, s24;
	s18 =	sor.u32 $0x11, s4  }
0x29: {  	[dreg:$0x1a] =	wrdreg s0;
	s23 =	sadd.s32 s1, s21;
	s25 =	sadd.s32 s3, s7  }
0x2a: {  	s7 =	sadd.s32 s1, s26;
	s12 =	smul.u32 $0xC80, s11;
	s16 =	sadd.s32 s3, s13  }
0x2b: {  	s17 =	sadd.s32 s1, s15;
	s20 =	smul.u32 $0xC80, s18;
	[dreg:$0x1c] =	wrdreg s23  }
0x2c: {  	s22 =	smul.u32 $0xD00, s11;
	s26 =	sor.u32 $0x13, s4;
	[dreg:$0x1d] =	wrdreg s25  }
0x2d: {  	[dreg:$0x1e] =	wrdreg s7;
	s7 =	sadd.s32 s3, s9;
	s25 =	smul.u32 $0xD00, s14  }
0x2e: {  	[smem:$0x7E6] =	sst s16;
	s23 =	sor.u32 $0x12, s4;
	s11 =	smul.u32 $0xC80, s26  }
0x2f: {  	[smem:$0x7E7] =	sst s17;
	s19 =	sadd.s32 s3, s6;
	s24 =	smul.u32 $0xC80, s23  }
0x30: {  	s14 =	sor.u32 $0x14, s4;
	[dreg:$0x1f] =	wrdreg s7;
	s7 =	smul.u32 $0xD00, s18  }
0x31: {  	s0 =	sadd.s32 s1, s12;
	[smem:$0x7E8] =	sst s19;
	s16 =	smul.u32 $0xC80, s14  }
0x32: {  	s21 =	sadd.s32 s1, s20;
	s18 =	smul.u32 $0xD00, s23;
	s19 =	sor.u32 $0x15, s4  }
0x33: {  	s6 =	sadd.s32 s3, s22;
	[smem:$0x7E5] =	sst s0;
	s20 =	smul.u32 $0xC80, s19  }
0x34: {  	s22 =	sor.u32 $0x16, s4;
	[smem:$0x7E9] =	sst s21;
	s21 =	smul.u32 $0xD00, s26  }
0x35: {  	s5 =	ssub.s32 $0x2, s5;
	[smem:$0x7EA] =	sst s6;
	s23 =	smul.u32 $0xC80, s22  }
0x36: {  	s12 =	sadd.s32 s3, s25;
	s13 =	sadd.s32 s1, s11;
	s6 =	smul.u32 $0xD00, s14  }
0x37: {  	s26 =	sor.u32 $0x17, s4;
	s14 =	sor.u32 $0x18, s4;
	[smem:$0x7EC] =	sst s12  }
0x38: {  	s0 =	sadd.s32 s1, s24;
	[smem:$0x7ED] =	sst s13;
	s11 =	smul.u32 $0xC80, s26  }
0x39: {  	s15 =	sadd.s32 s3, s7;
	s13 =	smul.u32 $0xD00, s19;
	[smem:$0x7EB] =	sst s0  }
0x3a: {  	s17 =	sadd.s32 s1, s16;
	s16 =	smul.u32 $0xD00, s22;
	[smem:$0x7EE] =	sst s15  }
0x3b: {  	s7 =	sadd.s32 s3, s18;
	s8 =	smul.u32 $0xD00, s14;
	[smem:$0x7EF] =	sst s17  }
0x3c: {  	[smem:$0x7F0] =	sst s7;
	s0 =	sadd.s32 s1, s20;
	s24 =	sadd.s32 s3, s21  }
0x3d: {  	s25 =	sadd.s32 s1, s23;
	s15 =	smul.u32 $0xC80, s14;
	[smem:$0x7F1] =	sst s0  }
0x3e: {  	s17 =	sor.u32 $0x19, s4;
	s7 =	smul.u32 $0xD00, s26;
	[smem:$0x7F2] =	sst s24  }
0x3f: {  	s9 =	sadd.s32 s3, s6;
	[smem:$0x7F3] =	sst s25;
	s18 =	smul.u32 $0xC80, s17  }
0x40: {  	s14 =	sor.u32 $0x1D, s4;
	[smem:$0x7F4] =	sst s9;
	s10 =	smul.u32 $0xD00, s17  }
0x41: {  	s12 =	sadd.s32 s1, s11;
	s11 =	sor.u32 $0x1A, s4;
	s22 =	smul.u32 $0xC80, s14  }
0x42: {  	s6 =	sadd.s32 s3, s13;
	s13 =	sor.u32 $0x1C, s4;
	s19 =	smul.u32 $0xC80, s11  }
0x43: {  	s9 =	sadd.s32 s3, s16;
	s16 =	sor.u32 $0x1E, s4;
	s21 =	smul.u32 $0xC80, s13  }
0x44: {  	s8 =	sadd.s32 s3, s8;
	[smem:$0x7F5] =	sst s12;
	s11 =	smul.u32 $0xD00, s11  }
0x45: {  	[smem:$0x7F6] =	sst s6;
	s0 =	sadd.s32 s1, s15;
	s24 =	smul.u32 $0xC80, s16  }
0x46: {  	s12 =	sor.u32 $0x1B, s4;
	[smem:$0x7F8] =	sst s9;
	s13 =	smul.u32 $0xD00, s13  }
0x47: {  	s7 =	sadd.s32 s3, s7;
	s15 =	sshrl.u32 s5, $0x1;
	s17 =	smul.u32 $0xD00, s16  }
0x48: {  	s4 =	sor.u32 $0x1F, s4;
	[smem:$0x7FC] =	sst s8;
	s20 =	smul.u32 $0xC80, s12  }
0x49: {  	s8 =	simm.s32 $0x9;
	[smem:$0x7F7] =	sst s0;
	s12 =	smul.u32 $0xD00, s12  }
0x4a: {  	s6 =	sadd.s32 s1, s18;
	[smem:$0x7FA] =	sst s7;
	s26 =	smul.u32 $0xC80, s4  }
0x4b: {  	s5 =	ssub.s32 s5, s15;
	s15 =	smul.u32 $0xD00, s14;
	s18 =	sadd.s32 s1, s22  }
0x4c: {  	s7 =	simm.s32 $0xD000;
	s22 =	simm.s32 $0x13A80;
	[smem:$0x7F9] =	sst s6  }
0x4d: {  	s0 =	sadd.s32 s1, s19;
	s23 =	sadd.s32 s1, s21;
	s21 =	sadd.s32 s3, s11  }
0x4e: {  	s19 =	smul.u32 $0xD00, s4;
	s14 =	sadd.s32 s1, s24;
	s11 =	sadd.s32 s3, s13  }
0x4f: {  	s4 =	sadd.s32 s3, s17;
	s24 =	simm.s32 $0x2;
	s17 =	simm.s32 $0x4  }
0x50: {  	s13 =	simm.s32 $0x5;
	s25 =	sadd.s32 s1, s20;
	s20 =	smax.u32 s5, $0x1  }
0x51: {  	[smem:$0x7FB] =	sst s0;
	s16 =	sadd.s32 s3, s12;
	p1 =	sne.s32 s20, $0x1  }
.Ltmp0:
0x52: {  	s9 =	sadd.s32 s1, s26;
	s6 =	sadd.s32 s3, s15;
	(pc) =	sbr.rel @!p1 .LBB2_5-.Ltmp0, $4  }
0x53: {  	s12 =	simm.s32 $0x6800;
	s5 =	simm.s32 $0x13800;
	s0 =	rddreg [dreg:$0x4]  }
0x54: {  	s26 =	simm.s32 $0xD280;
	s15 =	simm.s32 $0x7;
	[smem:$0x7FD] =	sst s25  }
0x55: {  	s25 =	sadd.s32 s3, s10;
	s3 =	sadd.s32 s3, s19;
	s19 =	simm.s32 $0x3  }
0x56: {  	s1 =	sadd.s32 $0xFFFFFFFF, s20;
	s20 =	simm.s32 $0x6;
	s10 =	simm.s32 $0x8  }
0x57: {  	[smem:$0x7E4] =	sst s1  }
0x58: {  	[tilespmem:s29], [sflag:$0x2] =	stream.linear.gather [hbm4b:s0+s2], $0x6400, $0x38;
	[tilespmem:$0x1A000] =	vst v63  }
0x59: {  	s1 =	rddreg [dreg:$0x5]  }
0x5a: {  	[tilespmem:s28], [sflag:$0x3] =	stream.linear.gather [hbm4b:s1+s2], $0x6400, $0x38;
	[tilespmem:$0x1A000] =	vst v63  }
0x5b: {  	_ = 	snop  }
0x5c: {  	[tilespmem:s2], [sflag:$0x1] =	stream.linear.gather [hbm4b:s30+s2], $0x280, $0x38;
	[tilespmem:$0x1A000] =	vst v63  }
0x5d: {  	_ = 	snop  }
0x5e: {  	[tilespmem:s12], [sflag:$0x1] =	stream.linear.gather [hbm4b:s30+s2], $0x280, $0x38;
	[tilespmem:$0x1A000] =	vst v63  }
0x5f: {  	_ = 	snop  }
0x60: {  	[tilespmem:s7], [sflag:$0x1] =	stream.linear.gather [hbm4b:s30+s2], $0x280, $0x38;
	[tilespmem:$0x1A000] =	vst v63  }
0x61: {  	_ = 	snop  }
0x62: {  	[tilespmem:s5], [sflag:$0x1] =	stream.linear.gather [hbm4b:s30+s2], $0x280, $0x38;
	[tilespmem:$0x1A000] =	vst v63  }
0x63: {  	_ =	swait.ge [sflag:s31], $0x280  }
0x64: {  	[sflag:s31] =	ssyncset.done $0x0  }
0x65: {  	[sflag:s31] =	ssyncadd.s32 $0xFFFFFD80  }
0x66: {  	_ =	swait.ge [sflag:s31], $0x280  }
0x67: {  	[sflag:s31] =	ssyncset.done $0x0  }
0x68: {  	[sflag:s31] =	ssyncadd.s32 $0xFFFFFD80  }
0x69: {  	_ =	swait.ge [sflag:s31], $0x280  }
0x6a: {  	[sflag:s31] =	ssyncset.done $0x0  }
0x6b: {  	[sflag:s31] =	ssyncadd.s32 $0xFFFFFD80  }
0x6c: {  	_ =	swait.ge [sflag:s31], $0x280  }
0x6d: {  	[sflag:s31] =	ssyncset.done $0x0  }
0x6e: {  	s30 =	rddreg [dreg:$0x6];
	[sflag:s31] =	ssyncadd.s32 $0xFFFFFD80  }
0x6f: {  	[tilespmem:s26], [sflag:$0x4] =	stream.linear.gather [hbm4b:s30+s2], $0x6400, $0x38;
	[tilespmem:$0x1A000] =	vst v63  }
0x70: {  	_ =	swait.ge [sflag:s24], $0x6400  }
0x71: {  	[sflag:s24] =	ssyncset.done $0x0  }
0x72: {  	s1 =	rddreg [dreg:$0x7];
	[sflag:s24] =	ssyncadd.s32 $0xFFFF9C00  }
0x73: {  	[hbm4b:s1+s2] =	stream.linear.scatter [tilespmem:s2], [sflag:$0x6], $0x6680, $0x38;
	[tilespmem:$0x1A000] =	vst v63  }
0x74: {  	s30 =	rddreg [dreg:$0x8]  }
0x75: {  	[tilespmem:s22], [sflag:$0x5] =	stream.linear.gather [hbm4b:s30+s2], $0x6400, $0x38;
	[tilespmem:$0x1A000] =	vst v63  }
0x76: {  	_ =	swait.ge [sflag:s19], $0x6400  }
0x77: {  	[sflag:s19] =	ssyncset.done $0x0  }
0x78: {  	s30 =	rddreg [dreg:$0x9];
	[sflag:s19] =	ssyncadd.s32 $0xFFFF9C00  }
0x79: {  	[hbm4b:s30+s2] =	stream.linear.scatter [tilespmem:s12], [sflag:$0x7], $0x6680, $0x38;
	[tilespmem:$0x1A000] =	vst v63  }
0x7a: {  	_ =	swait.ge [sflag:s20], $0x6680  }
0x7b: {  	[sflag:s20] =	ssyncset.done $0x0  }
0x7c: {  	s1 =	rddreg [dreg:$0xa];
	[sflag:s20] =	ssyncadd.s32 $0xFFFF9980  }
0x7d: {  	[tilespmem:s29], [sflag:$0x2] =	stream.linear.gather [hbm4b:s1+s2], $0x6400, $0x38;
	[tilespmem:$0x1A000] =	vst v63  }
0x7e: {  	_ =	swait.ge [sflag:s17], $0x6400  }
0x7f: {  	[sflag:s17] =	ssyncset.done $0x0  }
0x80: {  	s30 =	rddreg [dreg:$0xb];
	[sflag:s17] =	ssyncadd.s32 $0xFFFF9C00  }
0x81: {  	[hbm4b:s30+s2] =	stream.linear.scatter [tilespmem:s7], [sflag:$0x8], $0x6680, $0x38;
	[tilespmem:$0x1A000] =	vst v63  }
0x82: {  	_ =	swait.ge [sflag:s15], $0x6680  }
0x83: {  	[sflag:s15] =	ssyncset.done $0x0  }
0x84: {  	s1 =	rddreg [dreg:$0xc];
	[sflag:s15] =	ssyncadd.s32 $0xFFFF9980  }
0x85: {  	[tilespmem:s28], [sflag:$0x3] =	stream.linear.gather [hbm4b:s1+s2], $0x6400, $0x38;
	[tilespmem:$0x1A000] =	vst v63  }
0x86: {  	_ =	swait.ge [sflag:s13], $0x6400  }
0x87: {  	[sflag:s13] =	ssyncset.done $0x0  }
0x88: {  	s30 =	rddreg [dreg:$0xd];
	[sflag:s13] =	ssyncadd.s32 $0xFFFF9C00  }
0x89: {  	[hbm4b:s30+s2] =	stream.linear.scatter [tilespmem:s5], [sflag:$0x9], $0x6680, $0x38;
	[tilespmem:$0x1A000] =	vst v63  }
0x8a: {  	_ =	swait.ge [sflag:s10], $0x6680  }
0x8b: {  	[sflag:s10] =	ssyncset.done $0x0  }
0x8c: {  	s1 =	rddreg [dreg:$0xe];
	[sflag:s10] =	ssyncadd.s32 $0xFFFF9980  }
0x8d: {  	[tilespmem:s26], [sflag:$0x4] =	stream.linear.gather [hbm4b:s1+s2], $0x6400, $0x38;
	[tilespmem:$0x1A000] =	vst v63  }
0x8e: {  	_ =	swait.ge [sflag:s24], $0x6400  }
0x8f: {  	[sflag:s24] =	ssyncset.done $0x0  }
0x90: {  	s30 =	rddreg [dreg:$0xf];
	[sflag:s24] =	ssyncadd.s32 $0xFFFF9C00  }
0x91: {  	[hbm4b:s30+s2] =	stream.linear.scatter [tilespmem:s2], [sflag:$0x6], $0x6680, $0x38;
	[tilespmem:$0x1A000] =	vst v63  }
0x92: {  	_ =	swait.ge [sflag:s8], $0x6680  }
0x93: {  	[sflag:s8] =	ssyncset.done $0x0  }
0x94: {  	s1 =	rddreg [dreg:$0x10];
	[sflag:s8] =	ssyncadd.s32 $0xFFFF9980  }
0x95: {  	[tilespmem:s22], [sflag:$0x5] =	stream.linear.gather [hbm4b:s1+s2], $0x6400, $0x38;
	[tilespmem:$0x1A000] =	vst v63  }
0x96: {  	_ =	swait.ge [sflag:s19], $0x6400  }
0x97: {  	[sflag:s19] =	ssyncset.done $0x0  }
0x98: {  	s30 =	rddreg [dreg:$0x11];
	[sflag:s19] =	ssyncadd.s32 $0xFFFF9C00  }
0x99: {  	[hbm4b:s30+s2] =	stream.linear.scatter [tilespmem:s12], [sflag:$0x7], $0x6680, $0x38;
	[tilespmem:$0x1A000] =	vst v63  }
0x9a: {  	_ =	swait.ge [sflag:s20], $0x6680  }
0x9b: {  	[sflag:s20] =	ssyncset.done $0x0  }
0x9c: {  	s1 =	rddreg [dreg:$0x12];
	[sflag:s20] =	ssyncadd.s32 $0xFFFF9980  }
0x9d: {  	[tilespmem:s29], [sflag:$0x2] =	stream.linear.gather [hbm4b:s1+s2], $0x6400, $0x38;
	[tilespmem:$0x1A000] =	vst v63  }
0x9e: {  	_ =	swait.ge [sflag:s17], $0x6400  }
0x9f: {  	[sflag:s17] =	ssyncset.done $0x0  }
0xa0: {  	s30 =	rddreg [dreg:$0x13];
	[sflag:s17] =	ssyncadd.s32 $0xFFFF9C00  }
0xa1: {  	[hbm4b:s30+s2] =	stream.linear.scatter [tilespmem:s7], [sflag:$0x8], $0x6680, $0x38;
	[tilespmem:$0x1A000] =	vst v63  }
0xa2: {  	_ =	swait.ge [sflag:s15], $0x6680  }
0xa3: {  	[sflag:s15] =	ssyncset.done $0x0  }
0xa4: {  	s1 =	rddreg [dreg:$0x14];
	[sflag:s15] =	ssyncadd.s32 $0xFFFF9980  }
0xa5: {  	[tilespmem:s28], [sflag:$0x3] =	stream.linear.gather [hbm4b:s1+s2], $0x6400, $0x38;
	[tilespmem:$0x1A000] =	vst v63  }
0xa6: {  	_ =	swait.ge [sflag:s13], $0x6400  }
0xa7: {  	[sflag:s13] =	ssyncset.done $0x0  }
0xa8: {  	s30 =	rddreg [dreg:$0x15];
	[sflag:s13] =	ssyncadd.s32 $0xFFFF9C00  }
0xa9: {  	[hbm4b:s30+s2] =	stream.linear.scatter [tilespmem:s5], [sflag:$0x9], $0x6680, $0x38;
	[tilespmem:$0x1A000] =	vst v63  }
0xaa: {  	_ =	swait.ge [sflag:s10], $0x6680  }
0xab: {  	[sflag:s10] =	ssyncset.done $0x0  }
0xac: {  	s1 =	rddreg [dreg:$0x16];
	[sflag:s10] =	ssyncadd.s32 $0xFFFF9980  }
0xad: {  	[tilespmem:s26], [sflag:$0x4] =	stream.linear.gather [hbm4b:s1+s2], $0x6400, $0x38;
	[tilespmem:$0x1A000] =	vst v63  }
0xae: {  	_ =	swait.ge [sflag:s24], $0x6400  }
0xaf: {  	[sflag:s24] =	ssyncset.done $0x0  }
0xb0: {  	s30 =	rddreg [dreg:$0x17];
	[sflag:s24] =	ssyncadd.s32 $0xFFFF9C00  }
0xb1: {  	[hbm4b:s30+s2] =	stream.linear.scatter [tilespmem:s2], [sflag:$0x6], $0x6680, $0x38;
	[tilespmem:$0x1A000] =	vst v63  }
0xb2: {  	_ =	swait.ge [sflag:s8], $0x6680  }
0xb3: {  	[sflag:s8] =	ssyncset.done $0x0  }
0xb4: {  	s1 =	rddreg [dreg:$0x18];
	[sflag:s8] =	ssyncadd.s32 $0xFFFF9980  }
0xb5: {  	[tilespmem:s22], [sflag:$0x5] =	stream.linear.gather [hbm4b:s1+s2], $0x6400, $0x38;
	[tilespmem:$0x1A000] =	vst v63  }
0xb6: {  	_ =	swait.ge [sflag:s19], $0x6400  }
0xb7: {  	[sflag:s19] =	ssyncset.done $0x0  }
0xb8: {  	s30 =	rddreg [dreg:$0x19];
	[sflag:s19] =	ssyncadd.s32 $0xFFFF9C00  }
0xb9: {  	[hbm4b:s30+s2] =	stream.linear.scatter [tilespmem:s12], [sflag:$0x7], $0x6680, $0x38;
	[tilespmem:$0x1A000] =	vst v63  }
0xba: {  	_ =	swait.ge [sflag:s20], $0x6680  }
0xbb: {  	[sflag:s20] =	ssyncset.done $0x0  }
0xbc: {  	s1 =	rddreg [dreg:$0x1a];
	[sflag:s20] =	ssyncadd.s32 $0xFFFF9980  }
0xbd: {  	[tilespmem:s29], [sflag:$0x2] =	stream.linear.gather [hbm4b:s1+s2], $0x6400, $0x38;
	[tilespmem:$0x1A000] =	vst v63  }
0xbe: {  	_ =	swait.ge [sflag:s17], $0x6400  }
0xbf: {  	[sflag:s17] =	ssyncset.done $0x0  }
0xc0: {  	s30 =	rddreg [dreg:$0x1b];
	[sflag:s17] =	ssyncadd.s32 $0xFFFF9C00  }
0xc1: {  	[hbm4b:s30+s2] =	stream.linear.scatter [tilespmem:s7], [sflag:$0x8], $0x6680, $0x38;
	[tilespmem:$0x1A000] =	vst v63  }
0xc2: {  	_ =	swait.ge [sflag:s15], $0x6680  }
0xc3: {  	[sflag:s15] =	ssyncset.done $0x0  }
0xc4: {  	s1 =	rddreg [dreg:$0x1c];
	[sflag:s15] =	ssyncadd.s32 $0xFFFF9980  }
0xc5: {  	[tilespmem:s28], [sflag:$0x3] =	stream.linear.gather [hbm4b:s1+s2], $0x6400, $0x38;
	[tilespmem:$0x1A000] =	vst v63  }
0xc6: {  	_ =	swait.ge [sflag:s13], $0x6400  }
0xc7: {  	[sflag:s13] =	ssyncset.done $0x0  }
0xc8: {  	s30 =	rddreg [dreg:$0x1d];
	[sflag:s13] =	ssyncadd.s32 $0xFFFF9C00  }
0xc9: {  	[hbm4b:s30+s2] =	stream.linear.scatter [tilespmem:s5], [sflag:$0x9], $0x6680, $0x38;
	[tilespmem:$0x1A000] =	vst v63  }
0xca: {  	_ =	swait.ge [sflag:s10], $0x6680  }
0xcb: {  	[sflag:s10] =	ssyncset.done $0x0  }
0xcc: {  	s1 =	rddreg [dreg:$0x1e];
	[sflag:s10] =	ssyncadd.s32 $0xFFFF9980  }
0xcd: {  	[tilespmem:s26], [sflag:$0x4] =	stream.linear.gather [hbm4b:s1+s2], $0x6400, $0x38;
	[tilespmem:$0x1A000] =	vst v63  }
0xce: {  	_ =	swait.ge [sflag:s24], $0x6400  }
0xcf: {  	[sflag:s24] =	ssyncset.done $0x0  }
0xd0: {  	s30 =	rddreg [dreg:$0x1f];
	[sflag:s24] =	ssyncadd.s32 $0xFFFF9C00  }
0xd1: {  	[hbm4b:s30+s2] =	stream.linear.scatter [tilespmem:s2], [sflag:$0x6], $0x6680, $0x38;
	[tilespmem:$0x1A000] =	vst v63  }
0xd2: {  	_ =	swait.ge [sflag:s8], $0x6680  }
0xd3: {  	s1 =	sld [smem:$0x7E5]  }
0xd4: {  	[sflag:s8] =	ssyncset.done $0x0  }
0xd5: {  	[sflag:s8] =	ssyncadd.s32 $0xFFFF9980  }
0xd6: {  	[tilespmem:s22], [sflag:$0x5] =	stream.linear.gather [hbm4b:s1+s2], $0x6400, $0x38;
	[tilespmem:$0x1A000] =	vst v63  }
0xd7: {  	_ =	swait.ge [sflag:s19], $0x6400  }
0xd8: {  	s30 =	sld [smem:$0x7E6]  }
0xd9: {  	[sflag:s19] =	ssyncset.done $0x0  }
0xda: {  	[sflag:s19] =	ssyncadd.s32 $0xFFFF9C00  }
0xdb: {  	[hbm4b:s30+s2] =	stream.linear.scatter [tilespmem:s12], [sflag:$0x7], $0x6680, $0x38;
	[tilespmem:$0x1A000] =	vst v63  }
0xdc: {  	_ =	swait.ge [sflag:s20], $0x6680  }
0xdd: {  	s1 =	sld [smem:$0x7E7]  }
0xde: {  	[sflag:s20] =	ssyncset.done $0x0  }
0xdf: {  	[sflag:s20] =	ssyncadd.s32 $0xFFFF9980  }
0xe0: {  	[tilespmem:s29], [sflag:$0x2] =	stream.linear.gather [hbm4b:s1+s2], $0x6400, $0x38;
	[tilespmem:$0x1A000] =	vst v63  }
0xe1: {  	_ =	swait.ge [sflag:s17], $0x6400  }
0xe2: {  	s30 =	sld [smem:$0x7E8]  }
0xe3: {  	[sflag:s17] =	ssyncset.done $0x0  }
0xe4: {  	[sflag:s17] =	ssyncadd.s32 $0xFFFF9C00  }
0xe5: {  	[hbm4b:s30+s2] =	stream.linear.scatter [tilespmem:s7], [sflag:$0x8], $0x6680, $0x38;
	[tilespmem:$0x1A000] =	vst v63  }
0xe6: {  	_ =	swait.ge [sflag:s15], $0x6680  }
0xe7: {  	s1 =	sld [smem:$0x7E9]  }
0xe8: {  	[sflag:s15] =	ssyncset.done $0x0  }
0xe9: {  	[sflag:s15] =	ssyncadd.s32 $0xFFFF9980  }
0xea: {  	[tilespmem:s28], [sflag:$0x3] =	stream.linear.gather [hbm4b:s1+s2], $0x6400, $0x38;
	[tilespmem:$0x1A000] =	vst v63  }
0xeb: {  	_ =	swait.ge [sflag:s13], $0x6400  }
0xec: {  	s30 =	sld [smem:$0x7EA]  }
0xed: {  	[sflag:s13] =	ssyncset.done $0x0  }
0xee: {  	[sflag:s13] =	ssyncadd.s32 $0xFFFF9C00  }
0xef: {  	[hbm4b:s30+s2] =	stream.linear.scatter [tilespmem:s5], [sflag:$0x9], $0x6680, $0x38;
	[tilespmem:$0x1A000] =	vst v63  }
0xf0: {  	_ =	swait.ge [sflag:s10], $0x6680  }
0xf1: {  	s1 =	sld [smem:$0x7EB]  }
0xf2: {  	[sflag:s10] =	ssyncset.done $0x0  }
0xf3: {  	[sflag:s10] =	ssyncadd.s32 $0xFFFF9980  }
0xf4: {  	[tilespmem:s26], [sflag:$0x4] =	stream.linear.gather [hbm4b:s1+s2], $0x6400, $0x38;
	[tilespmem:$0x1A000] =	vst v63  }
0xf5: {  	_ =	swait.ge [sflag:s24], $0x6400  }
0xf6: {  	s30 =	sld [smem:$0x7EC]  }
0xf7: {  	[sflag:s24] =	ssyncset.done $0x0  }
0xf8: {  	[sflag:s24] =	ssyncadd.s32 $0xFFFF9C00  }
0xf9: {  	[hbm4b:s30+s2] =	stream.linear.scatter [tilespmem:s2], [sflag:$0x6], $0x6680, $0x38;
	[tilespmem:$0x1A000] =	vst v63  }
0xfa: {  	_ =	swait.ge [sflag:s8], $0x6680  }
0xfb: {  	s1 =	sld [smem:$0x7ED]  }
0xfc: {  	[sflag:s8] =	ssyncset.done $0x0  }
0xfd: {  	[sflag:s8] =	ssyncadd.s32 $0xFFFF9980  }
0xfe: {  	[tilespmem:s22], [sflag:$0x5] =	stream.linear.gather [hbm4b:s1+s2], $0x6400, $0x38;
	[tilespmem:$0x1A000] =	vst v63  }
0xff: {  	_ =	swait.ge [sflag:s19], $0x6400  }
0x100: {  	s30 =	sld [smem:$0x7EE]  }
0x101: {  	[sflag:s19] =	ssyncset.done $0x0  }
0x102: {  	[sflag:s19] =	ssyncadd.s32 $0xFFFF9C00  }
0x103: {  	[hbm4b:s30+s2] =	stream.linear.scatter [tilespmem:s12], [sflag:$0x7], $0x6680, $0x38;
	[tilespmem:$0x1A000] =	vst v63  }
0x104: {  	_ =	swait.ge [sflag:s20], $0x6680  }
0x105: {  	s1 =	sld [smem:$0x7EF]  }
0x106: {  	[sflag:s20] =	ssyncset.done $0x0  }
0x107: {  	[sflag:s20] =	ssyncadd.s32 $0xFFFF9980  }
0x108: {  	[tilespmem:s29], [sflag:$0x2] =	stream.linear.gather [hbm4b:s1+s2], $0x6400, $0x38;
	[tilespmem:$0x1A000] =	vst v63  }
0x109: {  	_ =	swait.ge [sflag:s17], $0x6400  }
0x10a: {  	s30 =	sld [smem:$0x7F0]  }
0x10b: {  	[sflag:s17] =	ssyncset.done $0x0  }
0x10c: {  	[sflag:s17] =	ssyncadd.s32 $0xFFFF9C00  }
0x10d: {  	[hbm4b:s30+s2] =	stream.linear.scatter [tilespmem:s7], [sflag:$0x8], $0x6680, $0x38;
	[tilespmem:$0x1A000] =	vst v63  }
0x10e: {  	_ =	swait.ge [sflag:s15], $0x6680  }
0x10f: {  	s1 =	sld [smem:$0x7F1]  }
0x110: {  	[sflag:s15] =	ssyncset.done $0x0  }
0x111: {  	[sflag:s15] =	ssyncadd.s32 $0xFFFF9980  }
0x112: {  	[tilespmem:s28], [sflag:$0x3] =	stream.linear.gather [hbm4b:s1+s2], $0x6400, $0x38;
	[tilespmem:$0x1A000] =	vst v63  }
0x113: {  	_ =	swait.ge [sflag:s13], $0x6400  }
0x114: {  	s30 =	sld [smem:$0x7F2]  }
0x115: {  	[sflag:s13] =	ssyncset.done $0x0  }
0x116: {  	[sflag:s13] =	ssyncadd.s32 $0xFFFF9C00  }
0x117: {  	[hbm4b:s30+s2] =	stream.linear.scatter [tilespmem:s5], [sflag:$0x9], $0x6680, $0x38;
	[tilespmem:$0x1A000] =	vst v63  }
0x118: {  	_ =	swait.ge [sflag:s10], $0x6680  }
0x119: {  	s1 =	sld [smem:$0x7F3]  }
0x11a: {  	[sflag:s10] =	ssyncset.done $0x0  }
0x11b: {  	[sflag:s10] =	ssyncadd.s32 $0xFFFF9980  }
0x11c: {  	[tilespmem:s26], [sflag:$0x4] =	stream.linear.gather [hbm4b:s1+s2], $0x6400, $0x38;
	[tilespmem:$0x1A000] =	vst v63  }
0x11d: {  	_ =	swait.ge [sflag:s24], $0x6400  }
0x11e: {  	s30 =	sld [smem:$0x7F4]  }
0x11f: {  	[sflag:s24] =	ssyncset.done $0x0  }
0x120: {  	[sflag:s24] =	ssyncadd.s32 $0xFFFF9C00  }
0x121: {  	[hbm4b:s30+s2] =	stream.linear.scatter [tilespmem:s2], [sflag:$0x6], $0x6680, $0x38;
	[tilespmem:$0x1A000] =	vst v63  }
0x122: {  	_ =	swait.ge [sflag:s8], $0x6680  }
0x123: {  	s1 =	sld [smem:$0x7F5]  }
0x124: {  	[sflag:s8] =	ssyncset.done $0x0  }
0x125: {  	[sflag:s8] =	ssyncadd.s32 $0xFFFF9980  }
0x126: {  	[tilespmem:s22], [sflag:$0x5] =	stream.linear.gather [hbm4b:s1+s2], $0x6400, $0x38;
	[tilespmem:$0x1A000] =	vst v63  }
0x127: {  	_ =	swait.ge [sflag:s19], $0x6400  }
0x128: {  	s30 =	sld [smem:$0x7F6]  }
0x129: {  	[sflag:s19] =	ssyncset.done $0x0  }
0x12a: {  	[sflag:s19] =	ssyncadd.s32 $0xFFFF9C00  }
0x12b: {  	[hbm4b:s30+s2] =	stream.linear.scatter [tilespmem:s12], [sflag:$0x7], $0x6680, $0x38;
	[tilespmem:$0x1A000] =	vst v63  }
0x12c: {  	_ =	swait.ge [sflag:s20], $0x6680  }
0x12d: {  	s1 =	sld [smem:$0x7F7]  }
0x12e: {  	[sflag:s20] =	ssyncset.done $0x0  }
0x12f: {  	[sflag:s20] =	ssyncadd.s32 $0xFFFF9980  }
0x130: {  	[tilespmem:s29], [sflag:$0x2] =	stream.linear.gather [hbm4b:s1+s2], $0x6400, $0x38;
	[tilespmem:$0x1A000] =	vst v63  }
0x131: {  	_ =	swait.ge [sflag:s17], $0x6400  }
0x132: {  	s30 =	sld [smem:$0x7F8]  }
0x133: {  	[sflag:s17] =	ssyncset.done $0x0  }
0x134: {  	[sflag:s17] =	ssyncadd.s32 $0xFFFF9C00  }
0x135: {  	[hbm4b:s30+s2] =	stream.linear.scatter [tilespmem:s7], [sflag:$0x8], $0x6680, $0x38;
	[tilespmem:$0x1A000] =	vst v63  }
0x136: {  	_ =	swait.ge [sflag:s15], $0x6680  }
0x137: {  	s1 =	sld [smem:$0x7F9]  }
0x138: {  	[sflag:s15] =	ssyncset.done $0x0  }
0x139: {  	[sflag:s15] =	ssyncadd.s32 $0xFFFF9980  }
0x13a: {  	[tilespmem:s28], [sflag:$0x3] =	stream.linear.gather [hbm4b:s1+s2], $0x6400, $0x38;
	[tilespmem:$0x1A000] =	vst v63  }
0x13b: {  	_ =	swait.ge [sflag:s13], $0x6400  }
0x13c: {  	s30 =	sld [smem:$0x7FA]  }
0x13d: {  	[sflag:s13] =	ssyncset.done $0x0  }
0x13e: {  	[sflag:s13] =	ssyncadd.s32 $0xFFFF9C00  }
0x13f: {  	[hbm4b:s30+s2] =	stream.linear.scatter [tilespmem:s5], [sflag:$0x9], $0x6680, $0x38;
	[tilespmem:$0x1A000] =	vst v63  }
0x140: {  	_ =	swait.ge [sflag:s10], $0x6680  }
0x141: {  	s1 =	sld [smem:$0x7FB]  }
0x142: {  	[sflag:s10] =	ssyncset.done $0x0  }
0x143: {  	[sflag:s10] =	ssyncadd.s32 $0xFFFF9980  }
0x144: {  	[tilespmem:s26], [sflag:$0x4] =	stream.linear.gather [hbm4b:s1+s2], $0x6400, $0x38;
	[tilespmem:$0x1A000] =	vst v63  }
0x145: {  	_ =	swait.ge [sflag:s24], $0x6400  }
0x146: {  	s30 =	sld [smem:$0x7FC]  }
0x147: {  	[sflag:s24] =	ssyncset.done $0x0  }
0x148: {  	[sflag:s24] =	ssyncadd.s32 $0xFFFF9C00  }
0x149: {  	[hbm4b:s30+s2] =	stream.linear.scatter [tilespmem:s2], [sflag:$0x6], $0x6680, $0x38;
	[tilespmem:$0x1A000] =	vst v63  }
0x14a: {  	_ =	swait.ge [sflag:s8], $0x6680  }
0x14b: {  	s1 =	sld [smem:$0x7FD]  }
0x14c: {  	[sflag:s8] =	ssyncset.done $0x0  }
0x14d: {  	[sflag:s8] =	ssyncadd.s32 $0xFFFF9980  }
0x14e: {  	[tilespmem:s22], [sflag:$0x5] =	stream.linear.gather [hbm4b:s1+s2], $0x6400, $0x38;
	[tilespmem:$0x1A000] =	vst v63  }
0x14f: {  	_ =	swait.ge [sflag:s19], $0x6400  }
0x150: {  	[sflag:s19] =	ssyncset.done $0x0  }
0x151: {  	[sflag:s19] =	ssyncadd.s32 $0xFFFF9C00  }
0x152: {  	[hbm4b:s25+s2] =	stream.linear.scatter [tilespmem:s12], [sflag:$0x7], $0x6680, $0x38;
	[tilespmem:$0x1A000] =	vst v63  }
0x153: {  	_ =	swait.ge [sflag:s20], $0x6680  }
0x154: {  	[sflag:s20] =	ssyncset.done $0x0  }
0x155: {  	[sflag:s20] =	ssyncadd.s32 $0xFFFF9980  }
0x156: {  	[tilespmem:s29], [sflag:$0x2] =	stream.linear.gather [hbm4b:s23+s2], $0x6400, $0x38;
	[tilespmem:$0x1A000] =	vst v63  }
0x157: {  	_ =	swait.ge [sflag:s17], $0x6400  }
0x158: {  	[sflag:s17] =	ssyncset.done $0x0  }
0x159: {  	[sflag:s17] =	ssyncadd.s32 $0xFFFF9C00  }
0x15a: {  	[hbm4b:s21+s2] =	stream.linear.scatter [tilespmem:s7], [sflag:$0x8], $0x6680, $0x38;
	[tilespmem:$0x1A000] =	vst v63  }
0x15b: {  	_ =	swait.ge [sflag:s15], $0x6680  }
0x15c: {  	[sflag:s15] =	ssyncset.done $0x0  }
0x15d: {  	[sflag:s15] =	ssyncadd.s32 $0xFFFF9980  }
0x15e: {  	[tilespmem:s28], [sflag:$0x3] =	stream.linear.gather [hbm4b:s18+s2], $0x6400, $0x38;
	[tilespmem:$0x1A000] =	vst v63  }
0x15f: {  	_ =	swait.ge [sflag:s13], $0x6400  }
0x160: {  	[sflag:s13] =	ssyncset.done $0x0  }
0x161: {  	[sflag:s13] =	ssyncadd.s32 $0xFFFF9C00  }
0x162: {  	[hbm4b:s16+s2] =	stream.linear.scatter [tilespmem:s5], [sflag:$0x9], $0x6680, $0x38;
	[tilespmem:$0x1A000] =	vst v63  }
0x163: {  	_ =	swait.ge [sflag:s10], $0x6680  }
0x164: {  	[sflag:s10] =	ssyncset.done $0x0  }
0x165: {  	[sflag:s10] =	ssyncadd.s32 $0xFFFF9980  }
0x166: {  	[tilespmem:s26], [sflag:$0x4] =	stream.linear.gather [hbm4b:s14+s2], $0x6400, $0x38;
	[tilespmem:$0x1A000] =	vst v63  }
0x167: {  	_ =	swait.ge [sflag:s24], $0x6400  }
0x168: {  	[sflag:s24] =	ssyncset.done $0x0  }
0x169: {  	[sflag:s24] =	ssyncadd.s32 $0xFFFF9C00  }
0x16a: {  	[hbm4b:s11+s2] =	stream.linear.scatter [tilespmem:s2], [sflag:$0x6], $0x6680, $0x38;
	[tilespmem:$0x1A000] =	vst v63  }
0x16b: {  	_ =	swait.ge [sflag:s8], $0x6680  }
0x16c: {  	[sflag:s8] =	ssyncset.done $0x0  }
0x16d: {  	[sflag:s8] =	ssyncadd.s32 $0xFFFF9980  }
0x16e: {  	[tilespmem:s22], [sflag:$0x5] =	stream.linear.gather [hbm4b:s9+s2], $0x6400, $0x38;
	[tilespmem:$0x1A000] =	vst v63  }
0x16f: {  	_ =	swait.ge [sflag:s19], $0x6400  }
0x170: {  	[sflag:s19] =	ssyncset.done $0x0  }
0x171: {  	[sflag:s19] =	ssyncadd.s32 $0xFFFF9C00  }
0x172: {  	[hbm4b:s6+s2] =	stream.linear.scatter [tilespmem:s12], [sflag:$0x7], $0x6680, $0x38;
	[tilespmem:$0x1A000] =	vst v63  }
0x173: {  	_ =	swait.ge [sflag:s20], $0x6680  }
0x174: {  	[sflag:s20] =	ssyncset.done $0x0  }
0x175: {  	[sflag:s20] =	ssyncadd.s32 $0xFFFF9980  }
0x176: {  	_ =	swait.ge [sflag:s17], $0x6400  }
0x177: {  	[sflag:s17] =	ssyncset.done $0x0  }
0x178: {  	[sflag:s17] =	ssyncadd.s32 $0xFFFF9C00  }
0x179: {  	[hbm4b:s4+s2] =	stream.linear.scatter [tilespmem:s7], [sflag:$0x8], $0x6680, $0x38;
	[tilespmem:$0x1A000] =	vst v63  }
0x17a: {  	_ =	swait.ge [sflag:s15], $0x6680  }
0x17b: {  	[sflag:s15] =	ssyncset.done $0x0  }
0x17c: {  	[sflag:s15] =	ssyncadd.s32 $0xFFFF9980  }
0x17d: {  	_ =	swait.ge [sflag:s13], $0x6400  }
0x17e: {  	[sflag:s13] =	ssyncset.done $0x0  }
0x17f: {  	[sflag:s13] =	ssyncadd.s32 $0xFFFF9C00  }
0x180: {  	[hbm4b:s3+s2] =	stream.linear.scatter [tilespmem:s5], [sflag:$0x9], $0x6680, $0x38;
	[tilespmem:$0x1A000] =	vst v63  }
0x181: {  	_ =	swait.ge [sflag:s10], $0x6680  }
0x182: {  	s30 =	sld [smem:$0x7E4];
	_ =	sdelay $0x2  }
0x183: {  	p1 =	sne.s32 s30, $0x1  }
.Ltmp1:
0x184: {  	_ = 	snop;
	(pc) =	sbr.rel @!p1 .LBB2_2-.Ltmp1, $4  }
0x185: {  	[sflag:s10] =	ssyncset.done $0x0  }
0x186: {  	[sflag:s10] =	ssyncadd.s32 $0xFFFF9980  }
0x187: {  	p0 =	por $0x1, $0x1;
	_ =	swait.ge [sflag:s8], $0x6680  }
0x188: {  	s1 =	sadd.s32 $0xFFFFFFFF, s30;
	s0 =	rddreg [dreg:$0x4];
	[sflag:s8] =	ssyncset.done $0x0  }
.LBB2_3:
0x189: {  	[sflag:s8] =	ssyncadd.s32 $0xFFFF9980  }
0x18a: {  	s30 =	smov.u32 s25;
	s25 =	smov.u32 s23;
	s23 =	smov.u32 s21  }
0x18b: {  	s21 =	smov.u32 s18;
	s18 =	smov.u32 s16;
	s16 =	smov.u32 s14  }
0x18c: {  	s14 =	smov.u32 s11;
	s11 =	smov.u32 s9;
	s9 =	smov.u32 s6  }
0x18d: {  	[tilespmem:s29], [sflag:$0x2] =	stream.linear.gather [hbm4b:s0+s2], $0x6400, $0x38;
	[tilespmem:$0x1A000] =	vst v63  }
0x18e: {  	s6 =	smov.u32 s4;
	s4 =	smov.u32 s3;
	s3 =	rddreg [dreg:$0x5]  }
0x18f: {  	[tilespmem:s28], [sflag:$0x3] =	stream.linear.gather [hbm4b:s3+s2], $0x6400, $0x38;
	[tilespmem:$0x1A000] =	vst v63  }
0x190: {  	s3 =	rddreg [dreg:$0x1]  }
0x191: {  	[tilespmem:s2], [sflag:$0x1] =	stream.linear.gather [hbm4b:s3+s2], $0x280, $0x38;
	[tilespmem:$0x1A000] =	vst v63  }
0x192: {  	_ = 	snop  }
0x193: {  	[tilespmem:s12], [sflag:$0x1] =	stream.linear.gather [hbm4b:s3+s2], $0x280, $0x38;
	[tilespmem:$0x1A000] =	vst v63  }
0x194: {  	_ = 	snop  }
0x195: {  	[tilespmem:s7], [sflag:$0x1] =	stream.linear.gather [hbm4b:s3+s2], $0x280, $0x38;
	[tilespmem:$0x1A000] =	vst v63  }
0x196: {  	_ = 	snop  }
0x197: {  	[tilespmem:s5], [sflag:$0x1] =	stream.linear.gather [hbm4b:s3+s2], $0x280, $0x38;
	[tilespmem:$0x1A000] =	vst v63  }
0x198: {  	_ =	swait.ge [sflag:s31], $0x280  }
0x199: {  	[sflag:s31] =	ssyncset.done $0x0  }
0x19a: {  	[sflag:s31] =	ssyncadd.s32 $0xFFFFFD80  }
0x19b: {  	_ =	swait.ge [sflag:s31], $0x280  }
0x19c: {  	[sflag:s31] =	ssyncset.done $0x0  }
0x19d: {  	[sflag:s31] =	ssyncadd.s32 $0xFFFFFD80  }
0x19e: {  	_ =	swait.ge [sflag:s31], $0x280  }
0x19f: {  	[sflag:s31] =	ssyncset.done $0x0  }
0x1a0: {  	[sflag:s31] =	ssyncadd.s32 $0xFFFFFD80  }
0x1a1: {  	_ =	swait.ge [sflag:s31], $0x280  }
0x1a2: {  	[sflag:s31] =	ssyncset.done $0x0  }
0x1a3: {  	s3 =	rddreg [dreg:$0x6];
	[sflag:s31] =	ssyncadd.s32 $0xFFFFFD80  }
0x1a4: {  	[tilespmem:s26], [sflag:$0x4] =	stream.linear.gather [hbm4b:s3+s2], $0x6400, $0x38;
	[tilespmem:$0x1A000] =	vst v63  }
0x1a5: {  	_ =	swait.ge [sflag:s24], $0x6400  }
0x1a6: {  	[sflag:s24] =	ssyncset.done $0x0  }
0x1a7: {  	s0 =	rddreg [dreg:$0x7];
	[sflag:s24] =	ssyncadd.s32 $0xFFFF9C00  }
0x1a8: {  	[hbm4b:s0+s2] =	stream.linear.scatter [tilespmem:s2], [sflag:$0x6], $0x6680, $0x38;
	[tilespmem:$0x1A000] =	vst v63  }
0x1a9: {  	s3 =	rddreg [dreg:$0x8]  }
0x1aa: {  	[tilespmem:s22], [sflag:$0x5] =	stream.linear.gather [hbm4b:s3+s2], $0x6400, $0x38;
	[tilespmem:$0x1A000] =	vst v63  }
0x1ab: {  	_ =	swait.ge [sflag:s19], $0x6400  }
0x1ac: {  	[sflag:s19] =	ssyncset.done $0x0  }
0x1ad: {  	s0 =	rddreg [dreg:$0x9];
	[sflag:s19] =	ssyncadd.s32 $0xFFFF9C00  }
0x1ae: {  	[hbm4b:s0+s2] =	stream.linear.scatter [tilespmem:s12], [sflag:$0x7], $0x6680, $0x38;
	[tilespmem:$0x1A000] =	vst v63  }
0x1af: {  	_ =	swait.ge [sflag:s20], $0x6680  }
0x1b0: {  	[sflag:s20] =	ssyncset.done $0x0  }
0x1b1: {  	s0 =	rddreg [dreg:$0xa];
	[sflag:s20] =	ssyncadd.s32 $0xFFFF9980  }
0x1b2: {  	[tilespmem:s29], [sflag:$0x2] =	stream.linear.gather [hbm4b:s0+s2], $0x6400, $0x38;
	[tilespmem:$0x1A000] =	vst v63  }
0x1b3: {  	_ =	swait.ge [sflag:s17], $0x6400  }
0x1b4: {  	[sflag:s17] =	ssyncset.done $0x0  }
0x1b5: {  	s0 =	rddreg [dreg:$0xb];
	[sflag:s17] =	ssyncadd.s32 $0xFFFF9C00  }
0x1b6: {  	[hbm4b:s0+s2] =	stream.linear.scatter [tilespmem:s7], [sflag:$0x8], $0x6680, $0x38;
	[tilespmem:$0x1A000] =	vst v63  }
0x1b7: {  	_ =	swait.ge [sflag:s15], $0x6680  }
0x1b8: {  	[sflag:s15] =	ssyncset.done $0x0  }
0x1b9: {  	s0 =	rddreg [dreg:$0xc];
	[sflag:s15] =	ssyncadd.s32 $0xFFFF9980  }
0x1ba: {  	[tilespmem:s28], [sflag:$0x3] =	stream.linear.gather [hbm4b:s0+s2], $0x6400, $0x38;
	[tilespmem:$0x1A000] =	vst v63  }
0x1bb: {  	_ =	swait.ge [sflag:s13], $0x6400  }
0x1bc: {  	[sflag:s13] =	ssyncset.done $0x0  }
0x1bd: {  	s0 =	rddreg [dreg:$0xd];
	[sflag:s13] =	ssyncadd.s32 $0xFFFF9C00  }
0x1be: {  	[hbm4b:s0+s2] =	stream.linear.scatter [tilespmem:s5], [sflag:$0x9], $0x6680, $0x38;
	[tilespmem:$0x1A000] =	vst v63  }
0x1bf: {  	_ =	swait.ge [sflag:s10], $0x6680  }
0x1c0: {  	[sflag:s10] =	ssyncset.done $0x0  }
0x1c1: {  	s0 =	rddreg [dreg:$0xe];
	[sflag:s10] =	ssyncadd.s32 $0xFFFF9980  }
0x1c2: {  	[tilespmem:s26], [sflag:$0x4] =	stream.linear.gather [hbm4b:s0+s2], $0x6400, $0x38;
	[tilespmem:$0x1A000] =	vst v63  }
0x1c3: {  	_ =	swait.ge [sflag:s24], $0x6400  }
0x1c4: {  	[sflag:s24] =	ssyncset.done $0x0  }
0x1c5: {  	s0 =	rddreg [dreg:$0xf];
	[sflag:s24] =	ssyncadd.s32 $0xFFFF9C00  }
0x1c6: {  	[hbm4b:s0+s2] =	stream.linear.scatter [tilespmem:s2], [sflag:$0x6], $0x6680, $0x38;
	[tilespmem:$0x1A000] =	vst v63  }
0x1c7: {  	_ =	swait.ge [sflag:s8], $0x6680  }
0x1c8: {  	[sflag:s8] =	ssyncset.done $0x0  }
0x1c9: {  	s0 =	rddreg [dreg:$0x10];
	[sflag:s8] =	ssyncadd.s32 $0xFFFF9980  }
0x1ca: {  	[tilespmem:s22], [sflag:$0x5] =	stream.linear.gather [hbm4b:s0+s2], $0x6400, $0x38;
	[tilespmem:$0x1A000] =	vst v63  }
0x1cb: {  	_ =	swait.ge [sflag:s19], $0x6400  }
0x1cc: {  	[sflag:s19] =	ssyncset.done $0x0  }
0x1cd: {  	s0 =	rddreg [dreg:$0x11];
	[sflag:s19] =	ssyncadd.s32 $0xFFFF9C00  }
0x1ce: {  	[hbm4b:s0+s2] =	stream.linear.scatter [tilespmem:s12], [sflag:$0x7], $0x6680, $0x38;
	[tilespmem:$0x1A000] =	vst v63  }
0x1cf: {  	_ =	swait.ge [sflag:s20], $0x6680  }
0x1d0: {  	[sflag:s20] =	ssyncset.done $0x0  }
0x1d1: {  	s0 =	rddreg [dreg:$0x12];
	[sflag:s20] =	ssyncadd.s32 $0xFFFF9980  }
0x1d2: {  	[tilespmem:s29], [sflag:$0x2] =	stream.linear.gather [hbm4b:s0+s2], $0x6400, $0x38;
	[tilespmem:$0x1A000] =	vst v63  }
0x1d3: {  	_ =	swait.ge [sflag:s17], $0x6400  }
0x1d4: {  	[sflag:s17] =	ssyncset.done $0x0  }
0x1d5: {  	s0 =	rddreg [dreg:$0x13];
	[sflag:s17] =	ssyncadd.s32 $0xFFFF9C00  }
0x1d6: {  	[hbm4b:s0+s2] =	stream.linear.scatter [tilespmem:s7], [sflag:$0x8], $0x6680, $0x38;
	[tilespmem:$0x1A000] =	vst v63  }
0x1d7: {  	_ =	swait.ge [sflag:s15], $0x6680  }
0x1d8: {  	[sflag:s15] =	ssyncset.done $0x0  }
0x1d9: {  	s0 =	rddreg [dreg:$0x14];
	[sflag:s15] =	ssyncadd.s32 $0xFFFF9980  }
0x1da: {  	[tilespmem:s28], [sflag:$0x3] =	stream.linear.gather [hbm4b:s0+s2], $0x6400, $0x38;
	[tilespmem:$0x1A000] =	vst v63  }
0x1db: {  	_ =	swait.ge [sflag:s13], $0x6400  }
0x1dc: {  	[sflag:s13] =	ssyncset.done $0x0  }
0x1dd: {  	s0 =	rddreg [dreg:$0x15];
	[sflag:s13] =	ssyncadd.s32 $0xFFFF9C00  }
0x1de: {  	[hbm4b:s0+s2] =	stream.linear.scatter [tilespmem:s5], [sflag:$0x9], $0x6680, $0x38;
	[tilespmem:$0x1A000] =	vst v63  }
0x1df: {  	_ =	swait.ge [sflag:s10], $0x6680  }
0x1e0: {  	[sflag:s10] =	ssyncset.done $0x0  }
0x1e1: {  	s0 =	rddreg [dreg:$0x16];
	[sflag:s10] =	ssyncadd.s32 $0xFFFF9980  }
0x1e2: {  	[tilespmem:s26], [sflag:$0x4] =	stream.linear.gather [hbm4b:s0+s2], $0x6400, $0x38;
	[tilespmem:$0x1A000] =	vst v63  }
0x1e3: {  	_ =	swait.ge [sflag:s24], $0x6400  }
0x1e4: {  	[sflag:s24] =	ssyncset.done $0x0  }
0x1e5: {  	s0 =	rddreg [dreg:$0x17];
	[sflag:s24] =	ssyncadd.s32 $0xFFFF9C00  }
0x1e6: {  	[hbm4b:s0+s2] =	stream.linear.scatter [tilespmem:s2], [sflag:$0x6], $0x6680, $0x38;
	[tilespmem:$0x1A000] =	vst v63  }
0x1e7: {  	_ =	swait.ge [sflag:s8], $0x6680  }
0x1e8: {  	[sflag:s8] =	ssyncset.done $0x0  }
0x1e9: {  	s0 =	rddreg [dreg:$0x18];
	[sflag:s8] =	ssyncadd.s32 $0xFFFF9980  }
0x1ea: {  	[tilespmem:s22], [sflag:$0x5] =	stream.linear.gather [hbm4b:s0+s2], $0x6400, $0x38;
	[tilespmem:$0x1A000] =	vst v63  }
0x1eb: {  	_ =	swait.ge [sflag:s19], $0x6400  }
0x1ec: {  	[sflag:s19] =	ssyncset.done $0x0  }
0x1ed: {  	s0 =	rddreg [dreg:$0x19];
	[sflag:s19] =	ssyncadd.s32 $0xFFFF9C00  }
0x1ee: {  	[hbm4b:s0+s2] =	stream.linear.scatter [tilespmem:s12], [sflag:$0x7], $0x6680, $0x38;
	[tilespmem:$0x1A000] =	vst v63  }
0x1ef: {  	_ =	swait.ge [sflag:s20], $0x6680  }
0x1f0: {  	[sflag:s20] =	ssyncset.done $0x0  }
0x1f1: {  	s0 =	rddreg [dreg:$0x1a];
	[sflag:s20] =	ssyncadd.s32 $0xFFFF9980  }
0x1f2: {  	[tilespmem:s29], [sflag:$0x2] =	stream.linear.gather [hbm4b:s0+s2], $0x6400, $0x38;
	[tilespmem:$0x1A000] =	vst v63  }
0x1f3: {  	_ =	swait.ge [sflag:s17], $0x6400  }
0x1f4: {  	[sflag:s17] =	ssyncset.done $0x0  }
0x1f5: {  	s0 =	rddreg [dreg:$0x1b];
	[sflag:s17] =	ssyncadd.s32 $0xFFFF9C00  }
0x1f6: {  	[hbm4b:s0+s2] =	stream.linear.scatter [tilespmem:s7], [sflag:$0x8], $0x6680, $0x38;
	[tilespmem:$0x1A000] =	vst v63  }
0x1f7: {  	_ =	swait.ge [sflag:s15], $0x6680  }
0x1f8: {  	[sflag:s15] =	ssyncset.done $0x0  }
0x1f9: {  	s0 =	rddreg [dreg:$0x1c];
	[sflag:s15] =	ssyncadd.s32 $0xFFFF9980  }
0x1fa: {  	[tilespmem:s28], [sflag:$0x3] =	stream.linear.gather [hbm4b:s0+s2], $0x6400, $0x38;
	[tilespmem:$0x1A000] =	vst v63  }
0x1fb: {  	_ =	swait.ge [sflag:s13], $0x6400  }
0x1fc: {  	[sflag:s13] =	ssyncset.done $0x0  }
0x1fd: {  	s0 =	rddreg [dreg:$0x1d];
	[sflag:s13] =	ssyncadd.s32 $0xFFFF9C00  }
0x1fe: {  	[hbm4b:s0+s2] =	stream.linear.scatter [tilespmem:s5], [sflag:$0x9], $0x6680, $0x38;
	[tilespmem:$0x1A000] =	vst v63  }
0x1ff: {  	_ =	swait.ge [sflag:s10], $0x6680  }
0x200: {  	[sflag:s10] =	ssyncset.done $0x0  }
0x201: {  	s0 =	rddreg [dreg:$0x1e];
	[sflag:s10] =	ssyncadd.s32 $0xFFFF9980  }
0x202: {  	[tilespmem:s26], [sflag:$0x4] =	stream.linear.gather [hbm4b:s0+s2], $0x6400, $0x38;
	[tilespmem:$0x1A000] =	vst v63  }
0x203: {  	_ =	swait.ge [sflag:s24], $0x6400  }
0x204: {  	[sflag:s24] =	ssyncset.done $0x0  }
0x205: {  	s0 =	rddreg [dreg:$0x1f];
	[sflag:s24] =	ssyncadd.s32 $0xFFFF9C00  }
0x206: {  	[hbm4b:s0+s2] =	stream.linear.scatter [tilespmem:s2], [sflag:$0x6], $0x6680, $0x38;
	[tilespmem:$0x1A000] =	vst v63  }
0x207: {  	_ =	swait.ge [sflag:s8], $0x6680  }
0x208: {  	s0 =	sld [smem:$0x7E5]  }
0x209: {  	[sflag:s8] =	ssyncset.done $0x0  }
0x20a: {  	[sflag:s8] =	ssyncadd.s32 $0xFFFF9980  }
0x20b: {  	[tilespmem:s22], [sflag:$0x5] =	stream.linear.gather [hbm4b:s0+s2], $0x6400, $0x38;
	[tilespmem:$0x1A000] =	vst v63  }
0x20c: {  	_ =	swait.ge [sflag:s19], $0x6400  }
0x20d: {  	s0 =	sld [smem:$0x7E6]  }
0x20e: {  	[sflag:s19] =	ssyncset.done $0x0  }
0x20f: {  	[sflag:s19] =	ssyncadd.s32 $0xFFFF9C00  }
0x210: {  	[hbm4b:s0+s2] =	stream.linear.scatter [tilespmem:s12], [sflag:$0x7], $0x6680, $0x38;
	[tilespmem:$0x1A000] =	vst v63  }
0x211: {  	_ =	swait.ge [sflag:s20], $0x6680  }
0x212: {  	s0 =	sld [smem:$0x7E7]  }
0x213: {  	[sflag:s20] =	ssyncset.done $0x0  }
0x214: {  	[sflag:s20] =	ssyncadd.s32 $0xFFFF9980  }
0x215: {  	[tilespmem:s29], [sflag:$0x2] =	stream.linear.gather [hbm4b:s0+s2], $0x6400, $0x38;
	[tilespmem:$0x1A000] =	vst v63  }
0x216: {  	_ =	swait.ge [sflag:s17], $0x6400  }
0x217: {  	s0 =	sld [smem:$0x7E8]  }
0x218: {  	[sflag:s17] =	ssyncset.done $0x0  }
0x219: {  	[sflag:s17] =	ssyncadd.s32 $0xFFFF9C00  }
0x21a: {  	[hbm4b:s0+s2] =	stream.linear.scatter [tilespmem:s7], [sflag:$0x8], $0x6680, $0x38;
	[tilespmem:$0x1A000] =	vst v63  }
0x21b: {  	_ =	swait.ge [sflag:s15], $0x6680  }
0x21c: {  	s0 =	sld [smem:$0x7E9]  }
0x21d: {  	[sflag:s15] =	ssyncset.done $0x0  }
0x21e: {  	[sflag:s15] =	ssyncadd.s32 $0xFFFF9980  }
0x21f: {  	[tilespmem:s28], [sflag:$0x3] =	stream.linear.gather [hbm4b:s0+s2], $0x6400, $0x38;
	[tilespmem:$0x1A000] =	vst v63  }
0x220: {  	_ =	swait.ge [sflag:s13], $0x6400  }
0x221: {  	s0 =	sld [smem:$0x7EA]  }
0x222: {  	[sflag:s13] =	ssyncset.done $0x0  }
0x223: {  	[sflag:s13] =	ssyncadd.s32 $0xFFFF9C00  }
0x224: {  	[hbm4b:s0+s2] =	stream.linear.scatter [tilespmem:s5], [sflag:$0x9], $0x6680, $0x38;
	[tilespmem:$0x1A000] =	vst v63  }
0x225: {  	_ =	swait.ge [sflag:s10], $0x6680  }
0x226: {  	s0 =	sld [smem:$0x7EB]  }
0x227: {  	[sflag:s10] =	ssyncset.done $0x0  }
0x228: {  	[sflag:s10] =	ssyncadd.s32 $0xFFFF9980  }
0x229: {  	[tilespmem:s26], [sflag:$0x4] =	stream.linear.gather [hbm4b:s0+s2], $0x6400, $0x38;
	[tilespmem:$0x1A000] =	vst v63  }
0x22a: {  	_ =	swait.ge [sflag:s24], $0x6400  }
0x22b: {  	s0 =	sld [smem:$0x7EC]  }
0x22c: {  	[sflag:s24] =	ssyncset.done $0x0  }
0x22d: {  	[sflag:s24] =	ssyncadd.s32 $0xFFFF9C00  }
0x22e: {  	[hbm4b:s0+s2] =	stream.linear.scatter [tilespmem:s2], [sflag:$0x6], $0x6680, $0x38;
	[tilespmem:$0x1A000] =	vst v63  }
0x22f: {  	_ =	swait.ge [sflag:s8], $0x6680  }
0x230: {  	s0 =	sld [smem:$0x7ED]  }
0x231: {  	[sflag:s8] =	ssyncset.done $0x0  }
0x232: {  	[sflag:s8] =	ssyncadd.s32 $0xFFFF9980  }
0x233: {  	[tilespmem:s22], [sflag:$0x5] =	stream.linear.gather [hbm4b:s0+s2], $0x6400, $0x38;
	[tilespmem:$0x1A000] =	vst v63  }
0x234: {  	_ =	swait.ge [sflag:s19], $0x6400  }
0x235: {  	s0 =	sld [smem:$0x7EE]  }
0x236: {  	[sflag:s19] =	ssyncset.done $0x0  }
0x237: {  	[sflag:s19] =	ssyncadd.s32 $0xFFFF9C00  }
0x238: {  	[hbm4b:s0+s2] =	stream.linear.scatter [tilespmem:s12], [sflag:$0x7], $0x6680, $0x38;
	[tilespmem:$0x1A000] =	vst v63  }
0x239: {  	_ =	swait.ge [sflag:s20], $0x6680  }
0x23a: {  	s0 =	sld [smem:$0x7EF]  }
0x23b: {  	[sflag:s20] =	ssyncset.done $0x0  }
0x23c: {  	[sflag:s20] =	ssyncadd.s32 $0xFFFF9980  }
0x23d: {  	[tilespmem:s29], [sflag:$0x2] =	stream.linear.gather [hbm4b:s0+s2], $0x6400, $0x38;
	[tilespmem:$0x1A000] =	vst v63  }
0x23e: {  	_ =	swait.ge [sflag:s17], $0x6400  }
0x23f: {  	s0 =	sld [smem:$0x7F0]  }
0x240: {  	[sflag:s17] =	ssyncset.done $0x0  }
0x241: {  	[sflag:s17] =	ssyncadd.s32 $0xFFFF9C00  }
0x242: {  	[hbm4b:s0+s2] =	stream.linear.scatter [tilespmem:s7], [sflag:$0x8], $0x6680, $0x38;
	[tilespmem:$0x1A000] =	vst v63  }
0x243: {  	_ =	swait.ge [sflag:s15], $0x6680  }
0x244: {  	s0 =	sld [smem:$0x7F1]  }
0x245: {  	[sflag:s15] =	ssyncset.done $0x0  }
0x246: {  	[sflag:s15] =	ssyncadd.s32 $0xFFFF9980  }
0x247: {  	[tilespmem:s28], [sflag:$0x3] =	stream.linear.gather [hbm4b:s0+s2], $0x6400, $0x38;
	[tilespmem:$0x1A000] =	vst v63  }
0x248: {  	_ =	swait.ge [sflag:s13], $0x6400  }
0x249: {  	s0 =	sld [smem:$0x7F2]  }
0x24a: {  	[sflag:s13] =	ssyncset.done $0x0  }
0x24b: {  	[sflag:s13] =	ssyncadd.s32 $0xFFFF9C00  }
0x24c: {  	[hbm4b:s0+s2] =	stream.linear.scatter [tilespmem:s5], [sflag:$0x9], $0x6680, $0x38;
	[tilespmem:$0x1A000] =	vst v63  }
0x24d: {  	_ =	swait.ge [sflag:s10], $0x6680  }
0x24e: {  	s0 =	sld [smem:$0x7F3]  }
0x24f: {  	[sflag:s10] =	ssyncset.done $0x0  }
0x250: {  	[sflag:s10] =	ssyncadd.s32 $0xFFFF9980  }
0x251: {  	[tilespmem:s26], [sflag:$0x4] =	stream.linear.gather [hbm4b:s0+s2], $0x6400, $0x38;
	[tilespmem:$0x1A000] =	vst v63  }
0x252: {  	_ =	swait.ge [sflag:s24], $0x6400  }
0x253: {  	s0 =	sld [smem:$0x7F4]  }
0x254: {  	[sflag:s24] =	ssyncset.done $0x0  }
0x255: {  	[sflag:s24] =	ssyncadd.s32 $0xFFFF9C00  }
0x256: {  	[hbm4b:s0+s2] =	stream.linear.scatter [tilespmem:s2], [sflag:$0x6], $0x6680, $0x38;
	[tilespmem:$0x1A000] =	vst v63  }
0x257: {  	_ =	swait.ge [sflag:s8], $0x6680  }
0x258: {  	s0 =	sld [smem:$0x7F5]  }
0x259: {  	[sflag:s8] =	ssyncset.done $0x0  }
0x25a: {  	[sflag:s8] =	ssyncadd.s32 $0xFFFF9980  }
0x25b: {  	[tilespmem:s22], [sflag:$0x5] =	stream.linear.gather [hbm4b:s0+s2], $0x6400, $0x38;
	[tilespmem:$0x1A000] =	vst v63  }
0x25c: {  	_ =	swait.ge [sflag:s19], $0x6400  }
0x25d: {  	s0 =	sld [smem:$0x7F6]  }
0x25e: {  	[sflag:s19] =	ssyncset.done $0x0  }
0x25f: {  	[sflag:s19] =	ssyncadd.s32 $0xFFFF9C00  }
0x260: {  	[hbm4b:s0+s2] =	stream.linear.scatter [tilespmem:s12], [sflag:$0x7], $0x6680, $0x38;
	[tilespmem:$0x1A000] =	vst v63  }
0x261: {  	_ =	swait.ge [sflag:s20], $0x6680  }
0x262: {  	s0 =	sld [smem:$0x7F7]  }
0x263: {  	[sflag:s20] =	ssyncset.done $0x0  }
0x264: {  	[sflag:s20] =	ssyncadd.s32 $0xFFFF9980  }
0x265: {  	[tilespmem:s29], [sflag:$0x2] =	stream.linear.gather [hbm4b:s0+s2], $0x6400, $0x38;
	[tilespmem:$0x1A000] =	vst v63  }
0x266: {  	_ =	swait.ge [sflag:s17], $0x6400  }
0x267: {  	s0 =	sld [smem:$0x7F8]  }
0x268: {  	[sflag:s17] =	ssyncset.done $0x0  }
0x269: {  	[sflag:s17] =	ssyncadd.s32 $0xFFFF9C00  }
0x26a: {  	[hbm4b:s0+s2] =	stream.linear.scatter [tilespmem:s7], [sflag:$0x8], $0x6680, $0x38;
	[tilespmem:$0x1A000] =	vst v63  }
0x26b: {  	_ =	swait.ge [sflag:s15], $0x6680  }
0x26c: {  	s0 =	sld [smem:$0x7F9]  }
0x26d: {  	[sflag:s15] =	ssyncset.done $0x0  }
0x26e: {  	[sflag:s15] =	ssyncadd.s32 $0xFFFF9980  }
0x26f: {  	[tilespmem:s28], [sflag:$0x3] =	stream.linear.gather [hbm4b:s0+s2], $0x6400, $0x38;
	[tilespmem:$0x1A000] =	vst v63  }
0x270: {  	_ =	swait.ge [sflag:s13], $0x6400  }
0x271: {  	s0 =	sld [smem:$0x7FA]  }
0x272: {  	[sflag:s13] =	ssyncset.done $0x0  }
0x273: {  	[sflag:s13] =	ssyncadd.s32 $0xFFFF9C00  }
0x274: {  	[hbm4b:s0+s2] =	stream.linear.scatter [tilespmem:s5], [sflag:$0x9], $0x6680, $0x38;
	[tilespmem:$0x1A000] =	vst v63  }
0x275: {  	_ =	swait.ge [sflag:s10], $0x6680  }
0x276: {  	s0 =	sld [smem:$0x7FB]  }
0x277: {  	[sflag:s10] =	ssyncset.done $0x0  }
0x278: {  	[sflag:s10] =	ssyncadd.s32 $0xFFFF9980  }
0x279: {  	[tilespmem:s26], [sflag:$0x4] =	stream.linear.gather [hbm4b:s0+s2], $0x6400, $0x38;
	[tilespmem:$0x1A000] =	vst v63  }
0x27a: {  	_ =	swait.ge [sflag:s24], $0x6400  }
0x27b: {  	s0 =	sld [smem:$0x7FC]  }
0x27c: {  	[sflag:s24] =	ssyncset.done $0x0  }
0x27d: {  	[sflag:s24] =	ssyncadd.s32 $0xFFFF9C00  }
0x27e: {  	[hbm4b:s0+s2] =	stream.linear.scatter [tilespmem:s2], [sflag:$0x6], $0x6680, $0x38;
	[tilespmem:$0x1A000] =	vst v63  }
0x27f: {  	_ =	swait.ge [sflag:s8], $0x6680  }
0x280: {  	s0 =	sld [smem:$0x7FD]  }
0x281: {  	[sflag:s8] =	ssyncset.done $0x0  }
0x282: {  	[sflag:s8] =	ssyncadd.s32 $0xFFFF9980  }
0x283: {  	[tilespmem:s22], [sflag:$0x5] =	stream.linear.gather [hbm4b:s0+s2], $0x6400, $0x38;
	[tilespmem:$0x1A000] =	vst v63  }
0x284: {  	_ =	swait.ge [sflag:s19], $0x6400  }
0x285: {  	s3 =	smov.u32 s4;
	s4 =	smov.u32 s6;
	[sflag:s19] =	ssyncset.done $0x0  }
0x286: {  	s6 =	smov.u32 s9;
	s9 =	smov.u32 s11;
	[sflag:s19] =	ssyncadd.s32 $0xFFFF9C00  }
0x287: {  	[hbm4b:s30+s2] =	stream.linear.scatter [tilespmem:s12], [sflag:$0x7], $0x6680, $0x38;
	[tilespmem:$0x1A000] =	vst v63  }
0x288: {  	s11 =	smov.u32 s14;
	s14 =	smov.u32 s16;
	_ =	swait.ge [sflag:s20], $0x6680  }
0x289: {  	s16 =	smov.u32 s18;
	s18 =	smov.u32 s21;
	[sflag:s20] =	ssyncset.done $0x0  }
0x28a: {  	s21 =	smov.u32 s23;
	s23 =	smov.u32 s25;
	[sflag:s20] =	ssyncadd.s32 $0xFFFF9980  }
0x28b: {  	[tilespmem:s29], [sflag:$0x2] =	stream.linear.gather [hbm4b:s23+s2], $0x6400, $0x38;
	[tilespmem:$0x1A000] =	vst v63  }
0x28c: {  	_ =	swait.ge [sflag:s17], $0x6400  }
0x28d: {  	[sflag:s17] =	ssyncset.done $0x0  }
0x28e: {  	[sflag:s17] =	ssyncadd.s32 $0xFFFF9C00  }
0x28f: {  	[hbm4b:s21+s2] =	stream.linear.scatter [tilespmem:s7], [sflag:$0x8], $0x6680, $0x38;
	[tilespmem:$0x1A000] =	vst v63  }
0x290: {  	_ =	swait.ge [sflag:s15], $0x6680  }
0x291: {  	[sflag:s15] =	ssyncset.done $0x0  }
0x292: {  	[sflag:s15] =	ssyncadd.s32 $0xFFFF9980  }
0x293: {  	[tilespmem:s28], [sflag:$0x3] =	stream.linear.gather [hbm4b:s18+s2], $0x6400, $0x38;
	[tilespmem:$0x1A000] =	vst v63  }
0x294: {  	_ =	swait.ge [sflag:s13], $0x6400  }
0x295: {  	[sflag:s13] =	ssyncset.done $0x0  }
0x296: {  	[sflag:s13] =	ssyncadd.s32 $0xFFFF9C00  }
0x297: {  	[hbm4b:s16+s2] =	stream.linear.scatter [tilespmem:s5], [sflag:$0x9], $0x6680, $0x38;
	[tilespmem:$0x1A000] =	vst v63  }
0x298: {  	_ =	swait.ge [sflag:s10], $0x6680  }
0x299: {  	[sflag:s10] =	ssyncset.done $0x0  }
0x29a: {  	[sflag:s10] =	ssyncadd.s32 $0xFFFF9980  }
0x29b: {  	[tilespmem:s26], [sflag:$0x4] =	stream.linear.gather [hbm4b:s14+s2], $0x6400, $0x38;
	[tilespmem:$0x1A000] =	vst v63  }
0x29c: {  	_ =	swait.ge [sflag:s24], $0x6400  }
0x29d: {  	[sflag:s24] =	ssyncset.done $0x0  }
0x29e: {  	[sflag:s24] =	ssyncadd.s32 $0xFFFF9C00  }
0x29f: {  	[hbm4b:s11+s2] =	stream.linear.scatter [tilespmem:s2], [sflag:$0x6], $0x6680, $0x38;
	[tilespmem:$0x1A000] =	vst v63  }
0x2a0: {  	_ =	swait.ge [sflag:s8], $0x6680  }
0x2a1: {  	[sflag:s8] =	ssyncset.done $0x0  }
0x2a2: {  	[sflag:s8] =	ssyncadd.s32 $0xFFFF9980  }
0x2a3: {  	[tilespmem:s22], [sflag:$0x5] =	stream.linear.gather [hbm4b:s9+s2], $0x6400, $0x38;
	[tilespmem:$0x1A000] =	vst v63  }
0x2a4: {  	_ =	swait.ge [sflag:s19], $0x6400  }
0x2a5: {  	[sflag:s19] =	ssyncset.done $0x0  }
0x2a6: {  	[sflag:s19] =	ssyncadd.s32 $0xFFFF9C00  }
0x2a7: {  	[hbm4b:s6+s2] =	stream.linear.scatter [tilespmem:s12], [sflag:$0x7], $0x6680, $0x38;
	[tilespmem:$0x1A000] =	vst v63  }
0x2a8: {  	_ =	swait.ge [sflag:s20], $0x6680  }
0x2a9: {  	[sflag:s20] =	ssyncset.done $0x0  }
0x2aa: {  	[sflag:s20] =	ssyncadd.s32 $0xFFFF9980  }
0x2ab: {  	_ =	swait.ge [sflag:s17], $0x6400  }
0x2ac: {  	[sflag:s17] =	ssyncset.done $0x0  }
0x2ad: {  	[sflag:s17] =	ssyncadd.s32 $0xFFFF9C00  }
0x2ae: {  	[hbm4b:s4+s2] =	stream.linear.scatter [tilespmem:s7], [sflag:$0x8], $0x6680, $0x38;
	[tilespmem:$0x1A000] =	vst v63  }
0x2af: {  	_ =	swait.ge [sflag:s15], $0x6680  }
0x2b0: {  	[sflag:s15] =	ssyncset.done $0x0  }
0x2b1: {  	[sflag:s15] =	ssyncadd.s32 $0xFFFF9980  }
0x2b2: {  	_ =	swait.ge [sflag:s13], $0x6400  }
0x2b3: {  	[sflag:s13] =	ssyncset.done $0x0  }
0x2b4: {  	p1 =	sne.s32 s1, $0x1;
	[sflag:s13] =	ssyncadd.s32 $0xFFFF9C00  }
0x2b5: {  	[hbm4b:s3+s2] =	stream.linear.scatter [tilespmem:s5], [sflag:$0x9], $0x6680, $0x38;
	[tilespmem:$0x1A000] =	vst v63  }
.Ltmp2:
0x2b6: {  	_ =	swait.ge [sflag:s10], $0x6680;
	(pc) =	sbr.rel @p1 .LBB2_3-.Ltmp2, $4  }
0x2b7: {  	[sflag:s10] =	ssyncset.done $0x0  }
0x2b8: {  	[sflag:s10] =	ssyncadd.s32 $0xFFFF9980  }
0x2b9: {  	s1 =	sadd.s32 $0xFFFFFFFF, s1;
	_ =	swait.ge [sflag:s8], $0x6680  }
0x2ba: {  	s25 =	smov.u32 s30;
	s0 =	rddreg [dreg:$0x4];
	[sflag:s8] =	ssyncset.done $0x0  }
0x2bb: {  	s30 =	rddreg [dreg:$0x1]  }
.LBB2_5:
0x2bc: {  	[sflag:s8] =	ssyncadd.s32 @p0 $0xFFFF9980  }
0x2bd: {  	[tilespmem:s29], [sflag:$0x2] =	stream.linear.gather [hbm4b:s0+s2], $0x6400, $0x38;
	[tilespmem:$0x1A000] =	vst v63  }
0x2be: {  	s1 =	rddreg [dreg:$0x5]  }
0x2bf: {  	[tilespmem:s28], [sflag:$0x3] =	stream.linear.gather [hbm4b:s1+s2], $0x6400, $0x38;
	[tilespmem:$0x1A000] =	vst v63  }
0x2c0: {  	_ = 	snop  }
0x2c1: {  	[tilespmem:s2], [sflag:$0x1] =	stream.linear.gather [hbm4b:s30+s2], $0x280, $0x38;
	[tilespmem:$0x1A000] =	vst v63  }
0x2c2: {  	_ = 	snop  }
0x2c3: {  	[tilespmem:s12], [sflag:$0x1] =	stream.linear.gather [hbm4b:s30+s2], $0x280, $0x38;
	[tilespmem:$0x1A000] =	vst v63  }
0x2c4: {  	_ = 	snop  }
0x2c5: {  	[tilespmem:s7], [sflag:$0x1] =	stream.linear.gather [hbm4b:s30+s2], $0x280, $0x38;
	[tilespmem:$0x1A000] =	vst v63  }
0x2c6: {  	_ = 	snop  }
0x2c7: {  	[tilespmem:s5], [sflag:$0x1] =	stream.linear.gather [hbm4b:s30+s2], $0x280, $0x38;
	[tilespmem:$0x1A000] =	vst v63  }
0x2c8: {  	_ =	swait.ge [sflag:s31], $0x280  }
0x2c9: {  	[sflag:s31] =	ssyncset.done $0x0  }
0x2ca: {  	[sflag:s31] =	ssyncadd.s32 $0xFFFFFD80  }
0x2cb: {  	_ =	swait.ge [sflag:s31], $0x280  }
0x2cc: {  	[sflag:s31] =	ssyncset.done $0x0  }
0x2cd: {  	[sflag:s31] =	ssyncadd.s32 $0xFFFFFD80  }
0x2ce: {  	_ =	swait.ge [sflag:s31], $0x280  }
0x2cf: {  	[sflag:s31] =	ssyncset.done $0x0  }
0x2d0: {  	[sflag:s31] =	ssyncadd.s32 $0xFFFFFD80  }
0x2d1: {  	_ =	swait.ge [sflag:s31], $0x280  }
0x2d2: {  	[sflag:s31] =	ssyncset.done $0x0  }
0x2d3: {  	s30 =	rddreg [dreg:$0x6];
	[sflag:s31] =	ssyncadd.s32 $0xFFFFFD80  }
0x2d4: {  	[tilespmem:s26], [sflag:$0x4] =	stream.linear.gather [hbm4b:s30+s2], $0x6400, $0x38;
	[tilespmem:$0x1A000] =	vst v63  }
0x2d5: {  	_ =	swait.ge [sflag:s24], $0x6400  }
0x2d6: {  	[sflag:s24] =	ssyncset.done $0x0  }
0x2d7: {  	s1 =	rddreg [dreg:$0x7];
	[sflag:s24] =	ssyncadd.s32 $0xFFFF9C00  }
0x2d8: {  	[hbm4b:s1+s2] =	stream.linear.scatter [tilespmem:s2], [sflag:$0x6], $0x6680, $0x38;
	[tilespmem:$0x1A000] =	vst v63  }
0x2d9: {  	s30 =	rddreg [dreg:$0x8]  }
0x2da: {  	[tilespmem:s22], [sflag:$0x5] =	stream.linear.gather [hbm4b:s30+s2], $0x6400, $0x38;
	[tilespmem:$0x1A000] =	vst v63  }
0x2db: {  	_ =	swait.ge [sflag:s19], $0x6400  }
0x2dc: {  	[sflag:s19] =	ssyncset.done $0x0  }
0x2dd: {  	s31 =	rddreg [dreg:$0x9];
	[sflag:s19] =	ssyncadd.s32 $0xFFFF9C00  }
0x2de: {  	[hbm4b:s31+s2] =	stream.linear.scatter [tilespmem:s12], [sflag:$0x7], $0x6680, $0x38;
	[tilespmem:$0x1A000] =	vst v63  }
0x2df: {  	_ =	swait.ge [sflag:s20], $0x6680  }
0x2e0: {  	[sflag:s20] =	ssyncset.done $0x0  }
0x2e1: {  	s1 =	rddreg [dreg:$0xa];
	[sflag:s20] =	ssyncadd.s32 $0xFFFF9980  }
0x2e2: {  	[tilespmem:s29], [sflag:$0x2] =	stream.linear.gather [hbm4b:s1+s2], $0x6400, $0x38;
	[tilespmem:$0x1A000] =	vst v63  }
0x2e3: {  	_ =	swait.ge [sflag:s17], $0x6400  }
0x2e4: {  	[sflag:s17] =	ssyncset.done $0x0  }
0x2e5: {  	s30 =	rddreg [dreg:$0xb];
	[sflag:s17] =	ssyncadd.s32 $0xFFFF9C00  }
0x2e6: {  	[hbm4b:s30+s2] =	stream.linear.scatter [tilespmem:s7], [sflag:$0x8], $0x6680, $0x38;
	[tilespmem:$0x1A000] =	vst v63  }
0x2e7: {  	_ =	swait.ge [sflag:s15], $0x6680  }
0x2e8: {  	[sflag:s15] =	ssyncset.done $0x0  }
0x2e9: {  	s31 =	rddreg [dreg:$0xc];
	[sflag:s15] =	ssyncadd.s32 $0xFFFF9980  }
0x2ea: {  	[tilespmem:s28], [sflag:$0x3] =	stream.linear.gather [hbm4b:s31+s2], $0x6400, $0x38;
	[tilespmem:$0x1A000] =	vst v63  }
0x2eb: {  	_ =	swait.ge [sflag:s13], $0x6400  }
0x2ec: {  	[sflag:s13] =	ssyncset.done $0x0  }
0x2ed: {  	s1 =	rddreg [dreg:$0xd];
	[sflag:s13] =	ssyncadd.s32 $0xFFFF9C00  }
0x2ee: {  	[hbm4b:s1+s2] =	stream.linear.scatter [tilespmem:s5], [sflag:$0x9], $0x6680, $0x38;
	[tilespmem:$0x1A000] =	vst v63  }
0x2ef: {  	_ =	swait.ge [sflag:s10], $0x6680  }
0x2f0: {  	[sflag:s10] =	ssyncset.done $0x0  }
0x2f1: {  	s30 =	rddreg [dreg:$0xe];
	[sflag:s10] =	ssyncadd.s32 $0xFFFF9980  }
0x2f2: {  	[tilespmem:s26], [sflag:$0x4] =	stream.linear.gather [hbm4b:s30+s2], $0x6400, $0x38;
	[tilespmem:$0x1A000] =	vst v63  }
0x2f3: {  	_ =	swait.ge [sflag:s24], $0x6400  }
0x2f4: {  	[sflag:s24] =	ssyncset.done $0x0  }
0x2f5: {  	s31 =	rddreg [dreg:$0xf];
	[sflag:s24] =	ssyncadd.s32 $0xFFFF9C00  }
0x2f6: {  	[hbm4b:s31+s2] =	stream.linear.scatter [tilespmem:s2], [sflag:$0x6], $0x6680, $0x38;
	[tilespmem:$0x1A000] =	vst v63  }
0x2f7: {  	_ =	swait.ge [sflag:s8], $0x6680  }
0x2f8: {  	[sflag:s8] =	ssyncset.done $0x0  }
0x2f9: {  	s1 =	rddreg [dreg:$0x10];
	[sflag:s8] =	ssyncadd.s32 $0xFFFF9980  }
0x2fa: {  	[tilespmem:s22], [sflag:$0x5] =	stream.linear.gather [hbm4b:s1+s2], $0x6400, $0x38;
	[tilespmem:$0x1A000] =	vst v63  }
0x2fb: {  	_ =	swait.ge [sflag:s19], $0x6400  }
0x2fc: {  	[sflag:s19] =	ssyncset.done $0x0  }
0x2fd: {  	s30 =	rddreg [dreg:$0x11];
	[sflag:s19] =	ssyncadd.s32 $0xFFFF9C00  }
0x2fe: {  	[hbm4b:s30+s2] =	stream.linear.scatter [tilespmem:s12], [sflag:$0x7], $0x6680, $0x38;
	[tilespmem:$0x1A000] =	vst v63  }
0x2ff: {  	_ =	swait.ge [sflag:s20], $0x6680  }
0x300: {  	[sflag:s20] =	ssyncset.done $0x0  }
0x301: {  	s31 =	rddreg [dreg:$0x12];
	[sflag:s20] =	ssyncadd.s32 $0xFFFF9980  }
0x302: {  	[tilespmem:s29], [sflag:$0x2] =	stream.linear.gather [hbm4b:s31+s2], $0x6400, $0x38;
	[tilespmem:$0x1A000] =	vst v63  }
0x303: {  	_ =	swait.ge [sflag:s17], $0x6400  }
0x304: {  	[sflag:s17] =	ssyncset.done $0x0  }
0x305: {  	s1 =	rddreg [dreg:$0x13];
	[sflag:s17] =	ssyncadd.s32 $0xFFFF9C00  }
0x306: {  	[hbm4b:s1+s2] =	stream.linear.scatter [tilespmem:s7], [sflag:$0x8], $0x6680, $0x38;
	[tilespmem:$0x1A000] =	vst v63  }
0x307: {  	_ =	swait.ge [sflag:s15], $0x6680  }
0x308: {  	[sflag:s15] =	ssyncset.done $0x0  }
0x309: {  	s30 =	rddreg [dreg:$0x14];
	[sflag:s15] =	ssyncadd.s32 $0xFFFF9980  }
0x30a: {  	[tilespmem:s28], [sflag:$0x3] =	stream.linear.gather [hbm4b:s30+s2], $0x6400, $0x38;
	[tilespmem:$0x1A000] =	vst v63  }
0x30b: {  	_ =	swait.ge [sflag:s13], $0x6400  }
0x30c: {  	[sflag:s13] =	ssyncset.done $0x0  }
0x30d: {  	s31 =	rddreg [dreg:$0x15];
	[sflag:s13] =	ssyncadd.s32 $0xFFFF9C00  }
0x30e: {  	[hbm4b:s31+s2] =	stream.linear.scatter [tilespmem:s5], [sflag:$0x9], $0x6680, $0x38;
	[tilespmem:$0x1A000] =	vst v63  }
0x30f: {  	_ =	swait.ge [sflag:s10], $0x6680  }
0x310: {  	[sflag:s10] =	ssyncset.done $0x0  }
0x311: {  	s1 =	rddreg [dreg:$0x16];
	[sflag:s10] =	ssyncadd.s32 $0xFFFF9980  }
0x312: {  	[tilespmem:s26], [sflag:$0x4] =	stream.linear.gather [hbm4b:s1+s2], $0x6400, $0x38;
	[tilespmem:$0x1A000] =	vst v63  }
0x313: {  	_ =	swait.ge [sflag:s24], $0x6400  }
0x314: {  	[sflag:s24] =	ssyncset.done $0x0  }
0x315: {  	s30 =	rddreg [dreg:$0x17];
	[sflag:s24] =	ssyncadd.s32 $0xFFFF9C00  }
0x316: {  	[hbm4b:s30+s2] =	stream.linear.scatter [tilespmem:s2], [sflag:$0x6], $0x6680, $0x38;
	[tilespmem:$0x1A000] =	vst v63  }
0x317: {  	_ =	swait.ge [sflag:s8], $0x6680  }
0x318: {  	[sflag:s8] =	ssyncset.done $0x0  }
0x319: {  	s31 =	rddreg [dreg:$0x18];
	[sflag:s8] =	ssyncadd.s32 $0xFFFF9980  }
0x31a: {  	[tilespmem:s22], [sflag:$0x5] =	stream.linear.gather [hbm4b:s31+s2], $0x6400, $0x38;
	[tilespmem:$0x1A000] =	vst v63  }
0x31b: {  	_ =	swait.ge [sflag:s19], $0x6400  }
0x31c: {  	[sflag:s19] =	ssyncset.done $0x0  }
0x31d: {  	s1 =	rddreg [dreg:$0x19];
	[sflag:s19] =	ssyncadd.s32 $0xFFFF9C00  }
0x31e: {  	[hbm4b:s1+s2] =	stream.linear.scatter [tilespmem:s12], [sflag:$0x7], $0x6680, $0x38;
	[tilespmem:$0x1A000] =	vst v63  }
0x31f: {  	_ =	swait.ge [sflag:s20], $0x6680  }
0x320: {  	[sflag:s20] =	ssyncset.done $0x0  }
0x321: {  	s30 =	rddreg [dreg:$0x1a];
	[sflag:s20] =	ssyncadd.s32 $0xFFFF9980  }
0x322: {  	[tilespmem:s29], [sflag:$0x2] =	stream.linear.gather [hbm4b:s30+s2], $0x6400, $0x38;
	[tilespmem:$0x1A000] =	vst v63  }
0x323: {  	_ =	swait.ge [sflag:s17], $0x6400  }
0x324: {  	[sflag:s17] =	ssyncset.done $0x0  }
0x325: {  	s31 =	rddreg [dreg:$0x1b];
	[sflag:s17] =	ssyncadd.s32 $0xFFFF9C00  }
0x326: {  	[hbm4b:s31+s2] =	stream.linear.scatter [tilespmem:s7], [sflag:$0x8], $0x6680, $0x38;
	[tilespmem:$0x1A000] =	vst v63  }
0x327: {  	_ =	swait.ge [sflag:s15], $0x6680  }
0x328: {  	[sflag:s15] =	ssyncset.done $0x0  }
0x329: {  	s1 =	rddreg [dreg:$0x1c];
	[sflag:s15] =	ssyncadd.s32 $0xFFFF9980  }
0x32a: {  	[tilespmem:s28], [sflag:$0x3] =	stream.linear.gather [hbm4b:s1+s2], $0x6400, $0x38;
	[tilespmem:$0x1A000] =	vst v63  }
0x32b: {  	_ =	swait.ge [sflag:s13], $0x6400  }
0x32c: {  	[sflag:s13] =	ssyncset.done $0x0  }
0x32d: {  	s30 =	rddreg [dreg:$0x1d];
	[sflag:s13] =	ssyncadd.s32 $0xFFFF9C00  }
0x32e: {  	[hbm4b:s30+s2] =	stream.linear.scatter [tilespmem:s5], [sflag:$0x9], $0x6680, $0x38;
	[tilespmem:$0x1A000] =	vst v63  }
0x32f: {  	_ =	swait.ge [sflag:s10], $0x6680  }
0x330: {  	[sflag:s10] =	ssyncset.done $0x0  }
0x331: {  	s31 =	rddreg [dreg:$0x1e];
	[sflag:s10] =	ssyncadd.s32 $0xFFFF9980  }
0x332: {  	[tilespmem:s26], [sflag:$0x4] =	stream.linear.gather [hbm4b:s31+s2], $0x6400, $0x38;
	[tilespmem:$0x1A000] =	vst v63  }
0x333: {  	_ =	swait.ge [sflag:s24], $0x6400  }
0x334: {  	[sflag:s24] =	ssyncset.done $0x0  }
0x335: {  	s1 =	rddreg [dreg:$0x1f];
	[sflag:s24] =	ssyncadd.s32 $0xFFFF9C00  }
0x336: {  	[hbm4b:s1+s2] =	stream.linear.scatter [tilespmem:s2], [sflag:$0x6], $0x6680, $0x38;
	[tilespmem:$0x1A000] =	vst v63  }
0x337: {  	_ =	swait.ge [sflag:s8], $0x6680  }
0x338: {  	s30 =	sld [smem:$0x7E5]  }
0x339: {  	[sflag:s8] =	ssyncset.done $0x0  }
0x33a: {  	[sflag:s8] =	ssyncadd.s32 $0xFFFF9980  }
0x33b: {  	[tilespmem:s22], [sflag:$0x5] =	stream.linear.gather [hbm4b:s30+s2], $0x6400, $0x38;
	[tilespmem:$0x1A000] =	vst v63  }
0x33c: {  	_ =	swait.ge [sflag:s19], $0x6400  }
0x33d: {  	s31 =	sld [smem:$0x7E6]  }
0x33e: {  	[sflag:s19] =	ssyncset.done $0x0  }
0x33f: {  	[sflag:s19] =	ssyncadd.s32 $0xFFFF9C00  }
0x340: {  	[hbm4b:s31+s2] =	stream.linear.scatter [tilespmem:s12], [sflag:$0x7], $0x6680, $0x38;
	[tilespmem:$0x1A000] =	vst v63  }
0x341: {  	_ =	swait.ge [sflag:s20], $0x6680  }
0x342: {  	s1 =	sld [smem:$0x7E7]  }
0x343: {  	[sflag:s20] =	ssyncset.done $0x0  }
0x344: {  	[sflag:s20] =	ssyncadd.s32 $0xFFFF9980  }
0x345: {  	[tilespmem:s29], [sflag:$0x2] =	stream.linear.gather [hbm4b:s1+s2], $0x6400, $0x38;
	[tilespmem:$0x1A000] =	vst v63  }
0x346: {  	_ =	swait.ge [sflag:s17], $0x6400  }
0x347: {  	s30 =	sld [smem:$0x7E8]  }
0x348: {  	[sflag:s17] =	ssyncset.done $0x0  }
0x349: {  	[sflag:s17] =	ssyncadd.s32 $0xFFFF9C00  }
0x34a: {  	[hbm4b:s30+s2] =	stream.linear.scatter [tilespmem:s7], [sflag:$0x8], $0x6680, $0x38;
	[tilespmem:$0x1A000] =	vst v63  }
0x34b: {  	_ =	swait.ge [sflag:s15], $0x6680  }
0x34c: {  	s31 =	sld [smem:$0x7E9]  }
0x34d: {  	[sflag:s15] =	ssyncset.done $0x0  }
0x34e: {  	[sflag:s15] =	ssyncadd.s32 $0xFFFF9980  }
0x34f: {  	[tilespmem:s28], [sflag:$0x3] =	stream.linear.gather [hbm4b:s31+s2], $0x6400, $0x38;
	[tilespmem:$0x1A000] =	vst v63  }
0x350: {  	_ =	swait.ge [sflag:s13], $0x6400  }
0x351: {  	s1 =	sld [smem:$0x7EA]  }
0x352: {  	[sflag:s13] =	ssyncset.done $0x0  }
0x353: {  	[sflag:s13] =	ssyncadd.s32 $0xFFFF9C00  }
0x354: {  	[hbm4b:s1+s2] =	stream.linear.scatter [tilespmem:s5], [sflag:$0x9], $0x6680, $0x38;
	[tilespmem:$0x1A000] =	vst v63  }
0x355: {  	_ =	swait.ge [sflag:s10], $0x6680  }
0x356: {  	s30 =	sld [smem:$0x7EB]  }
0x357: {  	[sflag:s10] =	ssyncset.done $0x0  }
0x358: {  	[sflag:s10] =	ssyncadd.s32 $0xFFFF9980  }
0x359: {  	[tilespmem:s26], [sflag:$0x4] =	stream.linear.gather [hbm4b:s30+s2], $0x6400, $0x38;
	[tilespmem:$0x1A000] =	vst v63  }
0x35a: {  	_ =	swait.ge [sflag:s24], $0x6400  }
0x35b: {  	s31 =	sld [smem:$0x7EC]  }
0x35c: {  	[sflag:s24] =	ssyncset.done $0x0  }
0x35d: {  	[sflag:s24] =	ssyncadd.s32 $0xFFFF9C00  }
0x35e: {  	[hbm4b:s31+s2] =	stream.linear.scatter [tilespmem:s2], [sflag:$0x6], $0x6680, $0x38;
	[tilespmem:$0x1A000] =	vst v63  }
0x35f: {  	_ =	swait.ge [sflag:s8], $0x6680  }
0x360: {  	s1 =	sld [smem:$0x7ED]  }
0x361: {  	[sflag:s8] =	ssyncset.done $0x0  }
0x362: {  	[sflag:s8] =	ssyncadd.s32 $0xFFFF9980  }
0x363: {  	[tilespmem:s22], [sflag:$0x5] =	stream.linear.gather [hbm4b:s1+s2], $0x6400, $0x38;
	[tilespmem:$0x1A000] =	vst v63  }
0x364: {  	_ =	swait.ge [sflag:s19], $0x6400  }
0x365: {  	s30 =	sld [smem:$0x7EE]  }
0x366: {  	[sflag:s19] =	ssyncset.done $0x0  }
0x367: {  	[sflag:s19] =	ssyncadd.s32 $0xFFFF9C00  }
0x368: {  	[hbm4b:s30+s2] =	stream.linear.scatter [tilespmem:s12], [sflag:$0x7], $0x6680, $0x38;
	[tilespmem:$0x1A000] =	vst v63  }
0x369: {  	_ =	swait.ge [sflag:s20], $0x6680  }
0x36a: {  	s31 =	sld [smem:$0x7EF]  }
0x36b: {  	[sflag:s20] =	ssyncset.done $0x0  }
0x36c: {  	[sflag:s20] =	ssyncadd.s32 $0xFFFF9980  }
0x36d: {  	[tilespmem:s29], [sflag:$0x2] =	stream.linear.gather [hbm4b:s31+s2], $0x6400, $0x38;
	[tilespmem:$0x1A000] =	vst v63  }
0x36e: {  	_ =	swait.ge [sflag:s17], $0x6400  }
0x36f: {  	s1 =	sld [smem:$0x7F0]  }
0x370: {  	[sflag:s17] =	ssyncset.done $0x0  }
0x371: {  	[sflag:s17] =	ssyncadd.s32 $0xFFFF9C00  }
0x372: {  	[hbm4b:s1+s2] =	stream.linear.scatter [tilespmem:s7], [sflag:$0x8], $0x6680, $0x38;
	[tilespmem:$0x1A000] =	vst v63  }
0x373: {  	_ =	swait.ge [sflag:s15], $0x6680  }
0x374: {  	s30 =	sld [smem:$0x7F1]  }
0x375: {  	[sflag:s15] =	ssyncset.done $0x0  }
0x376: {  	[sflag:s15] =	ssyncadd.s32 $0xFFFF9980  }
0x377: {  	[tilespmem:s28], [sflag:$0x3] =	stream.linear.gather [hbm4b:s30+s2], $0x6400, $0x38;
	[tilespmem:$0x1A000] =	vst v63  }
0x378: {  	_ =	swait.ge [sflag:s13], $0x6400  }
0x379: {  	s31 =	sld [smem:$0x7F2]  }
0x37a: {  	[sflag:s13] =	ssyncset.done $0x0  }
0x37b: {  	[sflag:s13] =	ssyncadd.s32 $0xFFFF9C00  }
0x37c: {  	[hbm4b:s31+s2] =	stream.linear.scatter [tilespmem:s5], [sflag:$0x9], $0x6680, $0x38;
	[tilespmem:$0x1A000] =	vst v63  }
0x37d: {  	_ =	swait.ge [sflag:s10], $0x6680  }
0x37e: {  	s1 =	sld [smem:$0x7F3]  }
0x37f: {  	[sflag:s10] =	ssyncset.done $0x0  }
0x380: {  	[sflag:s10] =	ssyncadd.s32 $0xFFFF9980  }
0x381: {  	[tilespmem:s26], [sflag:$0x4] =	stream.linear.gather [hbm4b:s1+s2], $0x6400, $0x38;
	[tilespmem:$0x1A000] =	vst v63  }
0x382: {  	_ =	swait.ge [sflag:s24], $0x6400  }
0x383: {  	s30 =	sld [smem:$0x7F4]  }
0x384: {  	[sflag:s24] =	ssyncset.done $0x0  }
0x385: {  	[sflag:s24] =	ssyncadd.s32 $0xFFFF9C00  }
0x386: {  	[hbm4b:s30+s2] =	stream.linear.scatter [tilespmem:s2], [sflag:$0x6], $0x6680, $0x38;
	[tilespmem:$0x1A000] =	vst v63  }
0x387: {  	_ =	swait.ge [sflag:s8], $0x6680  }
0x388: {  	s31 =	sld [smem:$0x7F5]  }
0x389: {  	[sflag:s8] =	ssyncset.done $0x0  }
0x38a: {  	[sflag:s8] =	ssyncadd.s32 $0xFFFF9980  }
0x38b: {  	[tilespmem:s22], [sflag:$0x5] =	stream.linear.gather [hbm4b:s31+s2], $0x6400, $0x38;
	[tilespmem:$0x1A000] =	vst v63  }
0x38c: {  	_ =	swait.ge [sflag:s19], $0x6400  }
0x38d: {  	s1 =	sld [smem:$0x7F6]  }
0x38e: {  	[sflag:s19] =	ssyncset.done $0x0  }
0x38f: {  	[sflag:s19] =	ssyncadd.s32 $0xFFFF9C00  }
0x390: {  	[hbm4b:s1+s2] =	stream.linear.scatter [tilespmem:s12], [sflag:$0x7], $0x6680, $0x38;
	[tilespmem:$0x1A000] =	vst v63  }
0x391: {  	_ =	swait.ge [sflag:s20], $0x6680  }
0x392: {  	s30 =	sld [smem:$0x7F7]  }
0x393: {  	[sflag:s20] =	ssyncset.done $0x0  }
0x394: {  	[sflag:s20] =	ssyncadd.s32 $0xFFFF9980  }
0x395: {  	[tilespmem:s29], [sflag:$0x2] =	stream.linear.gather [hbm4b:s30+s2], $0x6400, $0x38;
	[tilespmem:$0x1A000] =	vst v63  }
0x396: {  	_ =	swait.ge [sflag:s17], $0x6400  }
0x397: {  	s31 =	sld [smem:$0x7F8]  }
0x398: {  	[sflag:s17] =	ssyncset.done $0x0  }
0x399: {  	[sflag:s17] =	ssyncadd.s32 $0xFFFF9C00  }
0x39a: {  	[hbm4b:s31+s2] =	stream.linear.scatter [tilespmem:s7], [sflag:$0x8], $0x6680, $0x38;
	[tilespmem:$0x1A000] =	vst v63  }
0x39b: {  	_ =	swait.ge [sflag:s15], $0x6680  }
0x39c: {  	s1 =	sld [smem:$0x7F9]  }
0x39d: {  	[sflag:s15] =	ssyncset.done $0x0  }
0x39e: {  	[sflag:s15] =	ssyncadd.s32 $0xFFFF9980  }
0x39f: {  	[tilespmem:s28], [sflag:$0x3] =	stream.linear.gather [hbm4b:s1+s2], $0x6400, $0x38;
	[tilespmem:$0x1A000] =	vst v63  }
0x3a0: {  	_ =	swait.ge [sflag:s13], $0x6400  }
0x3a1: {  	s30 =	sld [smem:$0x7FA]  }
0x3a2: {  	[sflag:s13] =	ssyncset.done $0x0  }
0x3a3: {  	[sflag:s13] =	ssyncadd.s32 $0xFFFF9C00  }
0x3a4: {  	[hbm4b:s30+s2] =	stream.linear.scatter [tilespmem:s5], [sflag:$0x9], $0x6680, $0x38;
	[tilespmem:$0x1A000] =	vst v63  }
0x3a5: {  	_ =	swait.ge [sflag:s10], $0x6680  }
0x3a6: {  	s31 =	sld [smem:$0x7FB]  }
0x3a7: {  	[sflag:s10] =	ssyncset.done $0x0  }
0x3a8: {  	[sflag:s10] =	ssyncadd.s32 $0xFFFF9980  }
0x3a9: {  	[tilespmem:s26], [sflag:$0x4] =	stream.linear.gather [hbm4b:s31+s2], $0x6400, $0x38;
	[tilespmem:$0x1A000] =	vst v63  }
0x3aa: {  	_ =	swait.ge [sflag:s24], $0x6400  }
0x3ab: {  	s1 =	sld [smem:$0x7FC]  }
0x3ac: {  	[sflag:s24] =	ssyncset.done $0x0  }
0x3ad: {  	[sflag:s24] =	ssyncadd.s32 $0xFFFF9C00  }
0x3ae: {  	[hbm4b:s1+s2] =	stream.linear.scatter [tilespmem:s2], [sflag:$0x6], $0x6680, $0x38;
	[tilespmem:$0x1A000] =	vst v63  }
0x3af: {  	_ =	swait.ge [sflag:s8], $0x6680  }
0x3b0: {  	s30 =	sld [smem:$0x7FD]  }
0x3b1: {  	[sflag:s8] =	ssyncset.done $0x0  }
0x3b2: {  	[sflag:s8] =	ssyncadd.s32 $0xFFFF9980  }
0x3b3: {  	[tilespmem:s22], [sflag:$0x5] =	stream.linear.gather [hbm4b:s30+s2], $0x6400, $0x38;
	[tilespmem:$0x1A000] =	vst v63  }
0x3b4: {  	_ =	swait.ge [sflag:s19], $0x6400  }
0x3b5: {  	[sflag:s19] =	ssyncset.done $0x0  }
0x3b6: {  	[sflag:s19] =	ssyncadd.s32 $0xFFFF9C00  }
0x3b7: {  	[hbm4b:s25+s2] =	stream.linear.scatter [tilespmem:s12], [sflag:$0x7], $0x6680, $0x38;
	[tilespmem:$0x1A000] =	vst v63  }
0x3b8: {  	_ =	swait.ge [sflag:s20], $0x6680  }
0x3b9: {  	[sflag:s20] =	ssyncset.done $0x0  }
0x3ba: {  	[sflag:s20] =	ssyncadd.s32 $0xFFFF9980  }
0x3bb: {  	[tilespmem:s29], [sflag:$0x2] =	stream.linear.gather [hbm4b:s23+s2], $0x6400, $0x38;
	[tilespmem:$0x1A000] =	vst v63  }
0x3bc: {  	_ =	swait.ge [sflag:s17], $0x6400  }
0x3bd: {  	[sflag:s17] =	ssyncset.done $0x0  }
0x3be: {  	[sflag:s17] =	ssyncadd.s32 $0xFFFF9C00  }
0x3bf: {  	[hbm4b:s21+s2] =	stream.linear.scatter [tilespmem:s7], [sflag:$0x8], $0x6680, $0x38;
	[tilespmem:$0x1A000] =	vst v63  }
0x3c0: {  	_ =	swait.ge [sflag:s15], $0x6680  }
0x3c1: {  	[sflag:s15] =	ssyncset.done $0x0  }
0x3c2: {  	[sflag:s15] =	ssyncadd.s32 $0xFFFF9980  }
0x3c3: {  	[tilespmem:s28], [sflag:$0x3] =	stream.linear.gather [hbm4b:s18+s2], $0x6400, $0x38;
	[tilespmem:$0x1A000] =	vst v63  }
0x3c4: {  	_ =	swait.ge [sflag:s13], $0x6400  }
0x3c5: {  	[sflag:s13] =	ssyncset.done $0x0  }
0x3c6: {  	[sflag:s13] =	ssyncadd.s32 $0xFFFF9C00  }
0x3c7: {  	[hbm4b:s16+s2] =	stream.linear.scatter [tilespmem:s5], [sflag:$0x9], $0x6680, $0x38;
	[tilespmem:$0x1A000] =	vst v63  }
0x3c8: {  	_ =	swait.ge [sflag:s10], $0x6680  }
0x3c9: {  	[sflag:s10] =	ssyncset.done $0x0  }
0x3ca: {  	[sflag:s10] =	ssyncadd.s32 $0xFFFF9980  }
0x3cb: {  	[tilespmem:s26], [sflag:$0x4] =	stream.linear.gather [hbm4b:s14+s2], $0x6400, $0x38;
	[tilespmem:$0x1A000] =	vst v63  }
0x3cc: {  	_ =	swait.ge [sflag:s24], $0x6400  }
0x3cd: {  	[sflag:s24] =	ssyncset.done $0x0  }
0x3ce: {  	[sflag:s24] =	ssyncadd.s32 $0xFFFF9C00  }
0x3cf: {  	[hbm4b:s11+s2] =	stream.linear.scatter [tilespmem:s2], [sflag:$0x6], $0x6680, $0x38;
	[tilespmem:$0x1A000] =	vst v63  }
0x3d0: {  	_ =	swait.ge [sflag:s8], $0x6680  }
0x3d1: {  	[sflag:s8] =	ssyncset.done $0x0  }
0x3d2: {  	[sflag:s8] =	ssyncadd.s32 $0xFFFF9980  }
0x3d3: {  	[tilespmem:s22], [sflag:$0x5] =	stream.linear.gather [hbm4b:s9+s2], $0x6400, $0x38;
	[tilespmem:$0x1A000] =	vst v63  }
0x3d4: {  	_ =	swait.ge [sflag:s19], $0x6400  }
0x3d5: {  	[sflag:s19] =	ssyncset.done $0x0  }
0x3d6: {  	[sflag:s19] =	ssyncadd.s32 $0xFFFF9C00  }
0x3d7: {  	[hbm4b:s6+s2] =	stream.linear.scatter [tilespmem:s12], [sflag:$0x7], $0x6680, $0x38;
	[tilespmem:$0x1A000] =	vst v63  }
0x3d8: {  	_ =	swait.ge [sflag:s20], $0x6680  }
0x3d9: {  	[sflag:s20] =	ssyncset.done $0x0  }
0x3da: {  	[sflag:s20] =	ssyncadd.s32 $0xFFFF9980  }
0x3db: {  	_ =	swait.ge [sflag:s17], $0x6400  }
0x3dc: {  	[sflag:s17] =	ssyncset.done $0x0  }
0x3dd: {  	[sflag:s17] =	ssyncadd.s32 $0xFFFF9C00  }
0x3de: {  	[hbm4b:s4+s2] =	stream.linear.scatter [tilespmem:s7], [sflag:$0x8], $0x6680, $0x38;
	[tilespmem:$0x1A000] =	vst v63  }
0x3df: {  	_ =	swait.ge [sflag:s15], $0x6680  }
0x3e0: {  	[sflag:s15] =	ssyncset.done $0x0  }
0x3e1: {  	[sflag:s15] =	ssyncadd.s32 $0xFFFF9980  }
0x3e2: {  	_ =	swait.ge [sflag:s13], $0x6400  }
0x3e3: {  	[sflag:s13] =	ssyncset.done $0x0  }
0x3e4: {  	[sflag:s13] =	ssyncadd.s32 $0xFFFF9C00  }
0x3e5: {  	[hbm4b:s3+s2] =	stream.linear.scatter [tilespmem:s5], [sflag:$0x9], $0x6680, $0x38;
	[tilespmem:$0x1A000] =	vst v63  }
0x3e6: {  	_ =	swait.ge [sflag:s10], $0x6680  }
0x3e7: {  	[sflag:s10] =	ssyncset.done $0x0  }
0x3e8: {  	[sflag:s10] =	ssyncadd.s32 $0xFFFF9980  }
0x3e9: {  	_ =	swait.ge [sflag:s8], $0x6680  }
0x3ea: {  	[sflag:s8] =	ssyncset.done $0x0  }
0x3eb: {  	[sflag:s8] =	ssyncadd.s32 $0xFFFF9980  }
0x3ec: {  	_ =	sfence.sel $0x180000  }
0x3ed: {  	[bflag:$0x0] =	sbarrier.arrive $0xFFFF  }
0x3ee: {  	_ =	strace $0x90000047  }
0x3ef: {  	s31 =	stileid.u32;
	[bflag:$0x2] =	sbarrier.arrive $0xFFFF  }
0x3f0: {  	p0 =	sne.s32 s31, $0x0;
	s0 =	rddreg [dreg:$0x3]  }
0x3f1: {  	s0 =	sadd.s32 @!p0 $0x100000, s0  }
0x3f2: {  	[sflag:s0] =	ssyncadd.tile.s32 @!p0 $0x1;
	_ =	shalt  }
.LBB2_2:
.Ltmp3:
0x3f3: {  	(pc) =	sbr.rel .LBB2_5-.Ltmp3, $2  }
0x3f4: {  	_ =	sdelay $0x2  }
0x3f5: {  	s30 =	rddreg [dreg:$0x1]  }
.Lfunc_end2:
_tile_overlayer_lowered:
.L_overlay_start_2:
0x3f6: {  	(tag) =	ssettag $0x2  }
0x3f7: {  	s0 =	rddreg [dreg:$0x0];
	s2 =	stileid.u32  }
0x3f8: {  	s1 =	rddreg [dreg:$0x1];
	p0 =	sne.s32 s2, $0x0  }
0x3f9: {  	s3 =	rddreg [dreg:$0x2];
	[bflag:$0x3] =	sbarrier.arrive $0xFFFF;
	s2 =	simm.s32 @!p0 $0x1C0A  }
0x3fa: {  	[timem:s3], [sflag:s2] =	dma.local @!p0 [hbm:s0], s1  }
0x3fb: {  	s0 =	simm.s32 @!p0 $0xA  }
0x3fc: {  	_ =	swait.ge @!p0 [sflag:s0], s1  }
0x3fd: {  	s1 =	ssub.s32 @!p0 $0x0, s1;
	[sflag:s0] =	ssyncset.done @!p0 $0x0  }
0x3fe: {  	[sflag:s0] =	ssyncadd.s32 @!p0 s1  }
0x3ff: {  	[bflag:$0x3] =	sbarrier.arrive $0xFFFF  }
0x400: {  	_ =	shalt  }

</sc_bundles>
